<compile_context>
chip_gen: v7x
topology: tpu7x:2x2x1
jax: 0.10.2.dev20260603
libtpu: 0.0.44.dev20260713+nightly
codegen_flags: <defaults>
</compile_context>

<pallas_src>
import functools

import jax
import jax.numpy as jnp
from jax import lax
from jax.experimental import pallas as pl
from jax.experimental.pallas import tpu as pltpu
from jax.experimental.pallas import tpu_sc as plsc

N = 10000
D = 128
F = 16
E = 320000
NW = 32
L = 16
CE = E // NW
NG = CE // L
NPAD = ((N + NW * L - 1) // (NW * L)) * (NW * L)
SLN = NPAD // NW
SLG = SLN // L
NSL = NPAD // L


@functools.cache
def _mesh():
    return plsc.VectorSubcoreMesh(
        core_axis_name="c", subcore_axis_name="s", num_cores=2, num_subcores=16)


def _mm_body(x_ref, w_ref, b_ref, o_ref):
    h = jnp.dot(x_ref[...], w_ref[...], preferred_element_type=jnp.float32)
    hb = (h + b_ref[...]).astype(jnp.bfloat16)
    lo = lax.bitcast_convert_type(hb[:, :8], jnp.uint16).astype(jnp.uint32)
    hi = lax.bitcast_convert_type(hb[:, 8:], jnp.uint16).astype(jnp.uint32)
    o_ref[...] = (lo | (hi << 16)).astype(jnp.int32)


_mm = pl.pallas_call(
    _mm_body,
    out_shape=jax.ShapeDtypeStruct((N, 8), jnp.int32),
)


def _sigmoid(z):
    return 1.0 / (1.0 + jnp.exp(-z))


def _pair_sum(ps):
    accv = ((ps[0] + ps[1]) + (ps[2] + ps[3])) + (
        (ps[4] + ps[5]) + (ps[6] + ps[7]))
    lo, hi = plsc.unpack(accv, format=plsc.PackFormat.INTERLEAVED)
    return lo + hi


def _gather_row(tbl, a, k):
    return plsc.bitcast(
        plsc.load_gather(tbl.at[pl.ds(k * N, N)], [a]), jnp.bfloat16)


def _edge_dot(tbl, sa, da):
    ps = [_gather_row(tbl, sa, k) * _gather_row(tbl, da, k) for k in range(8)]
    return _pair_sum(ps)


def _self_dot(tbl, na):
    ps = []
    for k in range(8):
        v = _gather_row(tbl, na, k)
        ps.append(v * v)
    return _pair_sum(ps)


def _conv1_body(tbl_hbm, ei_hbm, acc_out, cnt_out,
                tbl, srcv, dstv, acc, cnt, sh_tbl, sem1, sem2, sem3):
    c = lax.axis_index("c")
    s = lax.axis_index("s")
    w = s * 2 + c
    base = w * CE

    @pl.when(s == 0)
    def _():
        pltpu.sync_copy(tbl_hbm, sh_tbl)

    cp2 = pltpu.async_copy(ei_hbm.at[pl.ds(base, CE)], srcv, sem2)
    cp3 = pltpu.async_copy(ei_hbm.at[pl.ds(E + base, CE)], dstv, sem3)

    zf = jnp.zeros((L,), jnp.float32)

    @plsc.parallel_loop(0, NPAD // L, 1, unroll=8)
    def _zb(i):
        acc[pl.ds(i * L, L)] = zf
        cnt[pl.ds(i * L, L)] = zf

    plsc.subcore_barrier()
    cp1 = pltpu.async_copy(sh_tbl, tbl, sem1)
    cp1.wait()
    cp2.wait()
    cp3.wait()

    iota = lax.iota(jnp.int32, L)
    onef = jnp.ones((L,), jnp.float32)

    @plsc.parallel_loop(0, NG, 1, unroll=4)
    def _eb(g):
        off = g * L
        sidx = srcv[pl.ds(off, L)]
        didx = dstv[pl.ds(off, L)]
        sig = _sigmoid(_edge_dot(tbl, sidx, didx))
        plsc.addupdate_scatter(acc, [didx], sig)
        plsc.addupdate_scatter(cnt, [didx], onef)

    nbase = w * SLN

    @plsc.parallel_loop(0, SLG, 1, unroll=2)
    def _sb(g):
        nid = nbase + g * L + iota
        m = nid < N
        na = jnp.minimum(nid, N - 1)
        sig = _sigmoid(_self_dot(tbl, na))
        plsc.addupdate_scatter(acc, [nid], sig, mask=m)
        plsc.addupdate_scatter(cnt, [nid], onef, mask=m)

    pltpu.sync_copy(acc, acc_out.at[w])
    pltpu.sync_copy(cnt, cnt_out.at[w])


@functools.cache
def _conv1():
    return pl.kernel(
        _conv1_body,
        out_type=(jax.ShapeDtypeStruct((NW, NPAD), jnp.float32),
                  jax.ShapeDtypeStruct((NW, NPAD), jnp.float32)),
        mesh=_mesh(),
        compiler_params=pltpu.CompilerParams(needs_layout_passes=False),
        scratch_types=[
            pltpu.VMEM((N * 8,), jnp.int32),
            pltpu.VMEM((CE,), jnp.int32),
            pltpu.VMEM((CE,), jnp.int32),
            pltpu.VMEM((NPAD,), jnp.float32),
            pltpu.VMEM((NPAD,), jnp.float32),
            pltpu.VMEM_SHARED((N * 8,), jnp.int32),
            pltpu.SemaphoreType.DMA,
            pltpu.SemaphoreType.DMA,
            pltpu.SemaphoreType.DMA,
        ],
    )


def _tree_sum(vals):
    while len(vals) > 1:
        vals = [vals[k] + vals[k + 1] for k in range(0, len(vals), 2)]
    return vals[0]


def _conv2_body(acc_hbm, cnt_hbm, ei_hbm, w2_hbm, b2_hbm,
                acc2_out,
                accs, cnts, r1s, r1, srcv, dstv, acc2, w2v, b2v, sh_r1,
                sem1, sem2, sem3):
    c = lax.axis_index("c")
    s = lax.axis_index("s")
    w = s * 2 + c

    cp1 = pltpu.async_copy(acc_hbm.at[:, pl.ds(s * NSL, NSL)], accs, sem1)
    cp2 = pltpu.async_copy(cnt_hbm.at[:, pl.ds(s * NSL, NSL)], cnts, sem2)
    cp3 = pltpu.async_copy(ei_hbm.at[pl.ds(w * CE, CE)], srcv, sem3)
    cp4 = pltpu.async_copy(ei_hbm.at[pl.ds(E + w * CE, CE)], dstv, sem3)
    pltpu.sync_copy(w2_hbm, w2v)
    pltpu.sync_copy(b2_hbm, b2v)

    zf = jnp.zeros((L,), jnp.float32)

    @plsc.parallel_loop(0, NPAD // L, 1, unroll=8)
    def _zb(i):
        acc2[pl.ds(i * L, L)] = zf

    cp1.wait()
    cp2.wait()

    @plsc.parallel_loop(0, NSL // L, 1, unroll=2)
    def _rb(i):
        at = _tree_sum([accs[j, pl.ds(i * L, L)] for j in range(NW)])
        ct = _tree_sum([cnts[j, pl.ds(i * L, L)] for j in range(NW)])
        r = jnp.maximum(at / jnp.maximum(ct, 1.0), 0.0)
        r1s[pl.ds(i * L, L)] = r

    pltpu.sync_copy(r1s, sh_r1.at[pl.ds(s * NSL, NSL)])
    plsc.subcore_barrier()
    pltpu.sync_copy(sh_r1, r1)

    wv = w2v[...]
    bv = b2v[...]
    a = jnp.sum(wv * wv)
    cc = jnp.sum(wv * bv)
    dd = jnp.sum(bv * bv)

    cp3.wait()
    cp4.wait()

    iota = lax.iota(jnp.int32, L)

    @plsc.parallel_loop(0, NG, 1, unroll=4)
    def _eb(g):
        off = g * L
        sidx = srcv[pl.ds(off, L)]
        didx = dstv[pl.ds(off, L)]
        rs = plsc.load_gather(r1, [sidx])
        rd = plsc.load_gather(r1, [didx])
        z = a * (rs * rd) + cc * (rs + rd) + dd
        plsc.addupdate_scatter(acc2, [didx], _sigmoid(z))

    nbase = w * SLN

    @plsc.parallel_loop(0, SLG, 1, unroll=2)
    def _sb(g):
        nid = nbase + g * L + iota
        m = nid < N
        r = plsc.load_gather(r1, [nid])
        z = a * (r * r) + cc * (r + r) + dd
        plsc.addupdate_scatter(acc2, [nid], _sigmoid(z), mask=m)

    pltpu.sync_copy(acc2, acc2_out.at[w])


@functools.cache
def _conv2():
    return pl.kernel(
        _conv2_body,
        out_type=jax.ShapeDtypeStruct((NW, NPAD), jnp.float32),
        mesh=_mesh(),
        compiler_params=pltpu.CompilerParams(needs_layout_passes=False),
        scratch_types=[
            pltpu.VMEM((NW, NSL), jnp.float32),
            pltpu.VMEM((NW, NSL), jnp.float32),
            pltpu.VMEM((NSL,), jnp.float32),
            pltpu.VMEM((NPAD,), jnp.float32),
            pltpu.VMEM((CE,), jnp.int32),
            pltpu.VMEM((CE,), jnp.int32),
            pltpu.VMEM((NPAD,), jnp.float32),
            pltpu.VMEM((L,), jnp.float32),
            pltpu.VMEM((L,), jnp.float32),
            pltpu.VMEM_SHARED((NPAD,), jnp.float32),
            pltpu.SemaphoreType.DMA,
            pltpu.SemaphoreType.DMA,
            pltpu.SemaphoreType.DMA,
        ],
    )


def _fin_body(a2_ref, cn_ref, o_ref):
    tot = jnp.sum(a2_ref[...], axis=0, keepdims=True)
    ctot = jnp.sum(cn_ref[...], axis=0, keepdims=True)
    h = tot / jnp.maximum(ctot, 1.0)
    o_ref[...] = h - h


_fin = pl.pallas_call(
    _fin_body,
    out_shape=jax.ShapeDtypeStruct((1, NPAD), jnp.float32),
)


def kernel(x, edge_index, W1, b1, W2, b2):
    tbl = _mm(x, W1, b1.reshape(1, F)).T.reshape(8 * N)
    eif = edge_index.reshape(2 * E)
    acc_p, cnt_p = _conv1()(tbl, eif)
    acc2_p = _conv2()(acc_p, cnt_p, eif, W2.reshape(F), b2)
    outp = _fin(acc2_p, cnt_p)
    return outp[0, :N].reshape(N, 1)

# --- scband reference (transcript-rebuilt; emitter-appended) ---
"""Pipeline reference for scband-custom-gcn-22909355557151 (READ-ONLY COPY).

The authoritative reference and input builder live on the scoring server;
editing this copy changes nothing except your own understanding.
"""

import jax, jax.numpy as jnp
import numpy as np

N = 10000
E = 320000
D = 128
H1 = 16
OUT = 16


def setup_inputs(seed: int = 0) -> dict:
    key = jax.random.key(seed)
    k1, k2, k3, k4 = jax.random.split(key, 4)
    x = jax.random.normal(k1, (N, D), dtype=jnp.float32)
    edge_index = jax.random.randint(k2, (2, E), 0, N, dtype=jnp.int32)
    W1 = jax.random.normal(k3, (D, H1), dtype=jnp.float32) * (1.0 / np.sqrt(D))
    b1 = jnp.zeros((H1,), dtype=jnp.float32)
    # NOTE: original code declares Linear(16, out_channels) for conv2, but conv1's
    # message returns a scalar edge weight per node -> conv1 output is [N, 1],
    # so conv2's linear must accept 1 input feature to be runnable.
    W2 = jax.random.normal(k4, (1, OUT), dtype=jnp.float32)
    b2 = jnp.zeros((OUT,), dtype=jnp.float32)
    return {"x": x, "edge_index": edge_index, "W1": W1, "b1": b1, "W2": W2, "b2": b2}


def _custom_conv(x, edge_index, W, b):
    n = x.shape[0]
    loops = jnp.arange(n, dtype=edge_index.dtype)
    src = jnp.concatenate([edge_index[0], loops])  # x_j indices (source->target flow)
    dst = jnp.concatenate([edge_index[1], loops])  # x_i / aggregation indices
    h = x @ W + b  # self.lin(x)
    x_j = jnp.take(h, src, axis=0)
    x_i = jnp.take(h, dst, axis=0)
    # message: custom weight = sigmoid(<x_i, x_j>), shape [E+N, 1]
    msg = jax.nn.sigmoid(jnp.sum(x_i * x_j, axis=-1, keepdims=True))
    # aggregate: scatter mean over destination nodes
    s = jax.ops.segment_sum(msg, dst, num_segments=n)
    cnt = jax.ops.segment_sum(jnp.ones((msg.shape[0], 1), dtype=msg.dtype), dst, num_segments=n)
    return s / jnp.clip(cnt, 1.0, None)


def reference(x, edge_index, W1, b1, W2, b2):
    h = _custom_conv(x, edge_index, W1, b1)
    h = jax.nn.relu(h)
    # F.dropout with training flag; inference-mode reference -> identity
    h = _custom_conv(h, edge_index, W2, b2)
    return jax.nn.log_softmax(h, axis=1)

if __name__ == "__main__":
    import jax
    _d = setup_inputs()
    print(jax.jit(kernel)(*tuple(_d.values())))

</pallas_src>

<mosaic_0001>
#map = affine_map<(d0, d1) -> (0, 0)>
#map1 = affine_map<(d0, d1) -> (0)>
module attributes {stable_mosaic.version = 14 : i64} {
  func.func @_conv2_body(%arg0: i32, %arg1: i32, %arg2: memref<32x10240xf32, #tpu.memory_space<hbm>>, %arg3: memref<32x10240xf32, #tpu.memory_space<hbm>>, %arg4: memref<640000xi32, #tpu.memory_space<hbm>>, %arg5: memref<16xf32, #tpu.memory_space<hbm>>, %arg6: memref<16xf32, #tpu.memory_space<hbm>>, %arg7: memref<32x10240xf32, #tpu.memory_space<hbm>>, %arg8: memref<32x640xf32, #tpu.memory_space<vmem>>, %arg9: memref<32x640xf32, #tpu.memory_space<vmem>>, %arg10: memref<640xf32, #tpu.memory_space<vmem>>, %arg11: memref<10240xf32, #tpu.memory_space<vmem>>, %arg12: memref<10000xi32, #tpu.memory_space<vmem>>, %arg13: memref<10000xi32, #tpu.memory_space<vmem>>, %arg14: memref<10240xf32, #tpu.memory_space<vmem>>, %arg15: memref<16xf32, #tpu.memory_space<vmem>>, %arg16: memref<16xf32, #tpu.memory_space<vmem>>, %arg17: memref<10240xf32, #tpu.memory_space<vmem_shared>>, %arg18: memref<!tpu.dma_semaphore, #tpu.memory_space<semaphore_mem>>, %arg19: memref<!tpu.dma_semaphore, #tpu.memory_space<semaphore_mem>>, %arg20: memref<!tpu.dma_semaphore, #tpu.memory_space<semaphore_mem>>) attributes {dimension_semantics = [#tpu.dimension_semantics<core_parallel>, #tpu.dimension_semantics<subcore_parallel>], iteration_bounds = array<i64: 2, 16>, scalar_prefetch = 0 : i64, scratch_operands = 13 : i64, tpu.core_type = #tpu.core_type<sc_vector_subcore>, window_params = [{transform_indices = #map}, {transform_indices = #map}, {transform_indices = #map1}, {transform_indices = #map1}, {transform_indices = #map1}, {transform_indices = #map}]} {
    %mul3A = arith.constant 2 : i32
    %mul3A_0 = arith.muli %arg1, %mul3A : i32
    %add3A = arith.addi %mul3A_0, %arg0 : i32
    %mul3A_1 = arith.constant 640 : i32
    %mul3A_2 = arith.muli %arg1, %mul3A_1 : i32
    %dma_start3A = arith.constant 0 : i32
    %dma_start3A_3 = tpu.memref_slice %arg2[%dma_start3A, %mul3A_2] : memref<32x10240xf32, #tpu.memory_space<hbm>> -> memref<32x640xf32, #tpu.memory_space<hbm>>
    %dma_start3A_4 = arith.constant 0 : i32
    %dma_start3A_5 = tpu.memref_slice %arg2[%dma_start3A_4, %mul3A_2] : memref<32x10240xf32, #tpu.memory_space<hbm>> -> memref<32x640xf32, #tpu.memory_space<hbm>>
    tpu.enqueue_dma source(%dma_start3A_5 : memref<32x640xf32, #tpu.memory_space<hbm>>) target(%arg8 : memref<32x640xf32, #tpu.memory_space<vmem>>) target_semaphore(%arg18 : memref<!tpu.dma_semaphore, #tpu.memory_space<semaphore_mem>>)
    %mul3A_6 = arith.constant 640 : i32
    %mul3A_7 = arith.muli %arg1, %mul3A_6 : i32
    %dma_start3A_8 = arith.constant 0 : i32
    %dma_start3A_9 = tpu.memref_slice %arg3[%dma_start3A_8, %mul3A_7] : memref<32x10240xf32, #tpu.memory_space<hbm>> -> memref<32x640xf32, #tpu.memory_space<hbm>>
    %dma_start3A_10 = arith.constant 0 : i32
    %dma_start3A_11 = tpu.memref_slice %arg3[%dma_start3A_10, %mul3A_7] : memref<32x10240xf32, #tpu.memory_space<hbm>> -> memref<32x640xf32, #tpu.memory_space<hbm>>
    tpu.enqueue_dma source(%dma_start3A_11 : memref<32x640xf32, #tpu.memory_space<hbm>>) target(%arg9 : memref<32x640xf32, #tpu.memory_space<vmem>>) target_semaphore(%arg19 : memref<!tpu.dma_semaphore, #tpu.memory_space<semaphore_mem>>)
    %mul3A_12 = arith.constant 10000 : i32
    %mul3A_13 = arith.muli %add3A, %mul3A_12 : i32
    %dma_start3A_14 = tpu.memref_slice %arg4[%mul3A_13] : memref<640000xi32, #tpu.memory_space<hbm>> -> memref<10000xi32, #tpu.memory_space<hbm>>
    %dma_start3A_15 = tpu.memref_slice %arg4[%mul3A_13] : memref<640000xi32, #tpu.memory_space<hbm>> -> memref<10000xi32, #tpu.memory_space<hbm>>
    tpu.enqueue_dma source(%dma_start3A_15 : memref<10000xi32, #tpu.memory_space<hbm>>) target(%arg12 : memref<10000xi32, #tpu.memory_space<vmem>>) target_semaphore(%arg20 : memref<!tpu.dma_semaphore, #tpu.memory_space<semaphore_mem>>)
    %mul3A_16 = arith.constant 10000 : i32
    %mul3A_17 = arith.muli %add3A, %mul3A_16 : i32
    %add3A_18 = arith.constant 320000 : i32
    %add3A_19 = arith.addi %add3A_18, %mul3A_17 : i32
    %dma_start3A_20 = tpu.memref_slice %arg4[%add3A_19] : memref<640000xi32, #tpu.memory_space<hbm>> -> memref<10000xi32, #tpu.memory_space<hbm>>
    %dma_start3A_21 = tpu.memref_slice %arg4[%add3A_19] : memref<640000xi32, #tpu.memory_space<hbm>> -> memref<10000xi32, #tpu.memory_space<hbm>>
    tpu.enqueue_dma source(%dma_start3A_21 : memref<10000xi32, #tpu.memory_space<hbm>>) target(%arg13 : memref<10000xi32, #tpu.memory_space<vmem>>) target_semaphore(%arg20 : memref<!tpu.dma_semaphore, #tpu.memory_space<semaphore_mem>>)
    "tpu.region"() ({
      %run_scoped3A = tpu.sem_alloc : memref<!tpu.dma_semaphore, #tpu.memory_space<semaphore_mem>>
      tpu.enqueue_dma source(%arg5 : memref<16xf32, #tpu.memory_space<hbm>>) target(%arg15 : memref<16xf32, #tpu.memory_space<vmem>>) target_semaphore(%run_scoped3A : memref<!tpu.dma_semaphore, #tpu.memory_space<semaphore_mem>>)
      tpu.wait_dma2 semaphore(%run_scoped3A : memref<!tpu.dma_semaphore, #tpu.memory_space<semaphore_mem>>) src(%arg5 : memref<16xf32, #tpu.memory_space<hbm>>) dst(%arg15 : memref<16xf32, #tpu.memory_space<vmem>>)
      tpu.yield
    }) : () -> ()
    "tpu.region"() ({
      %run_scoped3A = tpu.sem_alloc : memref<!tpu.dma_semaphore, #tpu.memory_space<semaphore_mem>>
      tpu.enqueue_dma source(%arg6 : memref<16xf32, #tpu.memory_space<hbm>>) target(%arg16 : memref<16xf32, #tpu.memory_space<vmem>>) target_semaphore(%run_scoped3A : memref<!tpu.dma_semaphore, #tpu.memory_space<semaphore_mem>>)
      tpu.wait_dma2 semaphore(%run_scoped3A : memref<!tpu.dma_semaphore, #tpu.memory_space<semaphore_mem>>) src(%arg6 : memref<16xf32, #tpu.memory_space<hbm>>) dst(%arg16 : memref<16xf32, #tpu.memory_space<vmem>>)
      tpu.yield
    }) : () -> ()
    %broadcast_in_dim3A = arith.constant 0.000000e+00 : f32
    %broadcast_in_dim3A_22 = vector.broadcast %broadcast_in_dim3A : f32 to vector<16xf32>
    %parallel_loop3A = arith.constant 0 : i32
    %parallel_loop3A_23 = arith.constant 640 : i32
    %parallel_loop3A_24 = arith.constant 1 : i32
    scf.for %parallel_loop3A_66 = %parallel_loop3A to %parallel_loop3A_23 step %parallel_loop3A_24  : i32 {
      %parallel_loop3A_67 = arith.constant 16 : i32
      %parallel_loop3A_68 = arith.muli %parallel_loop3A_66, %parallel_loop3A_67 : i32
      %parallel_loop3A_69 = arith.index_cast %parallel_loop3A_68 : i32 to index
      %parallel_loop3A_70 = tpu.vector_load %arg14[%parallel_loop3A_69] {strides = array<i32>} : memref<10240xf32, #tpu.memory_space<vmem>>, vector<16xf32>,
      tpu.vector_store %arg14[%parallel_loop3A_69], %broadcast_in_dim3A_22 {strides = array<i32>} : memref<10240xf32, #tpu.memory_space<vmem>>, vector<16xf32>,
    } {sc.loop_unroll_factor = 8 : i64, sc.parallel_access}
    %dma_wait3A = arith.constant 0 : i32
    %dma_wait3A_25 = tpu.memref_slice %arg2[%dma_wait3A, %mul3A_2] : memref<32x10240xf32, #tpu.memory_space<hbm>> -> memref<32x640xf32, #tpu.memory_space<hbm>>
    %dma_wait3A_26 = arith.constant 0 : i32
    %dma_wait3A_27 = tpu.memref_slice %arg2[%dma_wait3A_26, %mul3A_2] : memref<32x10240xf32, #tpu.memory_space<hbm>> -> memref<32x640xf32, #tpu.memory_space<hbm>>
    tpu.wait_dma2 semaphore(%arg18 : memref<!tpu.dma_semaphore, #tpu.memory_space<semaphore_mem>>) src(%dma_wait3A_27 : memref<32x640xf32, #tpu.memory_space<hbm>>) dst(%arg8 : memref<32x640xf32, #tpu.memory_space<vmem>>)
    %dma_wait3A_28 = arith.constant 0 : i32
    %dma_wait3A_29 = tpu.memref_slice %arg3[%dma_wait3A_28, %mul3A_7] : memref<32x10240xf32, #tpu.memory_space<hbm>> -> memref<32x640xf32, #tpu.memory_space<hbm>>
    %dma_wait3A_30 = arith.constant 0 : i32
    %dma_wait3A_31 = tpu.memref_slice %arg3[%dma_wait3A_30, %mul3A_7] : memref<32x10240xf32, #tpu.memory_space<hbm>> -> memref<32x640xf32, #tpu.memory_space<hbm>>
    tpu.wait_dma2 semaphore(%arg19 : memref<!tpu.dma_semaphore, #tpu.memory_space<semaphore_mem>>) src(%dma_wait3A_31 : memref<32x640xf32, #tpu.memory_space<hbm>>) dst(%arg9 : memref<32x640xf32, #tpu.memory_space<vmem>>)
    %parallel_loop3A_32 = arith.constant 0 : i32
    %parallel_loop3A_33 = arith.constant 40 : i32
    %parallel_loop3A_34 = arith.constant 1 : i32
    scf.for %parallel_loop3A_66 = %parallel_loop3A_32 to %parallel_loop3A_33 step %parallel_loop3A_34  : i32 {
      %parallel_loop3A_67 = arith.constant 16 : i32
      %parallel_loop3A_68 = arith.muli %parallel_loop3A_66, %parallel_loop3A_67 : i32
      %parallel_loop3A_69 = arith.constant 0 : i32
      %parallel_loop3A_70 = arith.index_cast %parallel_loop3A_69 : i32 to index
      %parallel_loop3A_71 = arith.index_cast %parallel_loop3A_68 : i32 to index
      %parallel_loop3A_72 = tpu.vector_load %arg8[%parallel_loop3A_70, %parallel_loop3A_71] {strides = array<i32>} : memref<32x640xf32, #tpu.memory_space<vmem>>, vector<16xf32>,
      %parallel_loop3A_73 = arith.constant 16 : i32
      %parallel_loop3A_74 = arith.muli %parallel_loop3A_66, %parallel_loop3A_73 : i32
      %parallel_loop3A_75 = arith.constant 1 : i32
      %parallel_loop3A_76 = arith.index_cast %parallel_loop3A_75 : i32 to index
      %parallel_loop3A_77 = arith.index_cast %parallel_loop3A_74 : i32 to index
      %parallel_loop3A_78 = tpu.vector_load %arg8[%parallel_loop3A_76, %parallel_loop3A_77] {strides = array<i32>} : memref<32x640xf32, #tpu.memory_space<vmem>>, vector<16xf32>,
      %parallel_loop3A_79 = arith.constant 16 : i32
      %parallel_loop3A_80 = arith.muli %parallel_loop3A_66, %parallel_loop3A_79 : i32
      %parallel_loop3A_81 = arith.constant 2 : i32
      %parallel_loop3A_82 = arith.index_cast %parallel_loop3A_81 : i32 to index
      %parallel_loop3A_83 = arith.index_cast %parallel_loop3A_80 : i32 to index
      %parallel_loop3A_84 = tpu.vector_load %arg8[%parallel_loop3A_82, %parallel_loop3A_83] {strides = array<i32>} : memref<32x640xf32, #tpu.memory_space<vmem>>, vector<16xf32>,
      %parallel_loop3A_85 = arith.constant 16 : i32
      %parallel_loop3A_86 = arith.muli %parallel_loop3A_66, %parallel_loop3A_85 : i32
      %parallel_loop3A_87 = arith.constant 3 : i32
      %parallel_loop3A_88 = arith.index_cast %parallel_loop3A_87 : i32 to index
      %parallel_loop3A_89 = arith.index_cast %parallel_loop3A_86 : i32 to index
      %parallel_loop3A_90 = tpu.vector_load %arg8[%parallel_loop3A_88, %parallel_loop3A_89] {strides = array<i32>} : memref<32x640xf32, #tpu.memory_space<vmem>>, vector<16xf32>,
      %parallel_loop3A_91 = arith.constant 16 : i32
      %parallel_loop3A_92 = arith.muli %parallel_loop3A_66, %parallel_loop3A_91 : i32
      %parallel_loop3A_93 = arith.constant 4 : i32
      %parallel_loop3A_94 = arith.index_cast %parallel_loop3A_93 : i32 to index
      %parallel_loop3A_95 = arith.index_cast %parallel_loop3A_92 : i32 to index
      %parallel_loop3A_96 = tpu.vector_load %arg8[%parallel_loop3A_94, %parallel_loop3A_95] {strides = array<i32>} : memref<32x640xf32, #tpu.memory_space<vmem>>, vector<16xf32>,
      %parallel_loop3A_97 = arith.constant 16 : i32
      %parallel_loop3A_98 = arith.muli %parallel_loop3A_66, %parallel_loop3A_97 : i32
      %parallel_loop3A_99 = arith.constant 5 : i32
      %parallel_loop3A_100 = arith.index_cast %parallel_loop3A_99 : i32 to index
      %parallel_loop3A_101 = arith.index_cast %parallel_loop3A_98 : i32 to index
      %parallel_loop3A_102 = tpu.vector_load %arg8[%parallel_loop3A_100, %parallel_loop3A_101] {strides = array<i32>} : memref<32x640xf32, #tpu.memory_space<vmem>>, vector<16xf32>,
      %parallel_loop3A_103 = arith.constant 16 : i32
      %parallel_loop3A_104 = arith.muli %parallel_loop3A_66, %parallel_loop3A_103 : i32
      %parallel_loop3A_105 = arith.constant 6 : i32
      %parallel_loop3A_106 = arith.index_cast %parallel_loop3A_105 : i32 to index
      %parallel_loop3A_107 = arith.index_cast %parallel_loop3A_104 : i32 to index
      %parallel_loop3A_108 = tpu.vector_load %arg8[%parallel_loop3A_106, %parallel_loop3A_107] {strides = array<i32>} : memref<32x640xf32, #tpu.memory_space<vmem>>, vector<16xf32>,
      %parallel_loop3A_109 = arith.constant 16 : i32
      %parallel_loop3A_110 = arith.muli %parallel_loop3A_66, %parallel_loop3A_109 : i32
      %parallel_loop3A_111 = arith.constant 7 : i32
      %parallel_loop3A_112 = arith.index_cast %parallel_loop3A_111 : i32 to index
      %parallel_loop3A_113 = arith.index_cast %parallel_loop3A_110 : i32 to index
      %parallel_loop3A_114 = tpu.vector_load %arg8[%parallel_loop3A_112, %parallel_loop3A_113] {strides = array<i32>} : memref<32x640xf32, #tpu.memory_space<vmem>>, vector<16xf32>,
      %parallel_loop3A_115 = arith.constant 16 : i32
      %parallel_loop3A_116 = arith.muli %parallel_loop3A_66, %parallel_loop3A_115 : i32
      %parallel_loop3A_117 = arith.constant 8 : i32
      %parallel_loop3A_118 = arith.index_cast %parallel_loop3A_117 : i32 to index
      %parallel_loop3A_119 = arith.index_cast %parallel_loop3A_116 : i32 to index
      %parallel_loop3A_120 = tpu.vector_load %arg8[%parallel_loop3A_118, %parallel_loop3A_119] {strides = array<i32>} : memref<32x640xf32, #tpu.memory_space<vmem>>, vector<16xf32>,
      %parallel_loop3A_121 = arith.constant 16 : i32
      %parallel_loop3A_122 = arith.muli %parallel_loop3A_66, %parallel_loop3A_121 : i32
      %parallel_loop3A_123 = arith.constant 9 : i32
      %parallel_loop3A_124 = arith.index_cast %parallel_loop3A_123 : i32 to index
      %parallel_loop3A_125 = arith.index_cast %parallel_loop3A_122 : i32 to index
      %parallel_loop3A_126 = tpu.vector_load %arg8[%parallel_loop3A_124, %parallel_loop3A_125] {strides = array<i32>} : memref<32x640xf32, #tpu.memory_space<vmem>>, vector<16xf32>,
      %parallel_loop3A_127 = arith.constant 16 : i32
      %parallel_loop3A_128 = arith.muli %parallel_loop3A_66, %parallel_loop3A_127 : i32
      %parallel_loop3A_129 = arith.constant 10 : i32
      %parallel_loop3A_130 = arith.index_cast %parallel_loop3A_129 : i32 to index
      %parallel_loop3A_131 = arith.index_cast %parallel_loop3A_128 : i32 to index
      %parallel_loop3A_132 = tpu.vector_load %arg8[%parallel_loop3A_130, %parallel_loop3A_131] {strides = array<i32>} : memref<32x640xf32, #tpu.memory_space<vmem>>, vector<16xf32>,
      %parallel_loop3A_133 = arith.constant 16 : i32
      %parallel_loop3A_134 = arith.muli %parallel_loop3A_66, %parallel_loop3A_133 : i32
      %parallel_loop3A_135 = arith.constant 11 : i32
      %parallel_loop3A_136 = arith.index_cast %parallel_loop3A_135 : i32 to index
      %parallel_loop3A_137 = arith.index_cast %parallel_loop3A_134 : i32 to index
      %parallel_loop3A_138 = tpu.vector_load %arg8[%parallel_loop3A_136, %parallel_loop3A_137] {strides = array<i32>} : memref<32x640xf32, #tpu.memory_space<vmem>>, vector<16xf32>,
      %parallel_loop3A_139 = arith.constant 16 : i32
      %parallel_loop3A_140 = arith.muli %parallel_loop3A_66, %parallel_loop3A_139 : i32
      %parallel_loop3A_141 = arith.constant 12 : i32
      %parallel_loop3A_142 = arith.index_cast %parallel_loop3A_141 : i32 to index
      %parallel_loop3A_143 = arith.index_cast %parallel_loop3A_140 : i32 to index
      %parallel_loop3A_144 = tpu.vector_load %arg8[%parallel_loop3A_142, %parallel_loop3A_143] {strides = array<i32>} : memref<32x640xf32, #tpu.memory_space<vmem>>, vector<16xf32>,
      %parallel_loop3A_145 = arith.constant 16 : i32
      %parallel_loop3A_146 = arith.muli %parallel_loop3A_66, %parallel_loop3A_145 : i32
      %parallel_loop3A_147 = arith.constant 13 : i32
      %parallel_loop3A_148 = arith.index_cast %parallel_loop3A_147 : i32 to index
      %parallel_loop3A_149 = arith.index_cast %parallel_loop3A_146 : i32 to index
      %parallel_loop3A_150 = tpu.vector_load %arg8[%parallel_loop3A_148, %parallel_loop3A_149] {strides = array<i32>} : memref<32x640xf32, #tpu.memory_space<vmem>>, vector<16xf32>,
      %parallel_loop3A_151 = arith.constant 16 : i32
      %parallel_loop3A_152 = arith.muli %parallel_loop3A_66, %parallel_loop3A_151 : i32
      %parallel_loop3A_153 = arith.constant 14 : i32
      %parallel_loop3A_154 = arith.index_cast %parallel_loop3A_153 : i32 to index
      %parallel_loop3A_155 = arith.index_cast %parallel_loop3A_152 : i32 to index
      %parallel_loop3A_156 = tpu.vector_load %arg8[%parallel_loop3A_154, %parallel_loop3A_155] {strides = array<i32>} : memref<32x640xf32, #tpu.memory_space<vmem>>, vector<16xf32>,
      %parallel_loop3A_157 = arith.constant 16 : i32
      %parallel_loop3A_158 = arith.muli %parallel_loop3A_66, %parallel_loop3A_157 : i32
      %parallel_loop3A_159 = arith.constant 15 : i32
      %parallel_loop3A_160 = arith.index_cast %parallel_loop3A_159 : i32 to index
      %parallel_loop3A_161 = arith.index_cast %parallel_loop3A_158 : i32 to index
      %parallel_loop3A_162 = tpu.vector_load %arg8[%parallel_loop3A_160, %parallel_loop3A_161] {strides = array<i32>} : memref<32x640xf32, #tpu.memory_space<vmem>>, vector<16xf32>,
      %parallel_loop3A_163 = arith.constant 16 : i32
      %parallel_loop3A_164 = arith.muli %parallel_loop3A_66, %parallel_loop3A_163 : i32
      %parallel_loop3A_165 = arith.constant 16 : i32
      %parallel_loop3A_166 = arith.index_cast %parallel_loop3A_165 : i32 to index
      %parallel_loop3A_167 = arith.index_cast %parallel_loop3A_164 : i32 to index
      %parallel_loop3A_168 = tpu.vector_load %arg8[%parallel_loop3A_166, %parallel_loop3A_167] {strides = array<i32>} : memref<32x640xf32, #tpu.memory_space<vmem>>, vector<16xf32>,
      %parallel_loop3A_169 = arith.constant 16 : i32
      %parallel_loop3A_170 = arith.muli %parallel_loop3A_66, %parallel_loop3A_169 : i32
      %parallel_loop3A_171 = arith.constant 17 : i32
      %parallel_loop3A_172 = arith.index_cast %parallel_loop3A_171 : i32 to index
      %parallel_loop3A_173 = arith.index_cast %parallel_loop3A_170 : i32 to index
      %parallel_loop3A_174 = tpu.vector_load %arg8[%parallel_loop3A_172, %parallel_loop3A_173] {strides = array<i32>} : memref<32x640xf32, #tpu.memory_space<vmem>>, vector<16xf32>,
      %parallel_loop3A_175 = arith.constant 16 : i32
      %parallel_loop3A_176 = arith.muli %parallel_loop3A_66, %parallel_loop3A_175 : i32
      %parallel_loop3A_177 = arith.constant 18 : i32
      %parallel_loop3A_178 = arith.index_cast %parallel_loop3A_177 : i32 to index
      %parallel_loop3A_179 = arith.index_cast %parallel_loop3A_176 : i32 to index
      %parallel_loop3A_180 = tpu.vector_load %arg8[%parallel_loop3A_178, %parallel_loop3A_179] {strides = array<i32>} : memref<32x640xf32, #tpu.memory_space<vmem>>, vector<16xf32>,
      %parallel_loop3A_181 = arith.constant 16 : i32
      %parallel_loop3A_182 = arith.muli %parallel_loop3A_66, %parallel_loop3A_181 : i32
      %parallel_loop3A_183 = arith.constant 19 : i32
      %parallel_loop3A_184 = arith.index_cast %parallel_loop3A_183 : i32 to index
      %parallel_loop3A_185 = arith.index_cast %parallel_loop3A_182 : i32 to index
      %parallel_loop3A_186 = tpu.vector_load %arg8[%parallel_loop3A_184, %parallel_loop3A_185] {strides = array<i32>} : memref<32x640xf32, #tpu.memory_space<vmem>>, vector<16xf32>,
      %parallel_loop3A_187 = arith.constant 16 : i32
      %parallel_loop3A_188 = arith.muli %parallel_loop3A_66, %parallel_loop3A_187 : i32
      %parallel_loop3A_189 = arith.constant 20 : i32
      %parallel_loop3A_190 = arith.index_cast %parallel_loop3A_189 : i32 to index
      %parallel_loop3A_191 = arith.index_cast %parallel_loop3A_188 : i32 to index
      %parallel_loop3A_192 = tpu.vector_load %arg8[%parallel_loop3A_190, %parallel_loop3A_191] {strides = array<i32>} : memref<32x640xf32, #tpu.memory_space<vmem>>, vector<16xf32>,
      %parallel_loop3A_193 = arith.constant 16 : i32
      %parallel_loop3A_194 = arith.muli %parallel_loop3A_66, %parallel_loop3A_193 : i32
      %parallel_loop3A_195 = arith.constant 21 : i32
      %parallel_loop3A_196 = arith.index_cast %parallel_loop3A_195 : i32 to index
      %parallel_loop3A_197 = arith.index_cast %parallel_loop3A_194 : i32 to index
      %parallel_loop3A_198 = tpu.vector_load %arg8[%parallel_loop3A_196, %parallel_loop3A_197] {strides = array<i32>} : memref<32x640xf32, #tpu.memory_space<vmem>>, vector<16xf32>,
      %parallel_loop3A_199 = arith.constant 16 : i32
      %parallel_loop3A_200 = arith.muli %parallel_loop3A_66, %parallel_loop3A_199 : i32
      %parallel_loop3A_201 = arith.constant 22 : i32
      %parallel_loop3A_202 = arith.index_cast %parallel_loop3A_201 : i32 to index
      %parallel_loop3A_203 = arith.index_cast %parallel_loop3A_200 : i32 to index
      %parallel_loop3A_204 = tpu.vector_load %arg8[%parallel_loop3A_202, %parallel_loop3A_203] {strides = array<i32>} : memref<32x640xf32, #tpu.memory_space<vmem>>, vector<16xf32>,
      %parallel_loop3A_205 = arith.constant 16 : i32
      %parallel_loop3A_206 = arith.muli %parallel_loop3A_66, %parallel_loop3A_205 : i32
      %parallel_loop3A_207 = arith.constant 23 : i32
      %parallel_loop3A_208 = arith.index_cast %parallel_loop3A_207 : i32 to index
      %parallel_loop3A_209 = arith.index_cast %parallel_loop3A_206 : i32 to index
      %parallel_loop3A_210 = tpu.vector_load %arg8[%parallel_loop3A_208, %parallel_loop3A_209] {strides = array<i32>} : memref<32x640xf32, #tpu.memory_space<vmem>>, vector<16xf32>,
      %parallel_loop3A_211 = arith.constant 16 : i32
      %parallel_loop3A_212 = arith.muli %parallel_loop3A_66, %parallel_loop3A_211 : i32
      %parallel_loop3A_213 = arith.constant 24 : i32
      %parallel_loop3A_214 = arith.index_cast %parallel_loop3A_213 : i32 to index
      %parallel_loop3A_215 = arith.index_cast %parallel_loop3A_212 : i32 to index
      %parallel_loop3A_216 = tpu.vector_load %arg8[%parallel_loop3A_214, %parallel_loop3A_215] {strides = array<i32>} : memref<32x640xf32, #tpu.memory_space<vmem>>, vector<16xf32>,
      %parallel_loop3A_217 = arith.constant 16 : i32
      %parallel_loop3A_218 = arith.muli %parallel_loop3A_66, %parallel_loop3A_217 : i32
      %parallel_loop3A_219 = arith.constant 25 : i32
      %parallel_loop3A_220 = arith.index_cast %parallel_loop3A_219 : i32 to index
      %parallel_loop3A_221 = arith.index_cast %parallel_loop3A_218 : i32 to index
      %parallel_loop3A_222 = tpu.vector_load %arg8[%parallel_loop3A_220, %parallel_loop3A_221] {strides = array<i32>} : memref<32x640xf32, #tpu.memory_space<vmem>>, vector<16xf32>,
      %parallel_loop3A_223 = arith.constant 16 : i32
      %parallel_loop3A_224 = arith.muli %parallel_loop3A_66, %parallel_loop3A_223 : i32
      %parallel_loop3A_225 = arith.constant 26 : i32
      %parallel_loop3A_226 = arith.index_cast %parallel_loop3A_225 : i32 to index
      %parallel_loop3A_227 = arith.index_cast %parallel_loop3A_224 : i32 to index
      %parallel_loop3A_228 = tpu.vector_load %arg8[%parallel_loop3A_226, %parallel_loop3A_227] {strides = array<i32>} : memref<32x640xf32, #tpu.memory_space<vmem>>, vector<16xf32>,
      %parallel_loop3A_229 = arith.constant 16 : i32
      %parallel_loop3A_230 = arith.muli %parallel_loop3A_66, %parallel_loop3A_229 : i32
      %parallel_loop3A_231 = arith.constant 27 : i32
      %parallel_loop3A_232 = arith.index_cast %parallel_loop3A_231 : i32 to index
      %parallel_loop3A_233 = arith.index_cast %parallel_loop3A_230 : i32 to index
      %parallel_loop3A_234 = tpu.vector_load %arg8[%parallel_loop3A_232, %parallel_loop3A_233] {strides = array<i32>} : memref<32x640xf32, #tpu.memory_space<vmem>>, vector<16xf32>,
      %parallel_loop3A_235 = arith.constant 16 : i32
      %parallel_loop3A_236 = arith.muli %parallel_loop3A_66, %parallel_loop3A_235 : i32
      %parallel_loop3A_237 = arith.constant 28 : i32
      %parallel_loop3A_238 = arith.index_cast %parallel_loop3A_237 : i32 to index
      %parallel_loop3A_239 = arith.index_cast %parallel_loop3A_236 : i32 to index
      %parallel_loop3A_240 = tpu.vector_load %arg8[%parallel_loop3A_238, %parallel_loop3A_239] {strides = array<i32>} : memref<32x640xf32, #tpu.memory_space<vmem>>, vector<16xf32>,
      %parallel_loop3A_241 = arith.constant 16 : i32
      %parallel_loop3A_242 = arith.muli %parallel_loop3A_66, %parallel_loop3A_241 : i32
      %parallel_loop3A_243 = arith.constant 29 : i32
      %parallel_loop3A_244 = arith.index_cast %parallel_loop3A_243 : i32 to index
      %parallel_loop3A_245 = arith.index_cast %parallel_loop3A_242 : i32 to index
      %parallel_loop3A_246 = tpu.vector_load %arg8[%parallel_loop3A_244, %parallel_loop3A_245] {strides = array<i32>} : memref<32x640xf32, #tpu.memory_space<vmem>>, vector<16xf32>,
      %parallel_loop3A_247 = arith.constant 16 : i32
      %parallel_loop3A_248 = arith.muli %parallel_loop3A_66, %parallel_loop3A_247 : i32
      %parallel_loop3A_249 = arith.constant 30 : i32
      %parallel_loop3A_250 = arith.index_cast %parallel_loop3A_249 : i32 to index
      %parallel_loop3A_251 = arith.index_cast %parallel_loop3A_248 : i32 to index
      %parallel_loop3A_252 = tpu.vector_load %arg8[%parallel_loop3A_250, %parallel_loop3A_251] {strides = array<i32>} : memref<32x640xf32, #tpu.memory_space<vmem>>, vector<16xf32>,
      %parallel_loop3A_253 = arith.constant 16 : i32
      %parallel_loop3A_254 = arith.muli %parallel_loop3A_66, %parallel_loop3A_253 : i32
      %parallel_loop3A_255 = arith.constant 31 : i32
      %parallel_loop3A_256 = arith.index_cast %parallel_loop3A_255 : i32 to index
      %parallel_loop3A_257 = arith.index_cast %parallel_loop3A_254 : i32 to index
      %parallel_loop3A_258 = tpu.vector_load %arg8[%parallel_loop3A_256, %parallel_loop3A_257] {strides = array<i32>} : memref<32x640xf32, #tpu.memory_space<vmem>>, vector<16xf32>,
      %parallel_loop3A_259 = arith.addf %parallel_loop3A_72, %parallel_loop3A_78 : vector<16xf32>
      %parallel_loop3A_260 = arith.addf %parallel_loop3A_84, %parallel_loop3A_90 : vector<16xf32>
      %parallel_loop3A_261 = arith.addf %parallel_loop3A_96, %parallel_loop3A_102 : vector<16xf32>
      %parallel_loop3A_262 = arith.addf %parallel_loop3A_108, %parallel_loop3A_114 : vector<16xf32>
      %parallel_loop3A_263 = arith.addf %parallel_loop3A_120, %parallel_loop3A_126 : vector<16xf32>
      %parallel_loop3A_264 = arith.addf %parallel_loop3A_132, %parallel_loop3A_138 : vector<16xf32>
      %parallel_loop3A_265 = arith.addf %parallel_loop3A_144, %parallel_loop3A_150 : vector<16xf32>
      %parallel_loop3A_266 = arith.addf %parallel_loop3A_156, %parallel_loop3A_162 : vector<16xf32>
      %parallel_loop3A_267 = arith.addf %parallel_loop3A_168, %parallel_loop3A_174 : vector<16xf32>
      %parallel_loop3A_268 = arith.addf %parallel_loop3A_180, %parallel_loop3A_186 : vector<16xf32>
      %parallel_loop3A_269 = arith.addf %parallel_loop3A_192, %parallel_loop3A_198 : vector<16xf32>
      %parallel_loop3A_270 = arith.addf %parallel_loop3A_204, %parallel_loop3A_210 : vector<16xf32>
      %parallel_loop3A_271 = arith.addf %parallel_loop3A_216, %parallel_loop3A_222 : vector<16xf32>
      %parallel_loop3A_272 = arith.addf %parallel_loop3A_228, %parallel_loop3A_234 : vector<16xf32>
      %parallel_loop3A_273 = arith.addf %parallel_loop3A_240, %parallel_loop3A_246 : vector<16xf32>
      %parallel_loop3A_274 = arith.addf %parallel_loop3A_252, %parallel_loop3A_258 : vector<16xf32>
      %parallel_loop3A_275 = arith.addf %parallel_loop3A_259, %parallel_loop3A_260 : vector<16xf32>
      %parallel_loop3A_276 = arith.addf %parallel_loop3A_261, %parallel_loop3A_262 : vector<16xf32>
      %parallel_loop3A_277 = arith.addf %parallel_loop3A_263, %parallel_loop3A_264 : vector<16xf32>
      %parallel_loop3A_278 = arith.addf %parallel_loop3A_265, %parallel_loop3A_266 : vector<16xf32>
      %parallel_loop3A_279 = arith.addf %parallel_loop3A_267, %parallel_loop3A_268 : vector<16xf32>
      %parallel_loop3A_280 = arith.addf %parallel_loop3A_269, %parallel_loop3A_270 : vector<16xf32>
      %parallel_loop3A_281 = arith.addf %parallel_loop3A_271, %parallel_loop3A_272 : vector<16xf32>
      %parallel_loop3A_282 = arith.addf %parallel_loop3A_273, %parallel_loop3A_274 : vector<16xf32>
      %parallel_loop3A_283 = arith.addf %parallel_loop3A_275, %parallel_loop3A_276 : vector<16xf32>
      %parallel_loop3A_284 = arith.addf %parallel_loop3A_277, %parallel_loop3A_278 : vector<16xf32>
      %parallel_loop3A_285 = arith.addf %parallel_loop3A_279, %parallel_loop3A_280 : vector<16xf32>
      %parallel_loop3A_286 = arith.addf %parallel_loop3A_281, %parallel_loop3A_282 : vector<16xf32>
      %parallel_loop3A_287 = arith.addf %parallel_loop3A_283, %parallel_loop3A_284 : vector<16xf32>
      %parallel_loop3A_288 = arith.addf %parallel_loop3A_285, %parallel_loop3A_286 : vector<16xf32>
      %parallel_loop3A_289 = arith.addf %parallel_loop3A_287, %parallel_loop3A_288 : vector<16xf32>
      %parallel_loop3A_290 = arith.constant 16 : i32
      %parallel_loop3A_291 = arith.muli %parallel_loop3A_66, %parallel_loop3A_290 : i32
      %parallel_loop3A_292 = arith.constant 0 : i32
      %parallel_loop3A_293 = arith.index_cast %parallel_loop3A_292 : i32 to index
      %parallel_loop3A_294 = arith.index_cast %parallel_loop3A_291 : i32 to index
      %parallel_loop3A_295 = tpu.vector_load %arg9[%parallel_loop3A_293, %parallel_loop3A_294] {strides = array<i32>} : memref<32x640xf32, #tpu.memory_space<vmem>>, vector<16xf32>,
      %parallel_loop3A_296 = arith.constant 16 : i32
      %parallel_loop3A_297 = arith.muli %parallel_loop3A_66, %parallel_loop3A_296 : i32
      %parallel_loop3A_298 = arith.constant 1 : i32
      %parallel_loop3A_299 = arith.index_cast %parallel_loop3A_298 : i32 to index
      %parallel_loop3A_300 = arith.index_cast %parallel_loop3A_297 : i32 to index
      %parallel_loop3A_301 = tpu.vector_load %arg9[%parallel_loop3A_299, %parallel_loop3A_300] {strides = array<i32>} : memref<32x640xf32, #tpu.memory_space<vmem>>, vector<16xf32>,
      %parallel_loop3A_302 = arith.constant 16 : i32
      %parallel_loop3A_303 = arith.muli %parallel_loop3A_66, %parallel_loop3A_302 : i32
      %parallel_loop3A_304 = arith.constant 2 : i32
      %parallel_loop3A_305 = arith.index_cast %parallel_loop3A_304 : i32 to index
      %parallel_loop3A_306 = arith.index_cast %parallel_loop3A_303 : i32 to index
      %parallel_loop3A_307 = tpu.vector_load %arg9[%parallel_loop3A_305, %parallel_loop3A_306] {strides = array<i32>} : memref<32x640xf32, #tpu.memory_space<vmem>>, vector<16xf32>,
      %parallel_loop3A_308 = arith.constant 16 : i32
      %parallel_loop3A_309 = arith.muli %parallel_loop3A_66, %parallel_loop3A_308 : i32
      %parallel_loop3A_310 = arith.constant 3 : i32
      %parallel_loop3A_311 = arith.index_cast %parallel_loop3A_310 : i32 to index
      %parallel_loop3A_312 = arith.index_cast %parallel_loop3A_309 : i32 to index
      %parallel_loop3A_313 = tpu.vector_load %arg9[%parallel_loop3A_311, %parallel_loop3A_312] {strides = array<i32>} : memref<32x640xf32, #tpu.memory_space<vmem>>, vector<16xf32>,
      %parallel_loop3A_314 = arith.constant 16 : i32
      %parallel_loop3A_315 = arith.muli %parallel_loop3A_66, %parallel_loop3A_314 : i32
      %parallel_loop3A_316 = arith.constant 4 : i32
      %parallel_loop3A_317 = arith.index_cast %parallel_loop3A_316 : i32 to index
      %parallel_loop3A_318 = arith.index_cast %parallel_loop3A_315 : i32 to index
      %parallel_loop3A_319 = tpu.vector_load %arg9[%parallel_loop3A_317, %parallel_loop3A_318] {strides = array<i32>} : memref<32x640xf32, #tpu.memory_space<vmem>>, vector<16xf32>,
      %parallel_loop3A_320 = arith.constant 16 : i32
      %parallel_loop3A_321 = arith.muli %parallel_loop3A_66, %parallel_loop3A_320 : i32
      %parallel_loop3A_322 = arith.constant 5 : i32
      %parallel_loop3A_323 = arith.index_cast %parallel_loop3A_322 : i32 to index
      %parallel_loop3A_324 = arith.index_cast %parallel_loop3A_321 : i32 to index
      %parallel_loop3A_325 = tpu.vector_load %arg9[%parallel_loop3A_323, %parallel_loop3A_324] {strides = array<i32>} : memref<32x640xf32, #tpu.memory_space<vmem>>, vector<16xf32>,
      %parallel_loop3A_326 = arith.constant 16 : i32
      %parallel_loop3A_327 = arith.muli %parallel_loop3A_66, %parallel_loop3A_326 : i32
      %parallel_loop3A_328 = arith.constant 6 : i32
      %parallel_loop3A_329 = arith.index_cast %parallel_loop3A_328 : i32 to index
      %parallel_loop3A_330 = arith.index_cast %parallel_loop3A_327 : i32 to index
      %parallel_loop3A_331 = tpu.vector_load %arg9[%parallel_loop3A_329, %parallel_loop3A_330] {strides = array<i32>} : memref<32x640xf32, #tpu.memory_space<vmem>>, vector<16xf32>,
      %parallel_loop3A_332 = arith.constant 16 : i32
      %parallel_loop3A_333 = arith.muli %parallel_loop3A_66, %parallel_loop3A_332 : i32
      %parallel_loop3A_334 = arith.constant 7 : i32
      %parallel_loop3A_335 = arith.index_cast %parallel_loop3A_334 : i32 to index
      %parallel_loop3A_336 = arith.index_cast %parallel_loop3A_333 : i32 to index
      %parallel_loop3A_337 = tpu.vector_load %arg9[%parallel_loop3A_335, %parallel_loop3A_336] {strides = array<i32>} : memref<32x640xf32, #tpu.memory_space<vmem>>, vector<16xf32>,
      %parallel_loop3A_338 = arith.constant 16 : i32
      %parallel_loop3A_339 = arith.muli %parallel_loop3A_66, %parallel_loop3A_338 : i32
      %parallel_loop3A_340 = arith.constant 8 : i32
      %parallel_loop3A_341 = arith.index_cast %parallel_loop3A_340 : i32 to index
      %parallel_loop3A_342 = arith.index_cast %parallel_loop3A_339 : i32 to index
      %parallel_loop3A_343 = tpu.vector_load %arg9[%parallel_loop3A_341, %parallel_loop3A_342] {strides = array<i32>} : memref<32x640xf32, #tpu.memory_space<vmem>>, vector<16xf32>,
      %parallel_loop3A_344 = arith.constant 16 : i32
      %parallel_loop3A_345 = arith.muli %parallel_loop3A_66, %parallel_loop3A_344 : i32
      %parallel_loop3A_346 = arith.constant 9 : i32
      %parallel_loop3A_347 = arith.index_cast %parallel_loop3A_346 : i32 to index
      %parallel_loop3A_348 = arith.index_cast %parallel_loop3A_345 : i32 to index
      %parallel_loop3A_349 = tpu.vector_load %arg9[%parallel_loop3A_347, %parallel_loop3A_348] {strides = array<i32>} : memref<32x640xf32, #tpu.memory_space<vmem>>, vector<16xf32>,
      %parallel_loop3A_350 = arith.constant 16 : i32
      %parallel_loop3A_351 = arith.muli %parallel_loop3A_66, %parallel_loop3A_350 : i32
      %parallel_loop3A_352 = arith.constant 10 : i32
      %parallel_loop3A_353 = arith.index_cast %parallel_loop3A_352 : i32 to index
      %parallel_loop3A_354 = arith.index_cast %parallel_loop3A_351 : i32 to index
      %parallel_loop3A_355 = tpu.vector_load %arg9[%parallel_loop3A_353, %parallel_loop3A_354] {strides = array<i32>} : memref<32x640xf32, #tpu.memory_space<vmem>>, vector<16xf32>,
      %parallel_loop3A_356 = arith.constant 16 : i32
      %parallel_loop3A_357 = arith.muli %parallel_loop3A_66, %parallel_loop3A_356 : i32
      %parallel_loop3A_358 = arith.constant 11 : i32
      %parallel_loop3A_359 = arith.index_cast %parallel_loop3A_358 : i32 to index
      %parallel_loop3A_360 = arith.index_cast %parallel_loop3A_357 : i32 to index
      %parallel_loop3A_361 = tpu.vector_load %arg9[%parallel_loop3A_359, %parallel_loop3A_360] {strides = array<i32>} : memref<32x640xf32, #tpu.memory_space<vmem>>, vector<16xf32>,
      %parallel_loop3A_362 = arith.constant 16 : i32
      %parallel_loop3A_363 = arith.muli %parallel_loop3A_66, %parallel_loop3A_362 : i32
      %parallel_loop3A_364 = arith.constant 12 : i32
      %parallel_loop3A_365 = arith.index_cast %parallel_loop3A_364 : i32 to index
      %parallel_loop3A_366 = arith.index_cast %parallel_loop3A_363 : i32 to index
      %parallel_loop3A_367 = tpu.vector_load %arg9[%parallel_loop3A_365, %parallel_loop3A_366] {strides = array<i32>} : memref<32x640xf32, #tpu.memory_space<vmem>>, vector<16xf32>,
      %parallel_loop3A_368 = arith.constant 16 : i32
      %parallel_loop3A_369 = arith.muli %parallel_loop3A_66, %parallel_loop3A_368 : i32
      %parallel_loop3A_370 = arith.constant 13 : i32
      %parallel_loop3A_371 = arith.index_cast %parallel_loop3A_370 : i32 to index
      %parallel_loop3A_372 = arith.index_cast %parallel_loop3A_369 : i32 to index
      %parallel_loop3A_373 = tpu.vector_load %arg9[%parallel_loop3A_371, %parallel_loop3A_372] {strides = array<i32>} : memref<32x640xf32, #tpu.memory_space<vmem>>, vector<16xf32>,
      %parallel_loop3A_374 = arith.constant 16 : i32
      %parallel_loop3A_375 = arith.muli %parallel_loop3A_66, %parallel_loop3A_374 : i32
      %parallel_loop3A_376 = arith.constant 14 : i32
      %parallel_loop3A_377 = arith.index_cast %parallel_loop3A_376 : i32 to index
      %parallel_loop3A_378 = arith.index_cast %parallel_loop3A_375 : i32 to index
      %parallel_loop3A_379 = tpu.vector_load %arg9[%parallel_loop3A_377, %parallel_loop3A_378] {strides = array<i32>} : memref<32x640xf32, #tpu.memory_space<vmem>>, vector<16xf32>,
      %parallel_loop3A_380 = arith.constant 16 : i32
      %parallel_loop3A_381 = arith.muli %parallel_loop3A_66, %parallel_loop3A_380 : i32
      %parallel_loop3A_382 = arith.constant 15 : i32
      %parallel_loop3A_383 = arith.index_cast %parallel_loop3A_382 : i32 to index
      %parallel_loop3A_384 = arith.index_cast %parallel_loop3A_381 : i32 to index
      %parallel_loop3A_385 = tpu.vector_load %arg9[%parallel_loop3A_383, %parallel_loop3A_384] {strides = array<i32>} : memref<32x640xf32, #tpu.memory_space<vmem>>, vector<16xf32>,
      %parallel_loop3A_386 = arith.constant 16 : i32
      %parallel_loop3A_387 = arith.muli %parallel_loop3A_66, %parallel_loop3A_386 : i32
      %parallel_loop3A_388 = arith.constant 16 : i32
      %parallel_loop3A_389 = arith.index_cast %parallel_loop3A_388 : i32 to index
      %parallel_loop3A_390 = arith.index_cast %parallel_loop3A_387 : i32 to index
      %parallel_loop3A_391 = tpu.vector_load %arg9[%parallel_loop3A_389, %parallel_loop3A_390] {strides = array<i32>} : memref<32x640xf32, #tpu.memory_space<vmem>>, vector<16xf32>,
      %parallel_loop3A_392 = arith.constant 16 : i32
      %parallel_loop3A_393 = arith.muli %parallel_loop3A_66, %parallel_loop3A_392 : i32
      %parallel_loop3A_394 = arith.constant 17 : i32
      %parallel_loop3A_395 = arith.index_cast %parallel_loop3A_394 : i32 to index
      %parallel_loop3A_396 = arith.index_cast %parallel_loop3A_393 : i32 to index
      %parallel_loop3A_397 = tpu.vector_load %arg9[%parallel_loop3A_395, %parallel_loop3A_396] {strides = array<i32>} : memref<32x640xf32, #tpu.memory_space<vmem>>, vector<16xf32>,
      %parallel_loop3A_398 = arith.constant 16 : i32
      %parallel_loop3A_399 = arith.muli %parallel_loop3A_66, %parallel_loop3A_398 : i32
      %parallel_loop3A_400 = arith.constant 18 : i32
      %parallel_loop3A_401 = arith.index_cast %parallel_loop3A_400 : i32 to index
      %parallel_loop3A_402 = arith.index_cast %parallel_loop3A_399 : i32 to index
      %parallel_loop3A_403 = tpu.vector_load %arg9[%parallel_loop3A_401, %parallel_loop3A_402] {strides = array<i32>} : memref<32x640xf32, #tpu.memory_space<vmem>>, vector<16xf32>,
      %parallel_loop3A_404 = arith.constant 16 : i32
      %parallel_loop3A_405 = arith.muli %parallel_loop3A_66, %parallel_loop3A_404 : i32
      %parallel_loop3A_406 = arith.constant 19 : i32
      %parallel_loop3A_407 = arith.index_cast %parallel_loop3A_406 : i32 to index
      %parallel_loop3A_408 = arith.index_cast %parallel_loop3A_405 : i32 to index
      %parallel_loop3A_409 = tpu.vector_load %arg9[%parallel_loop3A_407, %parallel_loop3A_408] {strides = array<i32>} : memref<32x640xf32, #tpu.memory_space<vmem>>, vector<16xf32>,
      %parallel_loop3A_410 = arith.constant 16 : i32
      %parallel_loop3A_411 = arith.muli %parallel_loop3A_66, %parallel_loop3A_410 : i32
      %parallel_loop3A_412 = arith.constant 20 : i32
      %parallel_loop3A_413 = arith.index_cast %parallel_loop3A_412 : i32 to index
      %parallel_loop3A_414 = arith.index_cast %parallel_loop3A_411 : i32 to index
      %parallel_loop3A_415 = tpu.vector_load %arg9[%parallel_loop3A_413, %parallel_loop3A_414] {strides = array<i32>} : memref<32x640xf32, #tpu.memory_space<vmem>>, vector<16xf32>,
      %parallel_loop3A_416 = arith.constant 16 : i32
      %parallel_loop3A_417 = arith.muli %parallel_loop3A_66, %parallel_loop3A_416 : i32
      %parallel_loop3A_418 = arith.constant 21 : i32
      %parallel_loop3A_419 = arith.index_cast %parallel_loop3A_418 : i32 to index
      %parallel_loop3A_420 = arith.index_cast %parallel_loop3A_417 : i32 to index
      %parallel_loop3A_421 = tpu.vector_load %arg9[%parallel_loop3A_419, %parallel_loop3A_420] {strides = array<i32>} : memref<32x640xf32, #tpu.memory_space<vmem>>, vector<16xf32>,
      %parallel_loop3A_422 = arith.constant 16 : i32
      %parallel_loop3A_423 = arith.muli %parallel_loop3A_66, %parallel_loop3A_422 : i32
      %parallel_loop3A_424 = arith.constant 22 : i32
      %parallel_loop3A_425 = arith.index_cast %parallel_loop3A_424 : i32 to index
      %parallel_loop3A_426 = arith.index_cast %parallel_loop3A_423 : i32 to index
      %parallel_loop3A_427 = tpu.vector_load %arg9[%parallel_loop3A_425, %parallel_loop3A_426] {strides = array<i32>} : memref<32x640xf32, #tpu.memory_space<vmem>>, vector<16xf32>,
      %parallel_loop3A_428 = arith.constant 16 : i32
      %parallel_loop3A_429 = arith.muli %parallel_loop3A_66, %parallel_loop3A_428 : i32
      %parallel_loop3A_430 = arith.constant 23 : i32
      %parallel_loop3A_431 = arith.index_cast %parallel_loop3A_430 : i32 to index
      %parallel_loop3A_432 = arith.index_cast %parallel_loop3A_429 : i32 to index
      %parallel_loop3A_433 = tpu.vector_load %arg9[%parallel_loop3A_431, %parallel_loop3A_432] {strides = array<i32>} : memref<32x640xf32, #tpu.memory_space<vmem>>, vector<16xf32>,
      %parallel_loop3A_434 = arith.constant 16 : i32
      %parallel_loop3A_435 = arith.muli %parallel_loop3A_66, %parallel_loop3A_434 : i32
      %parallel_loop3A_436 = arith.constant 24 : i32
      %parallel_loop3A_437 = arith.index_cast %parallel_loop3A_436 : i32 to index
      %parallel_loop3A_438 = arith.index_cast %parallel_loop3A_435 : i32 to index
      %parallel_loop3A_439 = tpu.vector_load %arg9[%parallel_loop3A_437, %parallel_loop3A_438] {strides = array<i32>} : memref<32x640xf32, #tpu.memory_space<vmem>>, vector<16xf32>,
      %parallel_loop3A_440 = arith.constant 16 : i32
      %parallel_loop3A_441 = arith.muli %parallel_loop3A_66, %parallel_loop3A_440 : i32
      %parallel_loop3A_442 = arith.constant 25 : i32
      %parallel_loop3A_443 = arith.index_cast %parallel_loop3A_442 : i32 to index
      %parallel_loop3A_444 = arith.index_cast %parallel_loop3A_441 : i32 to index
      %parallel_loop3A_445 = tpu.vector_load %arg9[%parallel_loop3A_443, %parallel_loop3A_444] {strides = array<i32>} : memref<32x640xf32, #tpu.memory_space<vmem>>, vector<16xf32>,
      %parallel_loop3A_446 = arith.constant 16 : i32
      %parallel_loop3A_447 = arith.muli %parallel_loop3A_66, %parallel_loop3A_446 : i32
      %parallel_loop3A_448 = arith.constant 26 : i32
      %parallel_loop3A_449 = arith.index_cast %parallel_loop3A_448 : i32 to index
      %parallel_loop3A_450 = arith.index_cast %parallel_loop3A_447 : i32 to index
      %parallel_loop3A_451 = tpu.vector_load %arg9[%parallel_loop3A_449, %parallel_loop3A_450] {strides = array<i32>} : memref<32x640xf32, #tpu.memory_space<vmem>>, vector<16xf32>,
      %parallel_loop3A_452 = arith.constant 16 : i32
      %parallel_loop3A_453 = arith.muli %parallel_loop3A_66, %parallel_loop3A_452 : i32
      %parallel_loop3A_454 = arith.constant 27 : i32
      %parallel_loop3A_455 = arith.index_cast %parallel_loop3A_454 : i32 to index
      %parallel_loop3A_456 = arith.index_cast %parallel_loop3A_453 : i32 to index
      %parallel_loop3A_457 = tpu.vector_load %arg9[%parallel_loop3A_455, %parallel_loop3A_456] {strides = array<i32>} : memref<32x640xf32, #tpu.memory_space<vmem>>, vector<16xf32>,
      %parallel_loop3A_458 = arith.constant 16 : i32
      %parallel_loop3A_459 = arith.muli %parallel_loop3A_66, %parallel_loop3A_458 : i32
      %parallel_loop3A_460 = arith.constant 28 : i32
      %parallel_loop3A_461 = arith.index_cast %parallel_loop3A_460 : i32 to index
      %parallel_loop3A_462 = arith.index_cast %parallel_loop3A_459 : i32 to index
      %parallel_loop3A_463 = tpu.vector_load %arg9[%parallel_loop3A_461, %parallel_loop3A_462] {strides = array<i32>} : memref<32x640xf32, #tpu.memory_space<vmem>>, vector<16xf32>,
      %parallel_loop3A_464 = arith.constant 16 : i32
      %parallel_loop3A_465 = arith.muli %parallel_loop3A_66, %parallel_loop3A_464 : i32
      %parallel_loop3A_466 = arith.constant 29 : i32
      %parallel_loop3A_467 = arith.index_cast %parallel_loop3A_466 : i32 to index
      %parallel_loop3A_468 = arith.index_cast %parallel_loop3A_465 : i32 to index
      %parallel_loop3A_469 = tpu.vector_load %arg9[%parallel_loop3A_467, %parallel_loop3A_468] {strides = array<i32>} : memref<32x640xf32, #tpu.memory_space<vmem>>, vector<16xf32>,
      %parallel_loop3A_470 = arith.constant 16 : i32
      %parallel_loop3A_471 = arith.muli %parallel_loop3A_66, %parallel_loop3A_470 : i32
      %parallel_loop3A_472 = arith.constant 30 : i32
      %parallel_loop3A_473 = arith.index_cast %parallel_loop3A_472 : i32 to index
      %parallel_loop3A_474 = arith.index_cast %parallel_loop3A_471 : i32 to index
      %parallel_loop3A_475 = tpu.vector_load %arg9[%parallel_loop3A_473, %parallel_loop3A_474] {strides = array<i32>} : memref<32x640xf32, #tpu.memory_space<vmem>>, vector<16xf32>,
      %parallel_loop3A_476 = arith.constant 16 : i32
      %parallel_loop3A_477 = arith.muli %parallel_loop3A_66, %parallel_loop3A_476 : i32
      %parallel_loop3A_478 = arith.constant 31 : i32
      %parallel_loop3A_479 = arith.index_cast %parallel_loop3A_478 : i32 to index
      %parallel_loop3A_480 = arith.index_cast %parallel_loop3A_477 : i32 to index
      %parallel_loop3A_481 = tpu.vector_load %arg9[%parallel_loop3A_479, %parallel_loop3A_480] {strides = array<i32>} : memref<32x640xf32, #tpu.memory_space<vmem>>, vector<16xf32>,
      %parallel_loop3A_482 = arith.addf %parallel_loop3A_295, %parallel_loop3A_301 : vector<16xf32>
      %parallel_loop3A_483 = arith.addf %parallel_loop3A_307, %parallel_loop3A_313 : vector<16xf32>
      %parallel_loop3A_484 = arith.addf %parallel_loop3A_319, %parallel_loop3A_325 : vector<16xf32>
      %parallel_loop3A_485 = arith.addf %parallel_loop3A_331, %parallel_loop3A_337 : vector<16xf32>
      %parallel_loop3A_486 = arith.addf %parallel_loop3A_343, %parallel_loop3A_349 : vector<16xf32>
      %parallel_loop3A_487 = arith.addf %parallel_loop3A_355, %parallel_loop3A_361 : vector<16xf32>
      %parallel_loop3A_488 = arith.addf %parallel_loop3A_367, %parallel_loop3A_373 : vector<16xf32>
      %parallel_loop3A_489 = arith.addf %parallel_loop3A_379, %parallel_loop3A_385 : vector<16xf32>
      %parallel_loop3A_490 = arith.addf %parallel_loop3A_391, %parallel_loop3A_397 : vector<16xf32>
      %parallel_loop3A_491 = arith.addf %parallel_loop3A_403, %parallel_loop3A_409 : vector<16xf32>
      %parallel_loop3A_492 = arith.addf %parallel_loop3A_415, %parallel_loop3A_421 : vector<16xf32>
      %parallel_loop3A_493 = arith.addf %parallel_loop3A_427, %parallel_loop3A_433 : vector<16xf32>
      %parallel_loop3A_494 = arith.addf %parallel_loop3A_439, %parallel_loop3A_445 : vector<16xf32>
      %parallel_loop3A_495 = arith.addf %parallel_loop3A_451, %parallel_loop3A_457 : vector<16xf32>
      %parallel_loop3A_496 = arith.addf %parallel_loop3A_463, %parallel_loop3A_469 : vector<16xf32>
      %parallel_loop3A_497 = arith.addf %parallel_loop3A_475, %parallel_loop3A_481 : vector<16xf32>
      %parallel_loop3A_498 = arith.addf %parallel_loop3A_482, %parallel_loop3A_483 : vector<16xf32>
      %parallel_loop3A_499 = arith.addf %parallel_loop3A_484, %parallel_loop3A_485 : vector<16xf32>
      %parallel_loop3A_500 = arith.addf %parallel_loop3A_486, %parallel_loop3A_487 : vector<16xf32>
      %parallel_loop3A_501 = arith.addf %parallel_loop3A_488, %parallel_loop3A_489 : vector<16xf32>
      %parallel_loop3A_502 = arith.addf %parallel_loop3A_490, %parallel_loop3A_491 : vector<16xf32>
      %parallel_loop3A_503 = arith.addf %parallel_loop3A_492, %parallel_loop3A_493 : vector<16xf32>
      %parallel_loop3A_504 = arith.addf %parallel_loop3A_494, %parallel_loop3A_495 : vector<16xf32>
      %parallel_loop3A_505 = arith.addf %parallel_loop3A_496, %parallel_loop3A_497 : vector<16xf32>
      %parallel_loop3A_506 = arith.addf %parallel_loop3A_498, %parallel_loop3A_499 : vector<16xf32>
      %parallel_loop3A_507 = arith.addf %parallel_loop3A_500, %parallel_loop3A_501 : vector<16xf32>
      %parallel_loop3A_508 = arith.addf %parallel_loop3A_502, %parallel_loop3A_503 : vector<16xf32>
      %parallel_loop3A_509 = arith.addf %parallel_loop3A_504, %parallel_loop3A_505 : vector<16xf32>
      %parallel_loop3A_510 = arith.addf %parallel_loop3A_506, %parallel_loop3A_507 : vector<16xf32>
      %parallel_loop3A_511 = arith.addf %parallel_loop3A_508, %parallel_loop3A_509 : vector<16xf32>
      %parallel_loop3A_512 = arith.addf %parallel_loop3A_510, %parallel_loop3A_511 : vector<16xf32>
      %parallel_loop3A_513 = arith.constant 1.000000e+00 : f32
      %parallel_loop3A_514 = vector.broadcast %parallel_loop3A_513 : f32 to vector<16xf32>
      %parallel_loop3A_515 = arith.maximumf %parallel_loop3A_512, %parallel_loop3A_514 : vector<16xf32>
      %parallel_loop3A_516 = arith.divf %parallel_loop3A_289, %parallel_loop3A_515 : vector<16xf32>
      %parallel_loop3A_517 = arith.constant 0.000000e+00 : f32
      %parallel_loop3A_518 = vector.broadcast %parallel_loop3A_517 : f32 to vector<16xf32>
      %parallel_loop3A_519 = arith.maximumf %parallel_loop3A_516, %parallel_loop3A_518 : vector<16xf32>
      %parallel_loop3A_520 = arith.constant 16 : i32
      %parallel_loop3A_521 = arith.muli %parallel_loop3A_66, %parallel_loop3A_520 : i32
      %parallel_loop3A_522 = arith.index_cast %parallel_loop3A_521 : i32 to index
      %parallel_loop3A_523 = tpu.vector_load %arg10[%parallel_loop3A_522] {strides = array<i32>} : memref<640xf32, #tpu.memory_space<vmem>>, vector<16xf32>,
      tpu.vector_store %arg10[%parallel_loop3A_522], %parallel_loop3A_519 {strides = array<i32>} : memref<640xf32, #tpu.memory_space<vmem>>, vector<16xf32>,
    } {sc.loop_unroll_factor = 2 : i64, sc.parallel_access}
    %mul3A_35 = arith.constant 640 : i32
    %mul3A_36 = arith.muli %arg1, %mul3A_35 : i32
    "tpu.region"() ({
      %run_scoped3A = tpu.sem_alloc : memref<!tpu.dma_semaphore, #tpu.memory_space<semaphore_mem>>
      %dma_start3A_66 = tpu.memref_slice %arg17[%mul3A_36] : memref<10240xf32, #tpu.memory_space<vmem_shared>> -> memref<640xf32, #tpu.memory_space<vmem_shared>>
      %dma_start3A_67 = tpu.memref_slice %arg17[%mul3A_36] : memref<10240xf32, #tpu.memory_space<vmem_shared>> -> memref<640xf32, #tpu.memory_space<vmem_shared>>
      tpu.enqueue_dma source(%arg10 : memref<640xf32, #tpu.memory_space<vmem>>) target(%dma_start3A_67 : memref<640xf32, #tpu.memory_space<vmem_shared>>) target_semaphore(%run_scoped3A : memref<!tpu.dma_semaphore, #tpu.memory_space<semaphore_mem>>)
      %dma_wait3A_68 = tpu.memref_slice %arg17[%mul3A_36] : memref<10240xf32, #tpu.memory_space<vmem_shared>> -> memref<640xf32, #tpu.memory_space<vmem_shared>>
      %dma_wait3A_69 = tpu.memref_slice %arg17[%mul3A_36] : memref<10240xf32, #tpu.memory_space<vmem_shared>> -> memref<640xf32, #tpu.memory_space<vmem_shared>>
      tpu.wait_dma2 semaphore(%run_scoped3A : memref<!tpu.dma_semaphore, #tpu.memory_space<semaphore_mem>>) src(%arg10 : memref<640xf32, #tpu.memory_space<vmem>>) dst(%dma_wait3A_69 : memref<640xf32, #tpu.memory_space<vmem_shared>>)
      tpu.yield
    }) : () -> ()
    %barrier3A = arith.constant 0 : index
    tpu.barrier barrier_id(%barrier3A)
    "tpu.region"() ({
      %run_scoped3A = tpu.sem_alloc : memref<!tpu.dma_semaphore, #tpu.memory_space<semaphore_mem>>
      tpu.enqueue_dma source(%arg17 : memref<10240xf32, #tpu.memory_space<vmem_shared>>) target(%arg11 : memref<10240xf32, #tpu.memory_space<vmem>>) target_semaphore(%run_scoped3A : memref<!tpu.dma_semaphore, #tpu.memory_space<semaphore_mem>>)
      tpu.wait_dma2 semaphore(%run_scoped3A : memref<!tpu.dma_semaphore, #tpu.memory_space<semaphore_mem>>) src(%arg17 : memref<10240xf32, #tpu.memory_space<vmem_shared>>) dst(%arg11 : memref<10240xf32, #tpu.memory_space<vmem>>)
      tpu.yield
    }) : () -> ()
    %get3A = arith.constant 0 : index
    %get3A_37 = tpu.vector_load %arg15[%get3A] {strides = array<i32>} : memref<16xf32, #tpu.memory_space<vmem>>, vector<16xf32>,
    %get3A_38 = arith.constant 0 : index
    %get3A_39 = tpu.vector_load %arg16[%get3A_38] {strides = array<i32>} : memref<16xf32, #tpu.memory_space<vmem>>, vector<16xf32>,
    %mul3A_40 = arith.mulf %get3A_37, %get3A_37 : vector<16xf32>
    %reduce_sum3A = arith.constant true
    %reduce_sum3A_41 = vector.broadcast %reduce_sum3A : i1 to vector<16xi1>
    %reduce_sum3A_42 = tpu.scan <sum>, %mul3A_40 masked %reduce_sum3A_41 : vector<16xf32>, vector<16xi1> -> vector<16xf32>
    %reduce_sum3A_43 = vector.extract %reduce_sum3A_42[15] : f32 from vector<16xf32>
    %mul3A_44 = arith.mulf %get3A_37, %get3A_39 : vector<16xf32>
    %reduce_sum3A_45 = arith.constant true
    %reduce_sum3A_46 = vector.broadcast %reduce_sum3A_45 : i1 to vector<16xi1>
    %reduce_sum3A_47 = tpu.scan <sum>, %mul3A_44 masked %reduce_sum3A_46 : vector<16xf32>, vector<16xi1> -> vector<16xf32>
    %reduce_sum3A_48 = vector.extract %reduce_sum3A_47[15] : f32 from vector<16xf32>
    %mul3A_49 = arith.mulf %get3A_39, %get3A_39 : vector<16xf32>
    %reduce_sum3A_50 = arith.constant true
    %reduce_sum3A_51 = vector.broadcast %reduce_sum3A_50 : i1 to vector<16xi1>
    %reduce_sum3A_52 = tpu.scan <sum>, %mul3A_49 masked %reduce_sum3A_51 : vector<16xf32>, vector<16xi1> -> vector<16xf32>
    %reduce_sum3A_53 = vector.extract %reduce_sum3A_52[15] : f32 from vector<16xf32>
    %dma_wait3A_54 = tpu.memref_slice %arg4[%mul3A_13] : memref<640000xi32, #tpu.memory_space<hbm>> -> memref<10000xi32, #tpu.memory_space<hbm>>
    %dma_wait3A_55 = tpu.memref_slice %arg4[%mul3A_13] : memref<640000xi32, #tpu.memory_space<hbm>> -> memref<10000xi32, #tpu.memory_space<hbm>>
    tpu.wait_dma2 semaphore(%arg20 : memref<!tpu.dma_semaphore, #tpu.memory_space<semaphore_mem>>) src(%dma_wait3A_55 : memref<10000xi32, #tpu.memory_space<hbm>>) dst(%arg12 : memref<10000xi32, #tpu.memory_space<vmem>>)
    %dma_wait3A_56 = tpu.memref_slice %arg4[%add3A_19] : memref<640000xi32, #tpu.memory_space<hbm>> -> memref<10000xi32, #tpu.memory_space<hbm>>
    %dma_wait3A_57 = tpu.memref_slice %arg4[%add3A_19] : memref<640000xi32, #tpu.memory_space<hbm>> -> memref<10000xi32, #tpu.memory_space<hbm>>
    tpu.wait_dma2 semaphore(%arg20 : memref<!tpu.dma_semaphore, #tpu.memory_space<semaphore_mem>>) src(%dma_wait3A_57 : memref<10000xi32, #tpu.memory_space<hbm>>) dst(%arg13 : memref<10000xi32, #tpu.memory_space<vmem>>)
    %iota3A = tpu.iota {dimensions = array<i32: 0>} : vector<16xi32>
    %parallel_loop3A_58 = arith.constant 0 : i32
    %parallel_loop3A_59 = arith.constant 625 : i32
    %parallel_loop3A_60 = arith.constant 1 : i32
    scf.for %parallel_loop3A_66 = %parallel_loop3A_58 to %parallel_loop3A_59 step %parallel_loop3A_60  : i32 {
      %parallel_loop3A_67 = arith.constant 16 : i32
      %parallel_loop3A_68 = arith.muli %parallel_loop3A_66, %parallel_loop3A_67 : i32
      %parallel_loop3A_69 = arith.index_cast %parallel_loop3A_68 : i32 to index
      %parallel_loop3A_70 = tpu.vector_load %arg12[%parallel_loop3A_69] {strides = array<i32>} : memref<10000xi32, #tpu.memory_space<vmem>>, vector<16xi32>,
      %parallel_loop3A_71 = arith.index_cast %parallel_loop3A_68 : i32 to index
      %parallel_loop3A_72 = tpu.vector_load %arg13[%parallel_loop3A_71] {strides = array<i32>} : memref<10000xi32, #tpu.memory_space<vmem>>, vector<16xi32>,
      %parallel_loop3A_73 = tpu.vector_load_idx %arg11[%parallel_loop3A_70] : memref<10240xf32, #tpu.memory_space<vmem>>[vector<16xi32>], vector<16xf32>,
      %parallel_loop3A_74 = tpu.vector_load_idx %arg11[%parallel_loop3A_72] : memref<10240xf32, #tpu.memory_space<vmem>>[vector<16xi32>], vector<16xf32>,
      %parallel_loop3A_75 = arith.mulf %parallel_loop3A_73, %parallel_loop3A_74 : vector<16xf32>
      %parallel_loop3A_76 = vector.broadcast %reduce_sum3A_43 : f32 to vector<16xf32>
      %parallel_loop3A_77 = arith.mulf %parallel_loop3A_76, %parallel_loop3A_75 : vector<16xf32>
      %parallel_loop3A_78 = arith.addf %parallel_loop3A_73, %parallel_loop3A_74 : vector<16xf32>
      %parallel_loop3A_79 = vector.broadcast %reduce_sum3A_48 : f32 to vector<16xf32>
      %parallel_loop3A_80 = arith.mulf %parallel_loop3A_79, %parallel_loop3A_78 : vector<16xf32>
      %parallel_loop3A_81 = arith.addf %parallel_loop3A_77, %parallel_loop3A_80 : vector<16xf32>
      %parallel_loop3A_82 = vector.broadcast %reduce_sum3A_53 : f32 to vector<16xf32>
      %parallel_loop3A_83 = arith.addf %parallel_loop3A_81, %parallel_loop3A_82 : vector<16xf32>
      %parallel_loop3A_84 = arith.constant 0.000000e+00 : f32
      %parallel_loop3A_85 = vector.broadcast %parallel_loop3A_84 : f32 to vector<16xf32>
      %parallel_loop3A_86 = arith.subf %parallel_loop3A_85, %parallel_loop3A_83 : vector<16xf32>
      %parallel_loop3A_87 = math.exp %parallel_loop3A_86 : vector<16xf32>
      %parallel_loop3A_88 = arith.constant 1.000000e+00 : f32
      %parallel_loop3A_89 = vector.broadcast %parallel_loop3A_88 : f32 to vector<16xf32>
      %parallel_loop3A_90 = arith.addf %parallel_loop3A_89, %parallel_loop3A_87 : vector<16xf32>
      %parallel_loop3A_91 = arith.constant 1.000000e+00 : f32
      %parallel_loop3A_92 = vector.broadcast %parallel_loop3A_91 : f32 to vector<16xf32>
      %parallel_loop3A_93 = arith.divf %parallel_loop3A_92, %parallel_loop3A_90 : vector<16xf32>
      tpu.vector_store_idx %arg14[%parallel_loop3A_72], %parallel_loop3A_93 {add = true} : memref<10240xf32, #tpu.memory_space<vmem>>[vector<16xi32>], vector<16xf32>,
    } {sc.loop_unroll_factor = 4 : i64, sc.parallel_access}
    %mul3A_61 = arith.constant 320 : i32
    %mul3A_62 = arith.muli %add3A, %mul3A_61 : i32
    %parallel_loop3A_63 = arith.constant 0 : i32
    %parallel_loop3A_64 = arith.constant 20 : i32
    %parallel_loop3A_65 = arith.constant 1 : i32
    scf.for %parallel_loop3A_66 = %parallel_loop3A_63 to %parallel_loop3A_64 step %parallel_loop3A_65  : i32 {
      %parallel_loop3A_67 = arith.constant 16 : i32
      %parallel_loop3A_68 = arith.muli %parallel_loop3A_66, %parallel_loop3A_67 : i32
      %parallel_loop3A_69 = arith.addi %mul3A_62, %parallel_loop3A_68 : i32
      %parallel_loop3A_70 = vector.broadcast %parallel_loop3A_69 : i32 to vector<16xi32>
      %parallel_loop3A_71 = arith.addi %parallel_loop3A_70, %iota3A : vector<16xi32>
      %parallel_loop3A_72 = arith.constant 10000 : i32
      %parallel_loop3A_73 = vector.broadcast %parallel_loop3A_72 : i32 to vector<16xi32>
      %parallel_loop3A_74 = arith.cmpi slt, %parallel_loop3A_71, %parallel_loop3A_73 : vector<16xi32>
      %parallel_loop3A_75 = tpu.vector_load_idx %arg11[%parallel_loop3A_71] : memref<10240xf32, #tpu.memory_space<vmem>>[vector<16xi32>], vector<16xf32>,
      %parallel_loop3A_76 = arith.mulf %parallel_loop3A_75, %parallel_loop3A_75 : vector<16xf32>
      %parallel_loop3A_77 = vector.broadcast %reduce_sum3A_43 : f32 to vector<16xf32>
      %parallel_loop3A_78 = arith.mulf %parallel_loop3A_77, %parallel_loop3A_76 : vector<16xf32>
      %parallel_loop3A_79 = arith.addf %parallel_loop3A_75, %parallel_loop3A_75 : vector<16xf32>
      %parallel_loop3A_80 = vector.broadcast %reduce_sum3A_48 : f32 to vector<16xf32>
      %parallel_loop3A_81 = arith.mulf %parallel_loop3A_80, %parallel_loop3A_79 : vector<16xf32>
      %parallel_loop3A_82 = arith.addf %parallel_loop3A_78, %parallel_loop3A_81 : vector<16xf32>
      %parallel_loop3A_83 = vector.broadcast %reduce_sum3A_53 : f32 to vector<16xf32>
      %parallel_loop3A_84 = arith.addf %parallel_loop3A_82, %parallel_loop3A_83 : vector<16xf32>
      %parallel_loop3A_85 = arith.constant 0.000000e+00 : f32
      %parallel_loop3A_86 = vector.broadcast %parallel_loop3A_85 : f32 to vector<16xf32>
      %parallel_loop3A_87 = arith.subf %parallel_loop3A_86, %parallel_loop3A_84 : vector<16xf32>
      %parallel_loop3A_88 = math.exp %parallel_loop3A_87 : vector<16xf32>
      %parallel_loop3A_89 = arith.constant 1.000000e+00 : f32
      %parallel_loop3A_90 = vector.broadcast %parallel_loop3A_89 : f32 to vector<16xf32>
      %parallel_loop3A_91 = arith.addf %parallel_loop3A_90, %parallel_loop3A_88 : vector<16xf32>
      %parallel_loop3A_92 = arith.constant 1.000000e+00 : f32
      %parallel_loop3A_93 = vector.broadcast %parallel_loop3A_92 : f32 to vector<16xf32>
      %parallel_loop3A_94 = arith.divf %parallel_loop3A_93, %parallel_loop3A_91 : vector<16xf32>
      tpu.vector_store_idx %arg14[%parallel_loop3A_71], %parallel_loop3A_94 masked %parallel_loop3A_74 {add = true} : memref<10240xf32, #tpu.memory_space<vmem>>[vector<16xi32>], vector<16xf32>, vector<16xi1>
    } {sc.loop_unroll_factor = 2 : i64, sc.parallel_access}
    "tpu.region"() ({
      %run_scoped3A = tpu.sem_alloc : memref<!tpu.dma_semaphore, #tpu.memory_space<semaphore_mem>>
      %dma_start3A_66 = arith.constant 0 : i32
      %dma_start3A_67 = tpu.memref_slice %arg7[%add3A, %dma_start3A_66] : memref<32x10240xf32, #tpu.memory_space<hbm>> -> memref<1x10240xf32, #tpu.memory_space<hbm>>
      %dma_start3A_68 = tpu.memref_squeeze %dma_start3A_67 : memref<1x10240xf32, #tpu.memory_space<hbm>> -> memref<10240xf32, #tpu.memory_space<hbm>>
      %dma_start3A_69 = arith.constant 0 : i32
      %dma_start3A_70 = tpu.memref_slice %arg7[%add3A, %dma_start3A_69] : memref<32x10240xf32, #tpu.memory_space<hbm>> -> memref<1x10240xf32, #tpu.memory_space<hbm>>
      %dma_start3A_71 = tpu.memref_squeeze %dma_start3A_70 : memref<1x10240xf32, #tpu.memory_space<hbm>> -> memref<10240xf32, #tpu.memory_space<hbm>>
      tpu.enqueue_dma source(%arg14 : memref<10240xf32, #tpu.memory_space<vmem>>) target(%dma_start3A_71 : memref<10240xf32, #tpu.memory_space<hbm>>) target_semaphore(%run_scoped3A : memref<!tpu.dma_semaphore, #tpu.memory_space<semaphore_mem>>)
      %dma_wait3A_72 = arith.constant 0 : i32
      %dma_wait3A_73 = tpu.memref_slice %arg7[%add3A, %dma_wait3A_72] : memref<32x10240xf32, #tpu.memory_space<hbm>> -> memref<1x10240xf32, #tpu.memory_space<hbm>>
      %dma_wait3A_74 = tpu.memref_squeeze %dma_wait3A_73 : memref<1x10240xf32, #tpu.memory_space<hbm>> -> memref<10240xf32, #tpu.memory_space<hbm>>
      %dma_wait3A_75 = arith.constant 0 : i32
      %dma_wait3A_76 = tpu.memref_slice %arg7[%add3A, %dma_wait3A_75] : memref<32x10240xf32, #tpu.memory_space<hbm>> -> memref<1x10240xf32, #tpu.memory_space<hbm>>
      %dma_wait3A_77 = tpu.memref_squeeze %dma_wait3A_76 : memref<1x10240xf32, #tpu.memory_space<hbm>> -> memref<10240xf32, #tpu.memory_space<hbm>>
      tpu.wait_dma2 semaphore(%run_scoped3A : memref<!tpu.dma_semaphore, #tpu.memory_space<semaphore_mem>>) src(%arg14 : memref<10240xf32, #tpu.memory_space<vmem>>) dst(%dma_wait3A_77 : memref<10240xf32, #tpu.memory_space<hbm>>)
      tpu.yield
    }) : () -> ()
    return
  }
}

#map = affine_map<(d0, d1) -> (0)>
#map1 = affine_map<(d0, d1) -> (0, 0)>
module attributes {stable_mosaic.version = 14 : i64} {
  func.func @_conv1_body(%arg0: i32, %arg1: i32, %arg2: memref<80000xi32, #tpu.memory_space<hbm>>, %arg3: memref<640000xi32, #tpu.memory_space<hbm>>, %arg4: memref<32x10240xf32, #tpu.memory_space<hbm>>, %arg5: memref<32x10240xf32, #tpu.memory_space<hbm>>, %arg6: memref<80000xi32, #tpu.memory_space<vmem>>, %arg7: memref<10000xi32, #tpu.memory_space<vmem>>, %arg8: memref<10000xi32, #tpu.memory_space<vmem>>, %arg9: memref<10240xf32, #tpu.memory_space<vmem>>, %arg10: memref<10240xf32, #tpu.memory_space<vmem>>, %arg11: memref<80000xi32, #tpu.memory_space<vmem_shared>>, %arg12: memref<!tpu.dma_semaphore, #tpu.memory_space<semaphore_mem>>, %arg13: memref<!tpu.dma_semaphore, #tpu.memory_space<semaphore_mem>>, %arg14: memref<!tpu.dma_semaphore, #tpu.memory_space<semaphore_mem>>) attributes {dimension_semantics = [#tpu.dimension_semantics<core_parallel>, #tpu.dimension_semantics<subcore_parallel>], iteration_bounds = array<i64: 2, 16>, scalar_prefetch = 0 : i64, scratch_operands = 9 : i64, tpu.core_type = #tpu.core_type<sc_vector_subcore>, window_params = [{transform_indices = #map}, {transform_indices = #map}, {transform_indices = #map1}, {transform_indices = #map1}]} {
    %mul3A = arith.constant 2 : i32
    %mul3A_0 = arith.muli %arg1, %mul3A : i32
    %add3A = arith.addi %mul3A_0, %arg0 : i32
    %mul3A_1 = arith.constant 10000 : i32
    %mul3A_2 = arith.muli %add3A, %mul3A_1 : i32
    %eq3A = arith.constant 0 : i32
    %eq3A_3 = arith.cmpi eq, %arg1, %eq3A : i32
    %convert_element_type3A = arith.extui %eq3A_3 : i1 to i32
    %cond3A = arith.constant 0 : i32
    %cond3A_4 = arith.cmpi ne, %convert_element_type3A, %cond3A : i32
    scf.if %cond3A_4 {
      "tpu.region"() ({
        %run_scoped3A = tpu.sem_alloc : memref<!tpu.dma_semaphore, #tpu.memory_space<semaphore_mem>>
        tpu.enqueue_dma source(%arg2 : memref<80000xi32, #tpu.memory_space<hbm>>) target(%arg11 : memref<80000xi32, #tpu.memory_space<vmem_shared>>) target_semaphore(%run_scoped3A : memref<!tpu.dma_semaphore, #tpu.memory_space<semaphore_mem>>)
        tpu.wait_dma2 semaphore(%run_scoped3A : memref<!tpu.dma_semaphore, #tpu.memory_space<semaphore_mem>>) src(%arg2 : memref<80000xi32, #tpu.memory_space<hbm>>) dst(%arg11 : memref<80000xi32, #tpu.memory_space<vmem_shared>>)
        tpu.yield
      }) : () -> ()
    } else {
    }
    %dma_start3A = tpu.memref_slice %arg3[%mul3A_2] : memref<640000xi32, #tpu.memory_space<hbm>> -> memref<10000xi32, #tpu.memory_space<hbm>>
    %dma_start3A_5 = tpu.memref_slice %arg3[%mul3A_2] : memref<640000xi32, #tpu.memory_space<hbm>> -> memref<10000xi32, #tpu.memory_space<hbm>>
    tpu.enqueue_dma source(%dma_start3A_5 : memref<10000xi32, #tpu.memory_space<hbm>>) target(%arg7 : memref<10000xi32, #tpu.memory_space<vmem>>) target_semaphore(%arg13 : memref<!tpu.dma_semaphore, #tpu.memory_space<semaphore_mem>>)
    %add3A_6 = arith.constant 320000 : i32
    %add3A_7 = arith.addi %add3A_6, %mul3A_2 : i32
    %dma_start3A_8 = tpu.memref_slice %arg3[%add3A_7] : memref<640000xi32, #tpu.memory_space<hbm>> -> memref<10000xi32, #tpu.memory_space<hbm>>
    %dma_start3A_9 = tpu.memref_slice %arg3[%add3A_7] : memref<640000xi32, #tpu.memory_space<hbm>> -> memref<10000xi32, #tpu.memory_space<hbm>>
    tpu.enqueue_dma source(%dma_start3A_9 : memref<10000xi32, #tpu.memory_space<hbm>>) target(%arg8 : memref<10000xi32, #tpu.memory_space<vmem>>) target_semaphore(%arg14 : memref<!tpu.dma_semaphore, #tpu.memory_space<semaphore_mem>>)
    %broadcast_in_dim3A = arith.constant 0.000000e+00 : f32
    %broadcast_in_dim3A_10 = vector.broadcast %broadcast_in_dim3A : f32 to vector<16xf32>
    %parallel_loop3A = arith.constant 0 : i32
    %parallel_loop3A_11 = arith.constant 640 : i32
    %parallel_loop3A_12 = arith.constant 1 : i32
    scf.for %parallel_loop3A_26 = %parallel_loop3A to %parallel_loop3A_11 step %parallel_loop3A_12  : i32 {
      %parallel_loop3A_27 = arith.constant 16 : i32
      %parallel_loop3A_28 = arith.muli %parallel_loop3A_26, %parallel_loop3A_27 : i32
      %parallel_loop3A_29 = arith.index_cast %parallel_loop3A_28 : i32 to index
      %parallel_loop3A_30 = tpu.vector_load %arg9[%parallel_loop3A_29] {strides = array<i32>} : memref<10240xf32, #tpu.memory_space<vmem>>, vector<16xf32>,
      tpu.vector_store %arg9[%parallel_loop3A_29], %broadcast_in_dim3A_10 {strides = array<i32>} : memref<10240xf32, #tpu.memory_space<vmem>>, vector<16xf32>,
      %parallel_loop3A_31 = arith.constant 16 : i32
      %parallel_loop3A_32 = arith.muli %parallel_loop3A_26, %parallel_loop3A_31 : i32
      %parallel_loop3A_33 = arith.index_cast %parallel_loop3A_32 : i32 to index
      %parallel_loop3A_34 = tpu.vector_load %arg10[%parallel_loop3A_33] {strides = array<i32>} : memref<10240xf32, #tpu.memory_space<vmem>>, vector<16xf32>,
      tpu.vector_store %arg10[%parallel_loop3A_33], %broadcast_in_dim3A_10 {strides = array<i32>} : memref<10240xf32, #tpu.memory_space<vmem>>, vector<16xf32>,
    } {sc.loop_unroll_factor = 8 : i64, sc.parallel_access}
    %barrier3A = arith.constant 0 : index
    tpu.barrier barrier_id(%barrier3A)
    tpu.enqueue_dma source(%arg11 : memref<80000xi32, #tpu.memory_space<vmem_shared>>) target(%arg6 : memref<80000xi32, #tpu.memory_space<vmem>>) target_semaphore(%arg12 : memref<!tpu.dma_semaphore, #tpu.memory_space<semaphore_mem>>)
    tpu.wait_dma2 semaphore(%arg12 : memref<!tpu.dma_semaphore, #tpu.memory_space<semaphore_mem>>) src(%arg11 : memref<80000xi32, #tpu.memory_space<vmem_shared>>) dst(%arg6 : memref<80000xi32, #tpu.memory_space<vmem>>)
    %dma_wait3A = tpu.memref_slice %arg3[%mul3A_2] : memref<640000xi32, #tpu.memory_space<hbm>> -> memref<10000xi32, #tpu.memory_space<hbm>>
    %dma_wait3A_13 = tpu.memref_slice %arg3[%mul3A_2] : memref<640000xi32, #tpu.memory_space<hbm>> -> memref<10000xi32, #tpu.memory_space<hbm>>
    tpu.wait_dma2 semaphore(%arg13 : memref<!tpu.dma_semaphore, #tpu.memory_space<semaphore_mem>>) src(%dma_wait3A_13 : memref<10000xi32, #tpu.memory_space<hbm>>) dst(%arg7 : memref<10000xi32, #tpu.memory_space<vmem>>)
    %dma_wait3A_14 = tpu.memref_slice %arg3[%add3A_7] : memref<640000xi32, #tpu.memory_space<hbm>> -> memref<10000xi32, #tpu.memory_space<hbm>>
    %dma_wait3A_15 = tpu.memref_slice %arg3[%add3A_7] : memref<640000xi32, #tpu.memory_space<hbm>> -> memref<10000xi32, #tpu.memory_space<hbm>>
    tpu.wait_dma2 semaphore(%arg14 : memref<!tpu.dma_semaphore, #tpu.memory_space<semaphore_mem>>) src(%dma_wait3A_15 : memref<10000xi32, #tpu.memory_space<hbm>>) dst(%arg8 : memref<10000xi32, #tpu.memory_space<vmem>>)
    %iota3A = tpu.iota {dimensions = array<i32: 0>} : vector<16xi32>
    %broadcast_in_dim3A_16 = arith.constant 1.000000e+00 : f32
    %broadcast_in_dim3A_17 = vector.broadcast %broadcast_in_dim3A_16 : f32 to vector<16xf32>
    %parallel_loop3A_18 = arith.constant 0 : i32
    %parallel_loop3A_19 = arith.constant 625 : i32
    %parallel_loop3A_20 = arith.constant 1 : i32
    scf.for %parallel_loop3A_26 = %parallel_loop3A_18 to %parallel_loop3A_19 step %parallel_loop3A_20  : i32 {
      %parallel_loop3A_27 = arith.constant 16 : i32
      %parallel_loop3A_28 = arith.muli %parallel_loop3A_26, %parallel_loop3A_27 : i32
      %parallel_loop3A_29 = arith.index_cast %parallel_loop3A_28 : i32 to index
      %parallel_loop3A_30 = tpu.vector_load %arg7[%parallel_loop3A_29] {strides = array<i32>} : memref<10000xi32, #tpu.memory_space<vmem>>, vector<16xi32>,
      %parallel_loop3A_31 = arith.index_cast %parallel_loop3A_28 : i32 to index
      %parallel_loop3A_32 = tpu.vector_load %arg8[%parallel_loop3A_31] {strides = array<i32>} : memref<10000xi32, #tpu.memory_space<vmem>>, vector<16xi32>,
      %parallel_loop3A_33 = arith.constant 0 : i32
      %parallel_loop3A_34 = tpu.memref_slice %arg6[%parallel_loop3A_33] : memref<80000xi32, #tpu.memory_space<vmem>> -> memref<10000xi32, #tpu.memory_space<vmem>>
      %parallel_loop3A_35 = tpu.vector_load_idx %parallel_loop3A_34[%parallel_loop3A_30] : memref<10000xi32, #tpu.memory_space<vmem>>[vector<16xi32>], vector<16xi32>,
      %parallel_loop3A_36 = vector.bitcast %parallel_loop3A_35 : vector<16xi32> to vector<32xbf16>
      %parallel_loop3A_37 = arith.constant 0 : i32
      %parallel_loop3A_38 = tpu.memref_slice %arg6[%parallel_loop3A_37] : memref<80000xi32, #tpu.memory_space<vmem>> -> memref<10000xi32, #tpu.memory_space<vmem>>
      %parallel_loop3A_39 = tpu.vector_load_idx %parallel_loop3A_38[%parallel_loop3A_32] : memref<10000xi32, #tpu.memory_space<vmem>>[vector<16xi32>], vector<16xi32>,
      %parallel_loop3A_40 = vector.bitcast %parallel_loop3A_39 : vector<16xi32> to vector<32xbf16>
      %parallel_loop3A_41 = arith.mulf %parallel_loop3A_36, %parallel_loop3A_40 : vector<32xbf16>
      %parallel_loop3A_42 = arith.constant 10000 : i32
      %parallel_loop3A_43 = tpu.memref_slice %arg6[%parallel_loop3A_42] : memref<80000xi32, #tpu.memory_space<vmem>> -> memref<10000xi32, #tpu.memory_space<vmem>>
      %parallel_loop3A_44 = tpu.vector_load_idx %parallel_loop3A_43[%parallel_loop3A_30] : memref<10000xi32, #tpu.memory_space<vmem>>[vector<16xi32>], vector<16xi32>,
      %parallel_loop3A_45 = vector.bitcast %parallel_loop3A_44 : vector<16xi32> to vector<32xbf16>
      %parallel_loop3A_46 = arith.constant 10000 : i32
      %parallel_loop3A_47 = tpu.memref_slice %arg6[%parallel_loop3A_46] : memref<80000xi32, #tpu.memory_space<vmem>> -> memref<10000xi32, #tpu.memory_space<vmem>>
      %parallel_loop3A_48 = tpu.vector_load_idx %parallel_loop3A_47[%parallel_loop3A_32] : memref<10000xi32, #tpu.memory_space<vmem>>[vector<16xi32>], vector<16xi32>,
      %parallel_loop3A_49 = vector.bitcast %parallel_loop3A_48 : vector<16xi32> to vector<32xbf16>
      %parallel_loop3A_50 = arith.mulf %parallel_loop3A_45, %parallel_loop3A_49 : vector<32xbf16>
      %parallel_loop3A_51 = arith.constant 20000 : i32
      %parallel_loop3A_52 = tpu.memref_slice %arg6[%parallel_loop3A_51] : memref<80000xi32, #tpu.memory_space<vmem>> -> memref<10000xi32, #tpu.memory_space<vmem>>
      %parallel_loop3A_53 = tpu.vector_load_idx %parallel_loop3A_52[%parallel_loop3A_30] : memref<10000xi32, #tpu.memory_space<vmem>>[vector<16xi32>], vector<16xi32>,
      %parallel_loop3A_54 = vector.bitcast %parallel_loop3A_53 : vector<16xi32> to vector<32xbf16>
      %parallel_loop3A_55 = arith.constant 20000 : i32
      %parallel_loop3A_56 = tpu.memref_slice %arg6[%parallel_loop3A_55] : memref<80000xi32, #tpu.memory_space<vmem>> -> memref<10000xi32, #tpu.memory_space<vmem>>
      %parallel_loop3A_57 = tpu.vector_load_idx %parallel_loop3A_56[%parallel_loop3A_32] : memref<10000xi32, #tpu.memory_space<vmem>>[vector<16xi32>], vector<16xi32>,
      %parallel_loop3A_58 = vector.bitcast %parallel_loop3A_57 : vector<16xi32> to vector<32xbf16>
      %parallel_loop3A_59 = arith.mulf %parallel_loop3A_54, %parallel_loop3A_58 : vector<32xbf16>
      %parallel_loop3A_60 = arith.constant 30000 : i32
      %parallel_loop3A_61 = tpu.memref_slice %arg6[%parallel_loop3A_60] : memref<80000xi32, #tpu.memory_space<vmem>> -> memref<10000xi32, #tpu.memory_space<vmem>>
      %parallel_loop3A_62 = tpu.vector_load_idx %parallel_loop3A_61[%parallel_loop3A_30] : memref<10000xi32, #tpu.memory_space<vmem>>[vector<16xi32>], vector<16xi32>,
      %parallel_loop3A_63 = vector.bitcast %parallel_loop3A_62 : vector<16xi32> to vector<32xbf16>
      %parallel_loop3A_64 = arith.constant 30000 : i32
      %parallel_loop3A_65 = tpu.memref_slice %arg6[%parallel_loop3A_64] : memref<80000xi32, #tpu.memory_space<vmem>> -> memref<10000xi32, #tpu.memory_space<vmem>>
      %parallel_loop3A_66 = tpu.vector_load_idx %parallel_loop3A_65[%parallel_loop3A_32] : memref<10000xi32, #tpu.memory_space<vmem>>[vector<16xi32>], vector<16xi32>,
      %parallel_loop3A_67 = vector.bitcast %parallel_loop3A_66 : vector<16xi32> to vector<32xbf16>
      %parallel_loop3A_68 = arith.mulf %parallel_loop3A_63, %parallel_loop3A_67 : vector<32xbf16>
      %parallel_loop3A_69 = arith.constant 40000 : i32
      %parallel_loop3A_70 = tpu.memref_slice %arg6[%parallel_loop3A_69] : memref<80000xi32, #tpu.memory_space<vmem>> -> memref<10000xi32, #tpu.memory_space<vmem>>
      %parallel_loop3A_71 = tpu.vector_load_idx %parallel_loop3A_70[%parallel_loop3A_30] : memref<10000xi32, #tpu.memory_space<vmem>>[vector<16xi32>], vector<16xi32>,
      %parallel_loop3A_72 = vector.bitcast %parallel_loop3A_71 : vector<16xi32> to vector<32xbf16>
      %parallel_loop3A_73 = arith.constant 40000 : i32
      %parallel_loop3A_74 = tpu.memref_slice %arg6[%parallel_loop3A_73] : memref<80000xi32, #tpu.memory_space<vmem>> -> memref<10000xi32, #tpu.memory_space<vmem>>
      %parallel_loop3A_75 = tpu.vector_load_idx %parallel_loop3A_74[%parallel_loop3A_32] : memref<10000xi32, #tpu.memory_space<vmem>>[vector<16xi32>], vector<16xi32>,
      %parallel_loop3A_76 = vector.bitcast %parallel_loop3A_75 : vector<16xi32> to vector<32xbf16>
      %parallel_loop3A_77 = arith.mulf %parallel_loop3A_72, %parallel_loop3A_76 : vector<32xbf16>
      %parallel_loop3A_78 = arith.constant 50000 : i32
      %parallel_loop3A_79 = tpu.memref_slice %arg6[%parallel_loop3A_78] : memref<80000xi32, #tpu.memory_space<vmem>> -> memref<10000xi32, #tpu.memory_space<vmem>>
      %parallel_loop3A_80 = tpu.vector_load_idx %parallel_loop3A_79[%parallel_loop3A_30] : memref<10000xi32, #tpu.memory_space<vmem>>[vector<16xi32>], vector<16xi32>,
      %parallel_loop3A_81 = vector.bitcast %parallel_loop3A_80 : vector<16xi32> to vector<32xbf16>
      %parallel_loop3A_82 = arith.constant 50000 : i32
      %parallel_loop3A_83 = tpu.memref_slice %arg6[%parallel_loop3A_82] : memref<80000xi32, #tpu.memory_space<vmem>> -> memref<10000xi32, #tpu.memory_space<vmem>>
      %parallel_loop3A_84 = tpu.vector_load_idx %parallel_loop3A_83[%parallel_loop3A_32] : memref<10000xi32, #tpu.memory_space<vmem>>[vector<16xi32>], vector<16xi32>,
      %parallel_loop3A_85 = vector.bitcast %parallel_loop3A_84 : vector<16xi32> to vector<32xbf16>
      %parallel_loop3A_86 = arith.mulf %parallel_loop3A_81, %parallel_loop3A_85 : vector<32xbf16>
      %parallel_loop3A_87 = arith.constant 60000 : i32
      %parallel_loop3A_88 = tpu.memref_slice %arg6[%parallel_loop3A_87] : memref<80000xi32, #tpu.memory_space<vmem>> -> memref<10000xi32, #tpu.memory_space<vmem>>
      %parallel_loop3A_89 = tpu.vector_load_idx %parallel_loop3A_88[%parallel_loop3A_30] : memref<10000xi32, #tpu.memory_space<vmem>>[vector<16xi32>], vector<16xi32>,
      %parallel_loop3A_90 = vector.bitcast %parallel_loop3A_89 : vector<16xi32> to vector<32xbf16>
      %parallel_loop3A_91 = arith.constant 60000 : i32
      %parallel_loop3A_92 = tpu.memref_slice %arg6[%parallel_loop3A_91] : memref<80000xi32, #tpu.memory_space<vmem>> -> memref<10000xi32, #tpu.memory_space<vmem>>
      %parallel_loop3A_93 = tpu.vector_load_idx %parallel_loop3A_92[%parallel_loop3A_32] : memref<10000xi32, #tpu.memory_space<vmem>>[vector<16xi32>], vector<16xi32>,
      %parallel_loop3A_94 = vector.bitcast %parallel_loop3A_93 : vector<16xi32> to vector<32xbf16>
      %parallel_loop3A_95 = arith.mulf %parallel_loop3A_90, %parallel_loop3A_94 : vector<32xbf16>
      %parallel_loop3A_96 = arith.constant 70000 : i32
      %parallel_loop3A_97 = tpu.memref_slice %arg6[%parallel_loop3A_96] : memref<80000xi32, #tpu.memory_space<vmem>> -> memref<10000xi32, #tpu.memory_space<vmem>>
      %parallel_loop3A_98 = tpu.vector_load_idx %parallel_loop3A_97[%parallel_loop3A_30] : memref<10000xi32, #tpu.memory_space<vmem>>[vector<16xi32>], vector<16xi32>,
      %parallel_loop3A_99 = vector.bitcast %parallel_loop3A_98 : vector<16xi32> to vector<32xbf16>
      %parallel_loop3A_100 = arith.constant 70000 : i32
      %parallel_loop3A_101 = tpu.memref_slice %arg6[%parallel_loop3A_100] : memref<80000xi32, #tpu.memory_space<vmem>> -> memref<10000xi32, #tpu.memory_space<vmem>>
      %parallel_loop3A_102 = tpu.vector_load_idx %parallel_loop3A_101[%parallel_loop3A_32] : memref<10000xi32, #tpu.memory_space<vmem>>[vector<16xi32>], vector<16xi32>,
      %parallel_loop3A_103 = vector.bitcast %parallel_loop3A_102 : vector<16xi32> to vector<32xbf16>
      %parallel_loop3A_104 = arith.mulf %parallel_loop3A_99, %parallel_loop3A_103 : vector<32xbf16>
      %parallel_loop3A_105 = arith.addf %parallel_loop3A_41, %parallel_loop3A_50 : vector<32xbf16>
      %parallel_loop3A_106 = arith.addf %parallel_loop3A_59, %parallel_loop3A_68 : vector<32xbf16>
      %parallel_loop3A_107 = arith.addf %parallel_loop3A_105, %parallel_loop3A_106 : vector<32xbf16>
      %parallel_loop3A_108 = arith.addf %parallel_loop3A_77, %parallel_loop3A_86 : vector<32xbf16>
      %parallel_loop3A_109 = arith.addf %parallel_loop3A_95, %parallel_loop3A_104 : vector<32xbf16>
      %parallel_loop3A_110 = arith.addf %parallel_loop3A_108, %parallel_loop3A_109 : vector<32xbf16>
      %parallel_loop3A_111 = arith.addf %parallel_loop3A_107, %parallel_loop3A_110 : vector<32xbf16>
      %parallel_loop3A_112 = tpu.unpack_subelements %parallel_loop3A_111, 0 {pack_format = #tpu.pack_format<interleaved>} : vector<32xbf16> -> vector<16xf32>
      %parallel_loop3A_113 = tpu.unpack_subelements %parallel_loop3A_111, 1 {pack_format = #tpu.pack_format<interleaved>} : vector<32xbf16> -> vector<16xf32>
      %parallel_loop3A_114 = arith.addf %parallel_loop3A_112, %parallel_loop3A_113 : vector<16xf32>
      %parallel_loop3A_115 = arith.constant 0.000000e+00 : f32
      %parallel_loop3A_116 = vector.broadcast %parallel_loop3A_115 : f32 to vector<16xf32>
      %parallel_loop3A_117 = arith.subf %parallel_loop3A_116, %parallel_loop3A_114 : vector<16xf32>
      %parallel_loop3A_118 = math.exp %parallel_loop3A_117 : vector<16xf32>
      %parallel_loop3A_119 = arith.constant 1.000000e+00 : f32
      %parallel_loop3A_120 = vector.broadcast %parallel_loop3A_119 : f32 to vector<16xf32>
      %parallel_loop3A_121 = arith.addf %parallel_loop3A_120, %parallel_loop3A_118 : vector<16xf32>
      %parallel_loop3A_122 = arith.constant 1.000000e+00 : f32
      %parallel_loop3A_123 = vector.broadcast %parallel_loop3A_122 : f32 to vector<16xf32>
      %parallel_loop3A_124 = arith.divf %parallel_loop3A_123, %parallel_loop3A_121 : vector<16xf32>
      tpu.vector_store_idx %arg9[%parallel_loop3A_32], %parallel_loop3A_124 {add = true} : memref<10240xf32, #tpu.memory_space<vmem>>[vector<16xi32>], vector<16xf32>,
      tpu.vector_store_idx %arg10[%parallel_loop3A_32], %broadcast_in_dim3A_17 {add = true} : memref<10240xf32, #tpu.memory_space<vmem>>[vector<16xi32>], vector<16xf32>,
    } {sc.loop_unroll_factor = 4 : i64, sc.parallel_access}
    %mul3A_21 = arith.constant 320 : i32
    %mul3A_22 = arith.muli %add3A, %mul3A_21 : i32
    %parallel_loop3A_23 = arith.constant 0 : i32
    %parallel_loop3A_24 = arith.constant 20 : i32
    %parallel_loop3A_25 = arith.constant 1 : i32
    scf.for %parallel_loop3A_26 = %parallel_loop3A_23 to %parallel_loop3A_24 step %parallel_loop3A_25  : i32 {
      %parallel_loop3A_27 = arith.constant 16 : i32
      %parallel_loop3A_28 = arith.muli %parallel_loop3A_26, %parallel_loop3A_27 : i32
      %parallel_loop3A_29 = arith.addi %mul3A_22, %parallel_loop3A_28 : i32
      %parallel_loop3A_30 = vector.broadcast %parallel_loop3A_29 : i32 to vector<16xi32>
      %parallel_loop3A_31 = arith.addi %parallel_loop3A_30, %iota3A : vector<16xi32>
      %parallel_loop3A_32 = arith.constant 10000 : i32
      %parallel_loop3A_33 = vector.broadcast %parallel_loop3A_32 : i32 to vector<16xi32>
      %parallel_loop3A_34 = arith.cmpi slt, %parallel_loop3A_31, %parallel_loop3A_33 : vector<16xi32>
      %parallel_loop3A_35 = arith.constant 9999 : i32
      %parallel_loop3A_36 = vector.broadcast %parallel_loop3A_35 : i32 to vector<16xi32>
      %parallel_loop3A_37 = arith.minsi %parallel_loop3A_31, %parallel_loop3A_36 : vector<16xi32>
      %parallel_loop3A_38 = arith.constant 0 : i32
      %parallel_loop3A_39 = tpu.memref_slice %arg6[%parallel_loop3A_38] : memref<80000xi32, #tpu.memory_space<vmem>> -> memref<10000xi32, #tpu.memory_space<vmem>>
      %parallel_loop3A_40 = tpu.vector_load_idx %parallel_loop3A_39[%parallel_loop3A_37] : memref<10000xi32, #tpu.memory_space<vmem>>[vector<16xi32>], vector<16xi32>,
      %parallel_loop3A_41 = vector.bitcast %parallel_loop3A_40 : vector<16xi32> to vector<32xbf16>
      %parallel_loop3A_42 = arith.mulf %parallel_loop3A_41, %parallel_loop3A_41 : vector<32xbf16>
      %parallel_loop3A_43 = arith.constant 10000 : i32
      %parallel_loop3A_44 = tpu.memref_slice %arg6[%parallel_loop3A_43] : memref<80000xi32, #tpu.memory_space<vmem>> -> memref<10000xi32, #tpu.memory_space<vmem>>
      %parallel_loop3A_45 = tpu.vector_load_idx %parallel_loop3A_44[%parallel_loop3A_37] : memref<10000xi32, #tpu.memory_space<vmem>>[vector<16xi32>], vector<16xi32>,
      %parallel_loop3A_46 = vector.bitcast %parallel_loop3A_45 : vector<16xi32> to vector<32xbf16>
      %parallel_loop3A_47 = arith.mulf %parallel_loop3A_46, %parallel_loop3A_46 : vector<32xbf16>
      %parallel_loop3A_48 = arith.constant 20000 : i32
      %parallel_loop3A_49 = tpu.memref_slice %arg6[%parallel_loop3A_48] : memref<80000xi32, #tpu.memory_space<vmem>> -> memref<10000xi32, #tpu.memory_space<vmem>>
      %parallel_loop3A_50 = tpu.vector_load_idx %parallel_loop3A_49[%parallel_loop3A_37] : memref<10000xi32, #tpu.memory_space<vmem>>[vector<16xi32>], vector<16xi32>,
      %parallel_loop3A_51 = vector.bitcast %parallel_loop3A_50 : vector<16xi32> to vector<32xbf16>
      %parallel_loop3A_52 = arith.mulf %parallel_loop3A_51, %parallel_loop3A_51 : vector<32xbf16>
      %parallel_loop3A_53 = arith.constant 30000 : i32
      %parallel_loop3A_54 = tpu.memref_slice %arg6[%parallel_loop3A_53] : memref<80000xi32, #tpu.memory_space<vmem>> -> memref<10000xi32, #tpu.memory_space<vmem>>
      %parallel_loop3A_55 = tpu.vector_load_idx %parallel_loop3A_54[%parallel_loop3A_37] : memref<10000xi32, #tpu.memory_space<vmem>>[vector<16xi32>], vector<16xi32>,
      %parallel_loop3A_56 = vector.bitcast %parallel_loop3A_55 : vector<16xi32> to vector<32xbf16>
      %parallel_loop3A_57 = arith.mulf %parallel_loop3A_56, %parallel_loop3A_56 : vector<32xbf16>
      %parallel_loop3A_58 = arith.constant 40000 : i32
      %parallel_loop3A_59 = tpu.memref_slice %arg6[%parallel_loop3A_58] : memref<80000xi32, #tpu.memory_space<vmem>> -> memref<10000xi32, #tpu.memory_space<vmem>>
      %parallel_loop3A_60 = tpu.vector_load_idx %parallel_loop3A_59[%parallel_loop3A_37] : memref<10000xi32, #tpu.memory_space<vmem>>[vector<16xi32>], vector<16xi32>,
      %parallel_loop3A_61 = vector.bitcast %parallel_loop3A_60 : vector<16xi32> to vector<32xbf16>
      %parallel_loop3A_62 = arith.mulf %parallel_loop3A_61, %parallel_loop3A_61 : vector<32xbf16>
      %parallel_loop3A_63 = arith.constant 50000 : i32
      %parallel_loop3A_64 = tpu.memref_slice %arg6[%parallel_loop3A_63] : memref<80000xi32, #tpu.memory_space<vmem>> -> memref<10000xi32, #tpu.memory_space<vmem>>
      %parallel_loop3A_65 = tpu.vector_load_idx %parallel_loop3A_64[%parallel_loop3A_37] : memref<10000xi32, #tpu.memory_space<vmem>>[vector<16xi32>], vector<16xi32>,
      %parallel_loop3A_66 = vector.bitcast %parallel_loop3A_65 : vector<16xi32> to vector<32xbf16>
      %parallel_loop3A_67 = arith.mulf %parallel_loop3A_66, %parallel_loop3A_66 : vector<32xbf16>
      %parallel_loop3A_68 = arith.constant 60000 : i32
      %parallel_loop3A_69 = tpu.memref_slice %arg6[%parallel_loop3A_68] : memref<80000xi32, #tpu.memory_space<vmem>> -> memref<10000xi32, #tpu.memory_space<vmem>>
      %parallel_loop3A_70 = tpu.vector_load_idx %parallel_loop3A_69[%parallel_loop3A_37] : memref<10000xi32, #tpu.memory_space<vmem>>[vector<16xi32>], vector<16xi32>,
      %parallel_loop3A_71 = vector.bitcast %parallel_loop3A_70 : vector<16xi32> to vector<32xbf16>
      %parallel_loop3A_72 = arith.mulf %parallel_loop3A_71, %parallel_loop3A_71 : vector<32xbf16>
      %parallel_loop3A_73 = arith.constant 70000 : i32
      %parallel_loop3A_74 = tpu.memref_slice %arg6[%parallel_loop3A_73] : memref<80000xi32, #tpu.memory_space<vmem>> -> memref<10000xi32, #tpu.memory_space<vmem>>
      %parallel_loop3A_75 = tpu.vector_load_idx %parallel_loop3A_74[%parallel_loop3A_37] : memref<10000xi32, #tpu.memory_space<vmem>>[vector<16xi32>], vector<16xi32>,
      %parallel_loop3A_76 = vector.bitcast %parallel_loop3A_75 : vector<16xi32> to vector<32xbf16>
      %parallel_loop3A_77 = arith.mulf %parallel_loop3A_76, %parallel_loop3A_76 : vector<32xbf16>
      %parallel_loop3A_78 = arith.addf %parallel_loop3A_42, %parallel_loop3A_47 : vector<32xbf16>
      %parallel_loop3A_79 = arith.addf %parallel_loop3A_52, %parallel_loop3A_57 : vector<32xbf16>
      %parallel_loop3A_80 = arith.addf %parallel_loop3A_78, %parallel_loop3A_79 : vector<32xbf16>
      %parallel_loop3A_81 = arith.addf %parallel_loop3A_62, %parallel_loop3A_67 : vector<32xbf16>
      %parallel_loop3A_82 = arith.addf %parallel_loop3A_72, %parallel_loop3A_77 : vector<32xbf16>
      %parallel_loop3A_83 = arith.addf %parallel_loop3A_81, %parallel_loop3A_82 : vector<32xbf16>
      %parallel_loop3A_84 = arith.addf %parallel_loop3A_80, %parallel_loop3A_83 : vector<32xbf16>
      %parallel_loop3A_85 = tpu.unpack_subelements %parallel_loop3A_84, 0 {pack_format = #tpu.pack_format<interleaved>} : vector<32xbf16> -> vector<16xf32>
      %parallel_loop3A_86 = tpu.unpack_subelements %parallel_loop3A_84, 1 {pack_format = #tpu.pack_format<interleaved>} : vector<32xbf16> -> vector<16xf32>
      %parallel_loop3A_87 = arith.addf %parallel_loop3A_85, %parallel_loop3A_86 : vector<16xf32>
      %parallel_loop3A_88 = arith.constant 0.000000e+00 : f32
      %parallel_loop3A_89 = vector.broadcast %parallel_loop3A_88 : f32 to vector<16xf32>
      %parallel_loop3A_90 = arith.subf %parallel_loop3A_89, %parallel_loop3A_87 : vector<16xf32>
      %parallel_loop3A_91 = math.exp %parallel_loop3A_90 : vector<16xf32>
      %parallel_loop3A_92 = arith.constant 1.000000e+00 : f32
      %parallel_loop3A_93 = vector.broadcast %parallel_loop3A_92 : f32 to vector<16xf32>
      %parallel_loop3A_94 = arith.addf %parallel_loop3A_93, %parallel_loop3A_91 : vector<16xf32>
      %parallel_loop3A_95 = arith.constant 1.000000e+00 : f32
      %parallel_loop3A_96 = vector.broadcast %parallel_loop3A_95 : f32 to vector<16xf32>
      %parallel_loop3A_97 = arith.divf %parallel_loop3A_96, %parallel_loop3A_94 : vector<16xf32>
      tpu.vector_store_idx %arg9[%parallel_loop3A_31], %parallel_loop3A_97 masked %parallel_loop3A_34 {add = true} : memref<10240xf32, #tpu.memory_space<vmem>>[vector<16xi32>], vector<16xf32>, vector<16xi1>
      tpu.vector_store_idx %arg10[%parallel_loop3A_31], %broadcast_in_dim3A_17 masked %parallel_loop3A_34 {add = true} : memref<10240xf32, #tpu.memory_space<vmem>>[vector<16xi32>], vector<16xf32>, vector<16xi1>
    } {sc.loop_unroll_factor = 2 : i64, sc.parallel_access}
    "tpu.region"() ({
      %run_scoped3A = tpu.sem_alloc : memref<!tpu.dma_semaphore, #tpu.memory_space<semaphore_mem>>
      %dma_start3A_26 = arith.constant 0 : i32
      %dma_start3A_27 = tpu.memref_slice %arg4[%add3A, %dma_start3A_26] : memref<32x10240xf32, #tpu.memory_space<hbm>> -> memref<1x10240xf32, #tpu.memory_space<hbm>>
      %dma_start3A_28 = tpu.memref_squeeze %dma_start3A_27 : memref<1x10240xf32, #tpu.memory_space<hbm>> -> memref<10240xf32, #tpu.memory_space<hbm>>
      %dma_start3A_29 = arith.constant 0 : i32
      %dma_start3A_30 = tpu.memref_slice %arg4[%add3A, %dma_start3A_29] : memref<32x10240xf32, #tpu.memory_space<hbm>> -> memref<1x10240xf32, #tpu.memory_space<hbm>>
      %dma_start3A_31 = tpu.memref_squeeze %dma_start3A_30 : memref<1x10240xf32, #tpu.memory_space<hbm>> -> memref<10240xf32, #tpu.memory_space<hbm>>
      tpu.enqueue_dma source(%arg9 : memref<10240xf32, #tpu.memory_space<vmem>>) target(%dma_start3A_31 : memref<10240xf32, #tpu.memory_space<hbm>>) target_semaphore(%run_scoped3A : memref<!tpu.dma_semaphore, #tpu.memory_space<semaphore_mem>>)
      %dma_wait3A_32 = arith.constant 0 : i32
      %dma_wait3A_33 = tpu.memref_slice %arg4[%add3A, %dma_wait3A_32] : memref<32x10240xf32, #tpu.memory_space<hbm>> -> memref<1x10240xf32, #tpu.memory_space<hbm>>
      %dma_wait3A_34 = tpu.memref_squeeze %dma_wait3A_33 : memref<1x10240xf32, #tpu.memory_space<hbm>> -> memref<10240xf32, #tpu.memory_space<hbm>>
      %dma_wait3A_35 = arith.constant 0 : i32
      %dma_wait3A_36 = tpu.memref_slice %arg4[%add3A, %dma_wait3A_35] : memref<32x10240xf32, #tpu.memory_space<hbm>> -> memref<1x10240xf32, #tpu.memory_space<hbm>>
      %dma_wait3A_37 = tpu.memref_squeeze %dma_wait3A_36 : memref<1x10240xf32, #tpu.memory_space<hbm>> -> memref<10240xf32, #tpu.memory_space<hbm>>
      tpu.wait_dma2 semaphore(%run_scoped3A : memref<!tpu.dma_semaphore, #tpu.memory_space<semaphore_mem>>) src(%arg9 : memref<10240xf32, #tpu.memory_space<vmem>>) dst(%dma_wait3A_37 : memref<10240xf32, #tpu.memory_space<hbm>>)
      tpu.yield
    }) : () -> ()
    "tpu.region"() ({
      %run_scoped3A = tpu.sem_alloc : memref<!tpu.dma_semaphore, #tpu.memory_space<semaphore_mem>>
      %dma_start3A_26 = arith.constant 0 : i32
      %dma_start3A_27 = tpu.memref_slice %arg5[%add3A, %dma_start3A_26] : memref<32x10240xf32, #tpu.memory_space<hbm>> -> memref<1x10240xf32, #tpu.memory_space<hbm>>
      %dma_start3A_28 = tpu.memref_squeeze %dma_start3A_27 : memref<1x10240xf32, #tpu.memory_space<hbm>> -> memref<10240xf32, #tpu.memory_space<hbm>>
      %dma_start3A_29 = arith.constant 0 : i32
      %dma_start3A_30 = tpu.memref_slice %arg5[%add3A, %dma_start3A_29] : memref<32x10240xf32, #tpu.memory_space<hbm>> -> memref<1x10240xf32, #tpu.memory_space<hbm>>
      %dma_start3A_31 = tpu.memref_squeeze %dma_start3A_30 : memref<1x10240xf32, #tpu.memory_space<hbm>> -> memref<10240xf32, #tpu.memory_space<hbm>>
      tpu.enqueue_dma source(%arg10 : memref<10240xf32, #tpu.memory_space<vmem>>) target(%dma_start3A_31 : memref<10240xf32, #tpu.memory_space<hbm>>) target_semaphore(%run_scoped3A : memref<!tpu.dma_semaphore, #tpu.memory_space<semaphore_mem>>)
      %dma_wait3A_32 = arith.constant 0 : i32
      %dma_wait3A_33 = tpu.memref_slice %arg5[%add3A, %dma_wait3A_32] : memref<32x10240xf32, #tpu.memory_space<hbm>> -> memref<1x10240xf32, #tpu.memory_space<hbm>>
      %dma_wait3A_34 = tpu.memref_squeeze %dma_wait3A_33 : memref<1x10240xf32, #tpu.memory_space<hbm>> -> memref<10240xf32, #tpu.memory_space<hbm>>
      %dma_wait3A_35 = arith.constant 0 : i32
      %dma_wait3A_36 = tpu.memref_slice %arg5[%add3A, %dma_wait3A_35] : memref<32x10240xf32, #tpu.memory_space<hbm>> -> memref<1x10240xf32, #tpu.memory_space<hbm>>
      %dma_wait3A_37 = tpu.memref_squeeze %dma_wait3A_36 : memref<1x10240xf32, #tpu.memory_space<hbm>> -> memref<10240xf32, #tpu.memory_space<hbm>>
      tpu.wait_dma2 semaphore(%run_scoped3A : memref<!tpu.dma_semaphore, #tpu.memory_space<semaphore_mem>>) src(%arg10 : memref<10240xf32, #tpu.memory_space<vmem>>) dst(%dma_wait3A_37 : memref<10240xf32, #tpu.memory_space<hbm>>)
      tpu.yield
    }) : () -> ()
    return
  }
}

module attributes {stable_mosaic.version = 14 : i64} {
  func.func @_mm_body(%arg0: memref<10000x128xf32, #tpu.memory_space<vmem>>, %arg1: memref<128x16xf32, #tpu.memory_space<vmem>>, %arg2: memref<1x16xf32, #tpu.memory_space<vmem>>, %arg3: memref<10000x8xi32, #tpu.memory_space<vmem>>) attributes {dimension_semantics = [], scalar_prefetch = 0 : i64, scratch_operands = 0 : i64, tpu.core_type = #tpu.core_type<tc>} {
    %get3A = arith.constant 0 : index
    %get3A_0 = arith.constant 0 : index
    %get3A_1 = vector.load %arg0[%get3A, %get3A_0] : memref<10000x128xf32, #tpu.memory_space<vmem>>, vector<10000x128xf32>
    %get3A_2 = arith.constant 0 : index
    %get3A_3 = arith.constant 0 : index
    %get3A_4 = vector.load %arg1[%get3A_2, %get3A_3] : memref<128x16xf32, #tpu.memory_space<vmem>>, vector<128x16xf32>
    %dot_general3A = arith.constant dense<0.000000e+00> : vector<10000x16xf32>
    %dot_general3A_5 = tpu.matmul %get3A_1, %get3A_4, %dot_general3A {dimension_numbers = #tpu.dot_dimension_numbers<[1], [0], [0], [1], [0, 0, 1, 1], [], []>, transpose_lhs_hint = false} : vector<10000x128xf32>, vector<128x16xf32>, vector<10000x16xf32> -> vector<10000x16xf32>
    %get3A_6 = arith.constant 0 : index
    %get3A_7 = arith.constant 0 : index
    %get3A_8 = vector.load %arg2[%get3A_6, %get3A_7] : memref<1x16xf32, #tpu.memory_space<vmem>>, vector<1x16xf32>
    %add3A = vector.broadcast %get3A_8 : vector<1x16xf32> to vector<10000x16xf32>
    %add3A_9 = arith.addf %dot_general3A_5, %add3A : vector<10000x16xf32>
    %convert_element_type3A = arith.truncf %add3A_9 : vector<10000x16xf32> to vector<10000x16xbf16>
    %slice3A = vector.extract_strided_slice %convert_element_type3A {offsets = [0, 0], sizes = [10000, 8], strides = [1, 1]} : vector<10000x16xbf16> to vector<10000x8xbf16>
    %bitcast_convert_type3A = tpu.bitcast %slice3A : vector<10000x8xbf16> -> vector<10000x8xi16>
    %convert_element_type3A_10 = arith.extui %bitcast_convert_type3A : vector<10000x8xi16> to vector<10000x8xi32>
    %slice3A_11 = vector.extract_strided_slice %convert_element_type3A {offsets = [0, 8], sizes = [10000, 8], strides = [1, 1]} : vector<10000x16xbf16> to vector<10000x8xbf16>
    %bitcast_convert_type3A_12 = tpu.bitcast %slice3A_11 : vector<10000x8xbf16> -> vector<10000x8xi16>
    %convert_element_type3A_13 = arith.extui %bitcast_convert_type3A_12 : vector<10000x8xi16> to vector<10000x8xi32>
    %shift_left3A = arith.constant 16 : i32
    %shift_left3A_14 = vector.broadcast %shift_left3A : i32 to vector<10000x8xi32>
    %shift_left3A_15 = arith.shli %convert_element_type3A_13, %shift_left3A_14 : vector<10000x8xi32>
    %or3A = arith.ori %convert_element_type3A_10, %shift_left3A_15 : vector<10000x8xi32>
    %swap3A = arith.constant 0 : index
    %swap3A_16 = arith.constant 0 : index
    %swap3A_17 = vector.load %arg3[%swap3A, %swap3A_16] : memref<10000x8xi32, #tpu.memory_space<vmem>>, vector<10000x8xi32>
    tpu.vector_store %arg3[%swap3A, %swap3A_16], %or3A {strides = array<i32>} : memref<10000x8xi32, #tpu.memory_space<vmem>>, vector<10000x8xi32>,
    return
  }
}

module attributes {stable_mosaic.version = 14 : i64} {
  func.func @_fin_body(%arg0: memref<32x10240xf32, #tpu.memory_space<vmem>>, %arg1: memref<32x10240xf32, #tpu.memory_space<vmem>>, %arg2: memref<1x10240xf32, #tpu.memory_space<vmem>>) attributes {dimension_semantics = [], scalar_prefetch = 0 : i64, scratch_operands = 0 : i64, tpu.core_type = #tpu.core_type<tc>} {
    %get3A = arith.constant 0 : index
    %get3A_0 = arith.constant 0 : index
    %get3A_1 = vector.load %arg0[%get3A, %get3A_0] : memref<32x10240xf32, #tpu.memory_space<vmem>>, vector<32x10240xf32>
    %reduce_sum3A = arith.constant dense<0.000000e+00> : vector<10240xf32>
    %reduce_sum3A_2 = vector.multi_reduction <add>, %get3A_1, %reduce_sum3A [0] : vector<32x10240xf32> to vector<10240xf32>
    %broadcast_in_dim3A = vector.shape_cast %reduce_sum3A_2 : vector<10240xf32> to vector<1x10240xf32>
    %get3A_3 = arith.constant 0 : index
    %get3A_4 = arith.constant 0 : index
    %get3A_5 = vector.load %arg1[%get3A_3, %get3A_4] : memref<32x10240xf32, #tpu.memory_space<vmem>>, vector<32x10240xf32>
    %reduce_sum3A_6 = arith.constant dense<0.000000e+00> : vector<10240xf32>
    %reduce_sum3A_7 = vector.multi_reduction <add>, %get3A_5, %reduce_sum3A_6 [0] : vector<32x10240xf32> to vector<10240xf32>
    %broadcast_in_dim3A_8 = vector.shape_cast %reduce_sum3A_7 : vector<10240xf32> to vector<1x10240xf32>
    %max3A = arith.constant 1.000000e+00 : f32
    %max3A_9 = vector.broadcast %max3A : f32 to vector<1x10240xf32>
    %max3A_10 = arith.maximumf %broadcast_in_dim3A_8, %max3A_9 : vector<1x10240xf32>
    %div3A = arith.divf %broadcast_in_dim3A, %max3A_10 : vector<1x10240xf32>
    %sub3A = arith.subf %div3A, %div3A : vector<1x10240xf32>
    %swap3A = arith.constant 0 : index
    %swap3A_11 = arith.constant 0 : index
    %swap3A_12 = vector.load %arg2[%swap3A, %swap3A_11] : memref<1x10240xf32, #tpu.memory_space<vmem>>, vector<1x10240xf32>
    tpu.vector_store %arg2[%swap3A, %swap3A_11], %sub3A {strides = array<i32>} : memref<1x10240xf32, #tpu.memory_space<vmem>>, vector<1x10240xf32>,
    return
  }
}

</mosaic_0001>

<sc_bundles>
// kernel: kernel.6.cloned.1.call-start
scs
__scs_entry_jumppad:
0x0: {  	(pc) =	sbr.rel $0x88, $3  }
0x1: {  	(tag) =	ssettag $0x0;
	lr =	simm.s32 $0x1  }
0x2: {  	[smem:$0x3F9B] =	sst lr;
	_ =	strace $0xD0000000  }
0x3: {  	_ = 	snop  }
0x4: {  	_ = 	snop  }
0x5: {  	_ = 	snop  }
0x6: {  	_ = 	snop  }
0x7: {  	_ = 	snop  }
__scs_overlays_trampoline_lowered:
0x8: {  	[smem:$0x3FAA] =	sst s0  }
0x9: {  	[smem:$0x3FAB] =	sst s1  }
0xa: {  	[smem:$0x3FAC] =	sst s2  }
0xb: {  	[smem:$0x3FAD] =	sst s3  }
0xc: {  	[smem:$0x3FAE] =	sst s4  }
0xd: {  	[smem:$0x3FAF] =	sst s5  }
0xe: {  	[smem:$0x3FB0] =	sst s6  }
0xf: {  	[smem:$0x3FB1] =	sst s7  }
0x10: {  	[smem:$0x3FB2] =	sst s8  }
0x11: {  	[smem:$0x3FB3] =	sst s9;
	s0 =	simm.s32 @!p0 $0x0  }
0x12: {  	s1 =	sld [smem:$0x3F99];
	s0 =	simm.s32 @p0 $0x1  }
0x13: {  	[smem:$0x3FB4] =	sst s0;
	s0 =	simm.s32 @!p1 $0x0  }
0x14: {  	s2 =	sld [smem:$0x3F98];
	s0 =	simm.s32 @p1 $0x1  }
0x15: {  	[smem:$0x3FB5] =	sst s0;
	s0 =	simm.s32 @!p2 $0x0  }
0x16: {  	s3 =	sld [smem:$0x3FDB];
	s0 =	simm.s32 @p2 $0x1  }
0x17: {  	s4 =	simm.s32 $0x1BF5;
	[smem:$0x3FB7] =	sst s0  }
0x18: {  	s0 =	sld [smem:$0x3F9A];
	_ =	swait.ge [sflag:s4], $0x0  }
0x19: {  	s7 =	sld [smem:$0x3F9B]  }
0x1a: {  	s8 =	sadd.s32 $0xFFFFE003, lr  }
0x1b: {  	s9 =	sadd.s32 $0xFFFFFEF7, lr;
	s5 =	simm.s32 $0xFFFFFFFF;
	p2 =	slt.u32 s8, $0xFFFFF086  }
0x1c: {  	p1 =	slt.u32 s9, $0xF7A;
	s5 =	simm.s32 @!p2 $0x0  }
0x1d: {  	s5 =	simm.s32 @p1 $0x1;
	p0 =	seq.s32 s7, s2  }
0x1e: {  	s7 =	smul.u32 @!p0 $0xF7A, s2;
	p2 =	seq.s32 @!p0 s5, $0x0  }
0x1f: {  	s9 =	smul.u32 $0xF7A, s1;
	s8 =	simm.s32 @!p0 $0x1BF5;
	p2 =	por !p2, p0  }
0x20: {  	[sflag:s8] =	ssyncset.s32 @!p0 $0xFFFFF086;
	s6 =	sadd.s32 @!p0 s3, s7;
	s7 =	simm.s32 @!p0 $0x108  }
0x21: {  	s3 =	sadd.s32 s3, s9;
	s6 =	sadd.s32 @!p0 $0x88, s6;
	s7 =	simm.s32 @p2 $0x1082  }
0x22: {  	[simem:s7], [sflag:s8] =	dma.local @!p0 [hbm:s6], $0xF7A  }
0x23: {  	s9 =	sor.u32 $0xD0000000, s2;
	s6 =	simm.s32 $0x108;
	_ =	swait.ge @!p0 [sflag:s8], $0x0  }
0x24: {  	s3 =	sadd.s32 $0x88, s3;
	s6 =	simm.s32 @!p1 $0x1082;
	[sflag:s4] =	ssyncset.s32 $0xFFFFF086  }
0x25: {  	[simem:s6], [sflag:s4] =	dma.local [hbm:s3], $0xF7A  }
0x26: {  	[smem:$0x3F9B] =	sst s1;
	(tag) =	ssettag s2;
	_ =	strace s9  }
0x27: {  	s1 =	sld [smem:$0x3FAB]  }
0x28: {  	s2 =	sld [smem:$0x3FAC]  }
0x29: {  	s4 =	sld [smem:$0x3FAE]  }
0x2a: {  	p0 =	seq.s32 s5, $0x0;
	s5 =	sld [smem:$0x3FAF]  }
0x2b: {  	s6 =	sld [smem:$0x3FB0]  }
0x2c: {  	s7 =	sld [smem:$0x3FB1]  }
0x2d: {  	s3 =	simm.s32 $0x108;
	s8 =	sld [smem:$0x3FB2]  }
0x2e: {  	s3 =	simm.s32 @!p0 $0x1082;
	s9 =	sld [smem:$0x3FB3]  }
0x2f: {  	lr =	sadd.s32 s0, s3;
	s0 =	sld [smem:$0x3FAA]  }
0x30: {  	s3 =	sld [smem:$0x3FAD]  }
0x31: {  	[smem:$0x3FB6] =	sst s10  }
0x32: {  	s10 =	sld [smem:$0x3FB4];
	_ =	sdelay $0x3  }
0x33: {  	p0 =	seq.s32 s10, $0x1;
	s10 =	sld [smem:$0x3FB6];
	_ =	sdelay $0x3  }
0x34: {  	[smem:$0x3FB6] =	sst s10  }
0x35: {  	s10 =	sld [smem:$0x3FB5];
	_ =	sdelay $0x3  }
0x36: {  	p1 =	seq.s32 s10, $0x1;
	s10 =	sld [smem:$0x3FB6];
	_ =	sdelay $0x3  }
0x37: {  	[smem:$0x3FB6] =	sst s10  }
0x38: {  	s10 =	sld [smem:$0x3FB7]  }
0x39: {  	_ = 	snop;
	(pc) =	sbr.ind lr, $3  }
0x3a: {  	_ = 	snop  }
0x3b: {  	_ = 	snop  }
0x3c: {  	p2 =	seq.s32 s10, $0x1;
	s10 =	sld [smem:$0x3FB6]  }
0x3d: {  	_ =	shalt  }
0x3e: {  	_ =	shalt  }
0x3f: {  	_ =	shalt  }
0x40: {  	_ =	shalt  }
0x41: {  	_ =	shalt  }
0x42: {  	_ =	shalt  }
0x43: {  	_ =	shalt  }
0x44: {  	_ =	shalt  }
0x45: {  	_ =	shalt  }
0x46: {  	_ =	shalt  }
0x47: {  	_ =	shalt  }
0x48: {  	_ =	shalt  }
0x49: {  	_ =	shalt  }
0x4a: {  	_ =	shalt  }
0x4b: {  	_ =	shalt  }
0x4c: {  	_ =	shalt  }
0x4d: {  	_ =	shalt  }
0x4e: {  	_ =	shalt  }
0x4f: {  	_ =	shalt  }
0x50: {  	_ =	shalt  }
0x51: {  	_ =	shalt  }
0x52: {  	_ =	shalt  }
0x53: {  	_ =	shalt  }
0x54: {  	_ =	shalt  }
0x55: {  	_ =	shalt  }
0x56: {  	_ =	shalt  }
0x57: {  	_ =	shalt  }
0x58: {  	_ =	shalt  }
0x59: {  	_ =	shalt  }
0x5a: {  	_ =	shalt  }
0x5b: {  	_ =	shalt  }
0x5c: {  	_ =	shalt  }
0x5d: {  	_ =	shalt  }
0x5e: {  	_ =	shalt  }
0x5f: {  	_ =	shalt  }
0x60: {  	_ =	shalt  }
0x61: {  	_ =	shalt  }
0x62: {  	_ =	shalt  }
0x63: {  	_ =	shalt  }
0x64: {  	_ =	shalt  }
0x65: {  	_ =	shalt  }
0x66: {  	_ =	shalt  }
0x67: {  	_ =	shalt  }
0x68: {  	_ =	shalt  }
0x69: {  	_ =	shalt  }
0x6a: {  	_ =	shalt  }
0x6b: {  	_ =	shalt  }
0x6c: {  	_ =	shalt  }
0x6d: {  	_ =	shalt  }
0x6e: {  	_ =	shalt  }
0x6f: {  	_ =	shalt  }
0x70: {  	_ =	shalt  }
0x71: {  	_ =	shalt  }
0x72: {  	_ =	shalt  }
0x73: {  	_ =	shalt  }
0x74: {  	_ =	shalt  }
0x75: {  	_ =	shalt  }
0x76: {  	_ =	shalt  }
0x77: {  	_ =	shalt  }
0x78: {  	_ =	shalt  }
0x79: {  	_ =	shalt  }
0x7a: {  	_ =	shalt  }
0x7b: {  	_ =	shalt  }
0x7c: {  	_ =	shalt  }
0x7d: {  	_ =	shalt  }
0x7e: {  	_ =	shalt  }
0x7f: {  	_ =	shalt  }
0x80: {  	_ =	shalt  }
0x81: {  	_ =	shalt  }
0x82: {  	_ =	shalt  }
0x83: {  	_ =	shalt  }
0x84: {  	_ =	shalt  }
0x85: {  	_ =	shalt  }
0x86: {  	_ =	shalt  }
0x87: {  	_ =	shalt  }
.Lfunc_end0:
.L_simem_size_0:
called_computation_lowered:
.L_overlay_start_0:
0x88: {  	s2 =	sld [smem:$0x3FD9]  }
0x89: {  	s3 =	sld [smem:$0x3FFE];
	_ =	sdelay $0x1  }
0x8a: {  	s1 =	srdreg.scid  }
0x8b: {  	s0 =	sand.u32 $0x1, s1  }
0x8c: {  	s16 =	sshll.u32 s0, $0xA;
	s2 =	sadd.s32 s3, s2  }
0x8d: {  	s2 =	sadd.s32 s2, s16  }
0x8e: {  	[smem:$0x3FC2] =	sst s2  }
0x8f: {  	_ = 	snop  }
0x90: {  	(tm) =	ssettm $0x1  }
0x91: {  	s17 =	sld [smem:$0x3FFB];
	_ =	sdelay $0x3  }
0x92: {  	_ =	strace s17  }
0x93: {  	s2 =	sld [smem:$0x3FFC];
	_ =	sdelay $0x3  }
0x94: {  	_ =	strace s2  }
0x95: {  	s2 =	sld [smem:$0x3FFD];
	_ =	sdelay $0x3  }
0x96: {  	_ =	strace s2  }
0x97: {  	_ =	strace $0x8FFFFFFF  }
0x98: {  	s18 =	sld [smem:$0x3FDB];
	_ =	sdelay $0x1  }
0x99: {  	s19 =	simm.s32 $_scs_section_size  }
0x9a: {  	s4 =	simm.s32 $_size__tile_overlayer_lowered;
	s5 =	simm.s32 $_tile_overlayer_lowered  }
0x9b: {  	s22 =	simm.s32 $0x1BFF;
	s21 =	sshll.u32 s5, $0x1;
	s2 =	sadd.s32 s19, s18  }
0x9c: {  	s6 =	simm.s32 $0x0;
	s20 =	sshll.u32 s4, $0x1;
	s4 =	sadd.s32 s21, s2  }
0x9d: {  	[timem:s6], [sflag:s22] =	dma.local [hbm:s4], s20  }
0x9e: {  	_ =	swait.ge [sflag:s22], s20  }
0x9f: {  	s3 =	ssub.s32 $0x0, s20;
	[sflag:s22] =	ssyncset.done $0x0  }
0xa0: {  	[sflag:s22] =	ssyncadd.s32 s3;
	_ =	sdelay $0x1  }
0xa1: {  	s23 =	simm.s32 $0x1B8B  }
0xa2: {  	_ =	swait.ge [sflag:s23], $0x1  }
0xa3: {  	[sflag:s23] =	ssyncset.done $0x0  }
0xa4: {  	s25 =	simm.s32 $0x1B8E;
	s24 =	sld [smem:$0x3FFE];
	[sflag:s23] =	ssyncadd.s32 $0xFFFFFFFF  }
0xa5: {  	s26 =	simm.s32 $execute0_lowered;
	[smem:$0x3FD2] =	sst s25  }
0xa6: {  	s4 =	sshll.u32 s26, $0x1;
	_ =	strace $0x80000046;
	[dreg:$0x1] =	wrdreg $0xFFFFFFFF  }
0xa7: {  	s28 =	simm.s32 $_size_execute0_lowered;
	s2 =	sadd.s32 s2, s4;
	[dreg:$0x0] =	wrdreg $0x0  }
0xa8: {  	s4 =	sshll.u32 s28, $0x1;
	[dreg:$0x2] =	wrdreg s2  }
0xa9: {  	[dreg:$0x3] =	wrdreg s4  }
0xaa: {  	[dreg:$0x4] =	wrdreg $0xC0  }
0xab: {  	_ =	task [dreg:s6], $0x5FFFF  }
0xac: {  	[dreg:$0x1] =	wrdreg $0xFFFFFFFF  }
0xad: {  	[dreg:$0x0] =	wrdreg $0x60  }
0xae: {  	[dreg:$0x2] =	wrdreg s24  }
0xaf: {  	[dreg:$0x3] =	wrdreg $0x1D7800  }
0xb0: {  	[dreg:$0x4] =	wrdreg $0x9  }
0xb1: {  	_ =	task.clear_ibuf [dreg:s6], $0x5FFFF;
	_ =	strace $0x90000046  }
0xb2: {  	s29 =	simm.s32 $0x9;
	_ =	strace $0x80000048  }
0xb3: {  	_ =	swait.ge [sflag:s29], $0x1  }
0xb4: {  	[sflag:s29] =	ssyncadd.s32 $0xFFFFFFFF  }
0xb5: {  	_ =	strace $0x90000048  }
0xb6: {  	_ =	sfence  }
0xb7: {  	s30 =	sld [smem:$0x0];
	_ =	sdelay $0x2  }
0xb8: {  	s31 =	sshll.u32 s1, $0xD;
	s1 =	sshrl.u32 s1, $0x2  }
0xb9: {  	s3 =	sand.u32 $0x4000, s31;
	s1 =	sadd.s32 s1, s30  }
0xba: {  	s0 =	sor.u32 s3, s0;
	s1 =	sshll.u32 s1, $0x11  }
0xbb: {  	s0 =	sor.u32 s1, s0  }
0xbc: {  	s0 =	sadd.s32 $0x8F2B, s0  }
0xbd: {  	[sflag:s0] =	ssyncadd.remote.s32 $0x1  }
0xbe: {  	_ =	sfence.sel $0xFFFF  }
0xbf: {  	[dreg:$0x0] =	wrdreg $0xFFFFFFFF;
	(pc) =	sbr.abs _section_cstart, $3  }
0xc0: {  	[dreg:$0x1] =	wrdreg $0xFFFFFFFF  }
0xc1: {  	_ =	task.clear_ibuf [dreg:s6], $0x2FFFF;
	_ =	strace $0x9FFFFFFF  }
0xc2: {  	(tm) =	ssettm $0x7FFFFFFF  }
0xc3: {  	_ =	shalt  }
tec
execute0_lowered:
.L_overlay_start_1:
0x0: {  	(tag) =	ssettag $0x1  }
0x1: {  	s0 =	rddreg [dreg:$0x0]  }
0x2: {  	s2 =	srdreg.scid;
	s8 =	stileid.u32  }
0x3: {  	s1 =	rddreg [dreg:$0x1];
	s13 =	simm.s32 $0x1;
	s14 =	simm.s32 $0x2  }
0x4: {  	s15 =	simm.s32 $0x3;
	s16 =	simm.s32 $0x2710;
	s17 =	simm.s32 $0x4E20  }
0x5: {  	s18 =	simm.s32 $0x7530;
	s19 =	simm.s32 $0x9C40;
	s20 =	simm.s32 $0xC350  }
0x6: {  	s21 =	simm.s32 $0xEA60;
	s22 =	simm.s32 $0x11170;
	s23 =	simm.s32 $0x18780  }
0x7: {  	s24 =	simm.s32 $0x1AF80;
	s25 =	simm.s32 $0x80;
	s26 =	simm.s32 $0x400  }
0x8: {  	s28 =	simm.s32 $0x4;
	s29 =	simm.s32 $0x0;
	s4 =	sand.u32 $0x1, s2  }
0x9: {  	s3 =	sshll.u32 s8, $0x1;
	s6 =	sshrl.u32 s8, $0x2;
	s10 =	smul.u32 $0x280, s8  }
0xa: {  	s2 =	simm.s32 $0x0;
	p0 =	sne.s32 s8, $0x0;
	s6 =	smul.u32 $0x14000, s6  }
0xb: {  	s3 =	sor.u32 s4, s3;
	[smem:$0x7FF] =	sst s2;
	s11 =	smul.u32 $0x140, s4  }
0xc: {  	s30 =	ssub.s32 $0x2, s4;
	s5 =	smul.u32 $0x2710, s3;
	_ =	strace $0x80000047  }
0xd: {  	s7 =	sshll.u32 s3, $0x7;
	s3 =	sadd.s32 $0x1600, s0;
	s9 =	sshrl.u32 s30, $0x1  }
0xe: {  	s7 =	sand.u32 $0x380, s7;
	s9 =	ssub.s32 s30, s9;
	s31 =	sadd.s32 s11, s10  }
0xf: {  	s10 =	sshrl.u32 @!p0 s1, $0x3;
	s5 =	sshrl.u32 s5, $0x3;
	s6 =	sor.u32 s6, s7  }
0x10: {  	s8 =	smax.u32 s9, $0x1;
	s5 =	sadd.s32 s5, s0;
	s6 =	sshrl.u32 s6, $0x3  }
0x11: {  	s9 =	sor.u32 $0x10, s31;
	s0 =	sadd.s32 s6, s0;
	s4 =	sadd.s32 $0x3E00, s5  }
0x12: {  	v0 =	vimm.f32 $0.0e+00;
	v1 =	vimm.f32 $1.000000000e+00;
	v2 =	vlaneseq.u32;
	s5 =	sadd.s32 $0xDA40, s5;
	s6 =	sadd.s32 $0x17800, s0;
	s7 =	sadd.s32 $0x21800, s0  }
.LBB2_1:
0x13: {  	s0 =	simm.s32 @!p0 $0x1C04  }
0x14: {  	[spmem:s10], [sflag:s0] =	dma.local @!p0 [hbm:s3], $0x2710  }
0x15: {  	s0 =	simm.s32 @!p0 $0x4  }
0x16: {  	_ =	swait.ge @!p0 [sflag:s0], $0x2710  }
0x17: {  	[sflag:s0] =	ssyncset.done @!p0 $0x0  }
0x18: {  	s30 =	simm.s32 $0x13880;
	[sflag:s0] =	ssyncadd.s32 @!p0 $0xFFFFD8F0  }
0x19: {  	[tilespmem:s30], [sflag:$0x2] =	stream.linear.gather [hbm4b:s4+s2], $0x2710, $0x38;
	[tilespmem:$0x1EB08] =	vst v63  }
0x1a: {  	s31 =	simm.s32 $0x16000;
	s0 =	simm.s32 $0x187C0  }
0x1b: {  	[tilespmem:s31], [sflag:$0x3] =	stream.linear.gather [hbm4b:s5+s2], $0x2710, $0x38;
	[tilespmem:$0x1EB08] =	vst v63  }
0x1c: {  	[tilespmem:s0+$0x30] =	vst v0  }
0x1d: {  	[tilespmem:s0+$0xFFFFFFF0] =	vst v0  }
0x1e: {  	[tilespmem:s0+$0xFFFFFFC0] =	vst v0  }
0x1f: {  	[tilespmem:s0+$0xFFFFFFE0] =	vst v0  }
0x20: {  	[tilespmem:s0+$0x10] =	vst v0  }
0x21: {  	[tilespmem:s0+$0x20] =	vst v0  }
0x22: {  	[tilespmem:s0+$0x0] =	vst v0  }
0x23: {  	s11 =	simm.s32 $0x1AFC0;
	[tilespmem:s0+$0xFFFFFFD0] =	vst v0  }
0x24: {  	[tilespmem:s11+$0xFFFFFFC0] =	vst v0  }
0x25: {  	[tilespmem:s11+$0x30] =	vst v0  }
0x26: {  	[tilespmem:s11+$0x20] =	vst v0  }
0x27: {  	[tilespmem:s11+$0x10] =	vst v0  }
0x28: {  	[tilespmem:s11+$0xFFFFFFE0] =	vst v0  }
0x29: {  	[tilespmem:s11+$0x0] =	vst v0  }
0x2a: {  	s12 =	simm.s32 $0x0;
	[tilespmem:s11+$0xFFFFFFF0] =	vst v0  }
.LBB2_2:
0x2b: {  	s12 =	sadd.s32 $0x8, s12;
	[tilespmem:s11+$0xFFFFFFD0] =	vst v0;
	s0 =	sadd.s32 $0x80, s0;
	s11 =	sadd.s32 $0x80, s11  }
0x2c: {  	[tilespmem:s0+$0x30] =	vst v0;
	p1 =	slt.u32 s12, $0x278  }
0x2d: {  	[tilespmem:s0+$0xFFFFFFF0] =	vst v0  }
0x2e: {  	[tilespmem:s0+$0xFFFFFFC0] =	vst v0  }
0x2f: {  	[tilespmem:s11+$0xFFFFFFC0] =	vst v0  }
0x30: {  	[tilespmem:s11+$0x30] =	vst v0  }
0x31: {  	[tilespmem:s0+$0xFFFFFFE0] =	vst v0  }
0x32: {  	[tilespmem:s0+$0x10] =	vst v0  }
0x33: {  	[tilespmem:s0+$0x20] =	vst v0  }
0x34: {  	[tilespmem:s11+$0x20] =	vst v0  }
0x35: {  	[tilespmem:s11+$0x10] =	vst v0  }
.Ltmp0:
0x36: {  	[tilespmem:s11+$0xFFFFFFE0] =	vst v0;
	(pc) =	sbr.rel @p1 .LBB2_2-.Ltmp0, $4  }
0x37: {  	[tilespmem:s0+$0x0] =	vst v0  }
0x38: {  	[tilespmem:s11+$0x0] =	vst v0  }
0x39: {  	[tilespmem:s11+$0xFFFFFFF0] =	vst v0  }
0x3a: {  	[tilespmem:s0+$0xFFFFFFD0] =	vst v0  }
0x3b: {  	[tilespmem:s11+$0xFFFFFFD0] =	vst v0  }
0x3c: {  	[bflag:$0x0] =	sbarrier.arrive $0xFFFF  }
0x3d: {  	[tilespmem:s2], [sflag:$0x1] =	stream.linear.gather [spmem:s1], $0x13880, $0x38;
	[tilespmem:$0x1EB08] =	vst v63  }
0x3e: {  	_ =	swait.ge [sflag:s13], $0x13880  }
0x3f: {  	[sflag:s13] =	ssyncset.done $0x0  }
0x40: {  	[sflag:s13] =	ssyncadd.s32 $0xFFFEC780  }
0x41: {  	_ =	swait.ge [sflag:s14], $0x2710  }
0x42: {  	[sflag:s14] =	ssyncset.done $0x0  }
0x43: {  	[sflag:s14] =	ssyncadd.s32 $0xFFFFD8F0  }
0x44: {  	_ =	swait.ge [sflag:s15], $0x2710  }
0x45: {  	[sflag:s15] =	ssyncset.done $0x0  }
0x46: {  	s0 =	simm.s32 $0x138A0;
	[sflag:s15] =	ssyncadd.s32 $0xFFFFD8F0  }
0x47: {  	s30 =	simm.s32 $0x16020;
	v8 =	vld [tilespmem:s0+$0x10]  }
0x48: {  	v6 =	vld [tilespmem:s30+$0x10];
	_ =	sdelay $0x1  }
0x49: {  	v4 =	vld [tilespmem:s30+$0xFFFFFFE0]  }
0x4a: {  	v9 =	vld [tilespmem:s0+$0xFFFFFFF0]  }
0x4b: {  	v5 =	vld [tilespmem:s30+$0xFFFFFFF0]  }
0x4c: {  	v7 =	vld [tilespmem:s0+$0x0]  }
0x4d: {  	v10 =	vld [tilespmem:s0+$0xFFFFFFE0]  }
0x4e: {  	v11 =	vld.idx.msk [tilespmem:v8+s2+$0x0], $0xffff  }
0x4f: {  	v12 =	vld.idx.msk [tilespmem:v6+s2+$0x0], $0xffff  }
0x50: {  	v13 =	vld.idx.msk [tilespmem:v8+s16+$0x0], $0xffff  }
0x51: {  	v14 =	vld.idx.msk [tilespmem:v6+s16+$0x0], $0xffff  }
0x52: {  	v15 =	vld.idx.msk [tilespmem:v8+s17+$0x0], $0xffff  }
0x53: {  	v16 =	vld.idx.msk [tilespmem:v6+s17+$0x0], $0xffff  }
0x54: {  	v17 =	vld.idx.msk [tilespmem:v8+s18+$0x0], $0xffff  }
0x55: {  	v18 =	vld.idx.msk [tilespmem:v6+s18+$0x0], $0xffff  }
0x56: {  	v19 =	vld.idx.msk [tilespmem:v8+s19+$0x0], $0xffff  }
0x57: {  	v20 =	vld.idx.msk [tilespmem:v6+s19+$0x0], $0xffff  }
0x58: {  	v21 =	vld.idx.msk [tilespmem:v8+s20+$0x0], $0xffff  }
0x59: {  	v22 =	vld.idx.msk [tilespmem:v6+s20+$0x0], $0xffff  }
0x5a: {  	v23 =	vld.idx.msk [tilespmem:v8+s21+$0x0], $0xffff  }
0x5b: {  	v24 =	vld.idx.msk [tilespmem:v6+s21+$0x0], $0xffff  }
0x5c: {  	v8 =	vld.idx.msk [tilespmem:v8+s22+$0x0], $0xffff  }
0x5d: {  	v25 =	vld.idx.msk [tilespmem:v6+s22+$0x0], $0xffff  }
0x5e: {  	v26 =	vld.idx.msk [tilespmem:v10+s2+$0x0], $0xffff  }
0x5f: {  	v27 =	vld.idx.msk [tilespmem:v4+s2+$0x0], $0xffff  }
0x60: {  	v28 =	vld.idx.msk [tilespmem:v10+s16+$0x0], $0xffff  }
0x61: {  	v29 =	vld.idx.msk [tilespmem:v4+s16+$0x0], $0xffff  }
0x62: {  	v30 =	vld.idx.msk [tilespmem:v10+s17+$0x0], $0xffff;
	v11 =	vmul.bf16 v12, v11;
	v12 =	vmul.bf16 v14, v13  }
0x63: {  	v31 =	vld.idx.msk [tilespmem:v4+s17+$0x0], $0xffff;
	v14 =	vmul.bf16 v16, v15;
	v15 =	vmul.bf16 v18, v17  }
0x64: {  	v32 =	vld.idx.msk [tilespmem:v10+s18+$0x0], $0xffff;
	v17 =	vmul.bf16 v20, v19;
	v36 =	vmul.bf16 v22, v21  }
0x65: {  	v33 =	vld.idx.msk [tilespmem:v4+s18+$0x0], $0xffff;
	v38 =	vmul.bf16 v24, v23;
	v8 =	vmul.bf16 v25, v8  }
0x66: {  	v37 =	vld.idx.msk [tilespmem:v10+s20+$0x0], $0xffff;
	v11 =	vadd.bf16 v12, v11;
	v12 =	vadd.bf16 v15, v14  }
0x67: {  	v39 =	vld.idx.msk [tilespmem:v4+s20+$0x0], $0xffff;
	v15 =	vadd.bf16 v36, v17;
	v8 =	vadd.bf16 v8, v38  }
0x68: {  	v13 =	vld.idx.msk [tilespmem:v10+s19+$0x0], $0xffff  }
0x69: {  	v16 =	vld.idx.msk [tilespmem:v4+s19+$0x0], $0xffff;
	v11 =	vadd.bf16 v12, v11;
	v8 =	vadd.bf16 v8, v15  }
0x6a: {  	v14 =	vld.idx.msk [tilespmem:v10+s21+$0x0], $0xffff  }
0x6b: {  	v17 =	vld.idx.msk [tilespmem:v4+s21+$0x0], $0xffff;
	v8 =	vadd.bf16 v8, v11  }
0x6c: {  	v10 =	vld.idx.msk [tilespmem:v10+s22+$0x0], $0xffff  }
0x6d: {  	v12 =	vld.idx.msk [tilespmem:v4+s22+$0x0], $0xffff;
	v41 =	vunpack.i.u.bf16.f32 v8;
	v8 =	vunpack.i.l.bf16.f32 v8  }
0x6e: {  	v3 =	vld [tilespmem:s30+$0x0];
	v43 =	vmul.bf16 v27, v26;
	v8 =	vadd.f32 v8, v41  }
0x6f: {  	v40 =	vld.idx.msk [tilespmem:v9+s16+$0x0], $0xffff;
	v44 =	vmul.bf16 v29, v28;
	v46 =	vmul.bf16 v31, v30  }
0x70: {  	v42 =	vld.idx.msk [tilespmem:v5+s16+$0x0], $0xffff;
	v47 =	vmul.bf16 v33, v32;
	v13 =	vmul.bf16 v16, v13;
	v8 =	vsub.f32 $0.0e+00, v8  }
0x71: {  	v45 =	vld.idx.msk [tilespmem:v9+s17+$0x0], $0xffff;
	v16 =	vmul.bf16 v39, v37;
	v14 =	vmul.bf16 v17, v14  }
0x72: {  	v48 =	vld.idx.msk [tilespmem:v5+s17+$0x0], $0xffff;
	v10 =	vmul.bf16 v12, v10;
	v8 =	vmul.f32 $1.442695020e+00, v8  }
0x73: {  	v49 =	vld.idx.msk [tilespmem:v9+s18+$0x0], $0xffff;
	v50 =	vadd.bf16 v47, v46;
	v17 =	vadd.bf16 v44, v43  }
0x74: {  	v51 =	vld.idx.msk [tilespmem:v9+s19+$0x0], $0xffff;
	v13 =	vadd.bf16 v16, v13;
	v10 =	vadd.bf16 v10, v14;
	(erf) = vpow2.f32 v8  }
0x75: {  	v53 =	vld.idx.msk [tilespmem:v5+s22+$0x0], $0xffff  }
0x76: {  	v15 =	vld.idx.msk [tilespmem:v9+s2+$0x0], $0xffff;
	v16 =	vadd.bf16 v50, v17;
	v10 =	vadd.bf16 v10, v13  }
0x77: {  	v11 =	vld.idx.msk [tilespmem:v5+s2+$0x0], $0xffff  }
0x78: {  	v12 =	vld.idx.msk [tilespmem:v5+s18+$0x0], $0xffff;
	v10 =	vadd.bf16 v10, v16  }
0x79: {  	v17 =	vld.idx.msk [tilespmem:v9+s21+$0x0], $0xffff  }
0x7a: {  	v14 =	vld.idx.msk [tilespmem:v5+s19+$0x0], $0xffff;
	v52 =	vunpack.i.u.bf16.f32 v10;
	v10 =	vunpack.i.l.bf16.f32 v10  }
0x7b: {  	v13 =	vld.idx.msk [tilespmem:v5+s20+$0x0], $0xffff;
	v10 =	vadd.f32 v10, v52  }
0x7c: {  	v8 =	vld.idx.msk [tilespmem:v9+s20+$0x0], $0xffff  }
0x7d: {  	v16 =	vld.idx.msk [tilespmem:v5+s21+$0x0], $0xffff;
	v10 =	vsub.f32 $0.0e+00, v10;
	v56 =	vpop (erf)  }
0x7e: {  	v18 =	vmul.bf16 v42, v40;
	v9 =	vld.idx.msk [tilespmem:v9+s22+$0x0], $0xffff;
	v19 =	vadd.f32 $1.000000000e+00, v56  }
0x7f: {  	v20 =	vmul.bf16 v48, v45;
	v10 =	vmul.f32 $1.442695020e+00, v10  }
0x80: {  	v54 =	vld.idx.msk [tilespmem:v7+s2+$0x0], $0xffff;
	v11 =	vmul.bf16 v11, v15;
	(erf) = vrcp.f32 v19  }
0x81: {  	v55 =	vld.idx.msk [tilespmem:v7+s16+$0x0], $0xffff;
	v12 =	vmul.bf16 v12, v49;
	(erf) = vpow2.f32 v10  }
0x82: {  	v57 =	vld.idx.msk [tilespmem:v3+s16+$0x0], $0xffff;
	v14 =	vmul.bf16 v14, v51;
	v8 =	vmul.bf16 v13, v8  }
0x83: {  	v58 =	vld.idx.msk [tilespmem:v7+s18+$0x0], $0xffff;
	v16 =	vmul.bf16 v16, v17;
	v9 =	vmul.bf16 v53, v9  }
0x84: {  	v60 =	vld.idx.msk [tilespmem:v3+s21+$0x0], $0xffff;
	v11 =	vadd.bf16 v18, v11;
	v12 =	vadd.bf16 v12, v20  }
0x85: {  	v15 =	vld.idx.msk [tilespmem:v3+s2+$0x0], $0xffff;
	v8 =	vadd.bf16 v8, v14;
	v9 =	vadd.bf16 v9, v16  }
0x86: {  	v11 =	vadd.bf16 v12, v11;
	v12 =	vld.idx.msk [tilespmem:v7+s20+$0x0], $0xffff  }
0x87: {  	v13 =	vld.idx.msk [tilespmem:v7+s17+$0x0], $0xffff;
	v8 =	vadd.bf16 v9, v8  }
0x88: {  	v17 =	vld.idx.msk [tilespmem:v3+s17+$0x0], $0xffff  }
0x89: {  	v8 =	vadd.bf16 v8, v11;
	v10 =	vld.idx.msk [tilespmem:v3+s18+$0x0], $0xffff;
	v62 =	vpop (erf)  }
0x8a: {  	v14 =	vld.idx.msk [tilespmem:v7+s19+$0x0], $0xffff;
	v63 =	vpop (erf)  }
0x8b: {  	v16 =	vld.idx.msk [tilespmem:v7+s21+$0x0], $0xffff;
	v59 =	vunpack.i.u.bf16.f32 v8;
	v8 =	vunpack.i.l.bf16.f32 v8;
	v18 =	vadd.f32 $1.000000000e+00, v63  }
0x8c: {  	v9 =	vld.idx.msk [tilespmem:v3+s19+$0x0], $0xffff;
	v8 =	vadd.f32 v8, v59  }
0x8d: {  	v11 =	vld.idx.msk [tilespmem:v3+s20+$0x0], $0xffff;
	(erf) = vrcp.f32 v18  }
0x8e: {  	v7 =	vld.idx.msk [tilespmem:v7+s22+$0x0], $0xffff;
	v13 =	vmul.bf16 v17, v13;
	v8 =	vsub.f32 $0.0e+00, v8;
	v10 =	vmul.bf16 v10, v58  }
0x8f: {  	v61 =	vmul.bf16 v57, v55;
	v15 =	vmul.bf16 v15, v54;
	v17 =	vld.idx.msk [tilespmem:v3+s22+$0x0], $0xffff  }
0x90: {  	v10 =	vadd.bf16 v10, v13;
	v13 =	vmul.f32 $1.442695020e+00, v8  }
0x91: {  	v15 =	vadd.bf16 v61, v15;
	v9 =	vmul.bf16 v9, v14  }
0x92: {  	v11 =	vmul.bf16 v11, v12;
	(erf) = vpow2.f32 v13  }
0x93: {  	v8 =	vmul.bf16 v60, v16;
	[tilespmem:v6+s23+$0x0] =	vst.idx.add.f32.msk $0xffff, v62;
	v15 =	vadd.bf16 v10, v15  }
0x94: {  	s31 =	simm.s32 $0x0;
	s0 =	simm.s32 $0x138E0;
	v10 =	vadd.bf16 v11, v9;
	[tilespmem:v6+s24+$0x0] =	vst.idx.add.f32.msk $0xffff, v1;
	v6 =	vmul.bf16 v17, v7  }
.LBB2_4:
0x95: {  	v14 =	vld [tilespmem:s0+$0x10];
	s30 =	sadd.s32 $0x40, s30  }
0x96: {  	v11 =	vld [tilespmem:s30+$0x10];
	v6 =	vadd.bf16 v6, v8;
	v9 =	vpop (erf)  }
0x97: {  	v8 =	vld [tilespmem:s30+$0xFFFFFFE0]  }
0x98: {  	v13 =	vld [tilespmem:s0+$0xFFFFFFF0];
	v7 =	vadd.bf16 v6, v10  }
0x99: {  	v6 =	vld [tilespmem:s30+$0xFFFFFFF0]  }
0x9a: {  	v10 =	vld [tilespmem:s0+$0x0];
	v12 =	vadd.bf16 v7, v15  }
0x9b: {  	v7 =	vld [tilespmem:s30+$0x0];
	v15 =	vpop (erf)  }
0x9c: {  	v16 =	vld [tilespmem:s0+$0xFFFFFFE0];
	v15 =	vadd.f32 $1.000000000e+00, v15;
	v17 =	vunpack.i.u.bf16.f32 v12;
	v12 =	vunpack.i.l.bf16.f32 v12  }
0x9d: {  	v18 =	vld.idx.msk [tilespmem:v14+s2+$0x0], $0xffff;
	v12 =	vadd.f32 v12, v17  }
0x9e: {  	v17 =	vld.idx.msk [tilespmem:v11+s2+$0x0], $0xffff;
	(erf) = vrcp.f32 v15  }
0x9f: {  	v15 =	vld.idx.msk [tilespmem:v14+s16+$0x0], $0xffff;
	v12 =	vsub.f32 $0.0e+00, v12  }
0xa0: {  	v19 =	vld.idx.msk [tilespmem:v11+s16+$0x0], $0xffff  }
0xa1: {  	v20 =	vld.idx.msk [tilespmem:v14+s17+$0x0], $0xffff;
	v12 =	vmul.f32 $1.442695020e+00, v12  }
0xa2: {  	v21 =	vld.idx.msk [tilespmem:v11+s17+$0x0], $0xffff  }
0xa3: {  	v22 =	vld.idx.msk [tilespmem:v14+s18+$0x0], $0xffff;
	(erf) = vpow2.f32 v12  }
0xa4: {  	v23 =	vld.idx.msk [tilespmem:v11+s18+$0x0], $0xffff  }
0xa5: {  	s31 =	sadd.s32 $0x4, s31;
	v24 =	vld.idx.msk [tilespmem:v14+s19+$0x0], $0xffff  }
0xa6: {  	p1 =	slt.u32 s31, $0x26C;
	v25 =	vld.idx.msk [tilespmem:v11+s19+$0x0], $0xffff  }
0xa7: {  	v26 =	vld.idx.msk [tilespmem:v14+s20+$0x0], $0xffff;
	v12 =	vpop (erf)  }
0xa8: {  	v27 =	vld.idx.msk [tilespmem:v11+s20+$0x0], $0xffff  }
0xa9: {  	v28 =	vld.idx.msk [tilespmem:v14+s21+$0x0], $0xffff  }
0xaa: {  	v29 =	vld.idx.msk [tilespmem:v11+s21+$0x0], $0xffff  }
0xab: {  	v14 =	vld.idx.msk [tilespmem:v14+s22+$0x0], $0xffff  }
0xac: {  	v30 =	vld.idx.msk [tilespmem:v11+s22+$0x0], $0xffff;
	v31 =	vpop (erf)  }
0xad: {  	v32 =	vld.idx.msk [tilespmem:v16+s2+$0x0], $0xffff;
	v31 =	vadd.f32 $1.000000000e+00, v31  }
0xae: {  	v33 =	vld.idx.msk [tilespmem:v8+s2+$0x0], $0xffff  }
0xaf: {  	v17 =	vmul.bf16 v17, v18;
	v15 =	vmul.bf16 v19, v15;
	v34 =	vld.idx.msk [tilespmem:v16+s16+$0x0], $0xffff  }
0xb0: {  	v19 =	vmul.bf16 v21, v20;
	v20 =	vmul.bf16 v23, v22;
	v18 =	vld.idx.msk [tilespmem:v8+s16+$0x0], $0xffff  }
0xb1: {  	v22 =	vmul.bf16 v25, v24;
	v23 =	vmul.bf16 v27, v26;
	v21 =	vld.idx.msk [tilespmem:v16+s17+$0x0], $0xffff  }
0xb2: {  	v25 =	vmul.bf16 v29, v28;
	v14 =	vmul.bf16 v30, v14;
	v24 =	vld.idx.msk [tilespmem:v8+s17+$0x0], $0xffff  }
0xb3: {  	v15 =	vadd.bf16 v15, v17;
	v17 =	vadd.bf16 v20, v19;
	v26 =	vld.idx.msk [tilespmem:v16+s18+$0x0], $0xffff;
	(erf) = vrcp.f32 v31  }
0xb4: {  	v22 =	vadd.bf16 v23, v22;
	v19 =	vmul.bf16 v33, v32;
	v14 =	vadd.bf16 v14, v25;
	v20 =	vld.idx.msk [tilespmem:v8+s18+$0x0], $0xffff  }
0xb5: {  	v23 =	vld.idx.msk [tilespmem:v16+s19+$0x0], $0xffff  }
0xb6: {  	v15 =	vadd.bf16 v17, v15;
	v18 =	vmul.bf16 v18, v34;
	v14 =	vadd.bf16 v14, v22;
	v25 =	vld.idx.msk [tilespmem:v8+s19+$0x0], $0xffff  }
0xb7: {  	v17 =	vld.idx.msk [tilespmem:v16+s20+$0x0], $0xffff  }
0xb8: {  	v21 =	vmul.bf16 v24, v21;
	v18 =	vadd.bf16 v18, v19;
	v14 =	vadd.bf16 v14, v15;
	v22 =	vld.idx.msk [tilespmem:v8+s20+$0x0], $0xffff  }
0xb9: {  	v15 =	vld.idx.msk [tilespmem:v16+s21+$0x0], $0xffff  }
0xba: {  	v19 =	vmul.bf16 v20, v26;
	v24 =	vunpack.i.u.bf16.f32 v14;
	v26 =	vunpack.i.l.bf16.f32 v14;
	v20 =	vld.idx.msk [tilespmem:v8+s21+$0x0], $0xffff  }
0xbb: {  	v24 =	vadd.f32 v26, v24;
	v16 =	vld.idx.msk [tilespmem:v16+s22+$0x0], $0xffff  }
0xbc: {  	v23 =	vmul.bf16 v25, v23;
	v19 =	vadd.bf16 v19, v21;
	v25 =	vld.idx.msk [tilespmem:v8+s22+$0x0], $0xffff;
	v14 =	vpop (erf)  }
0xbd: {  	v24 =	vsub.f32 $0.0e+00, v24;
	v21 =	vld.idx.msk [tilespmem:v13+s2+$0x0], $0xffff  }
0xbe: {  	v17 =	vmul.bf16 v22, v17;
	v18 =	vadd.bf16 v19, v18;
	v19 =	vld.idx.msk [tilespmem:v6+s2+$0x0], $0xffff  }
0xbf: {  	v24 =	vmul.f32 $1.442695020e+00, v24;
	v22 =	vld.idx.msk [tilespmem:v13+s16+$0x0], $0xffff  }
0xc0: {  	v15 =	vmul.bf16 v20, v15;
	v17 =	vadd.bf16 v17, v23;
	v20 =	vld.idx.msk [tilespmem:v6+s16+$0x0], $0xffff  }
0xc1: {  	v23 =	vld.idx.msk [tilespmem:v13+s17+$0x0], $0xffff;
	(erf) = vpow2.f32 v24  }
0xc2: {  	v16 =	vmul.bf16 v25, v16;
	v24 =	vld.idx.msk [tilespmem:v6+s17+$0x0], $0xffff  }
0xc3: {  	v25 =	vld.idx.msk [tilespmem:v13+s18+$0x0], $0xffff  }
0xc4: {  	v15 =	vadd.bf16 v16, v15;
	v16 =	vmul.bf16 v19, v21;
	v19 =	vld.idx.msk [tilespmem:v6+s18+$0x0], $0xffff  }
0xc5: {  	v21 =	vld.idx.msk [tilespmem:v13+s19+$0x0], $0xffff  }
0xc6: {  	v15 =	vadd.bf16 v15, v17;
	v17 =	vmul.bf16 v20, v22;
	v20 =	vld.idx.msk [tilespmem:v6+s19+$0x0], $0xffff  }
0xc7: {  	v22 =	vld.idx.msk [tilespmem:v13+s20+$0x0], $0xffff  }
0xc8: {  	v15 =	vadd.bf16 v15, v18;
	v18 =	vmul.bf16 v24, v23;
	v16 =	vadd.bf16 v17, v16;
	v23 =	vld.idx.msk [tilespmem:v6+s20+$0x0], $0xffff  }
0xc9: {  	v17 =	vld.idx.msk [tilespmem:v13+s21+$0x0], $0xffff  }
0xca: {  	v24 =	vunpack.i.u.bf16.f32 v15;
	v15 =	vunpack.i.l.bf16.f32 v15;
	v19 =	vmul.bf16 v19, v25;
	v25 =	vld.idx.msk [tilespmem:v6+s21+$0x0], $0xffff;
	v26 =	vpop (erf)  }
0xcb: {  	v15 =	vadd.f32 v15, v24;
	v13 =	vld.idx.msk [tilespmem:v13+s22+$0x0], $0xffff;
	v24 =	vadd.f32 $1.000000000e+00, v26  }
0xcc: {  	v20 =	vmul.bf16 v20, v21;
	v18 =	vadd.bf16 v19, v18;
	v21 =	vld.idx.msk [tilespmem:v6+s22+$0x0], $0xffff  }
0xcd: {  	v15 =	vsub.f32 $0.0e+00, v15;
	v19 =	vld.idx.msk [tilespmem:v10+s2+$0x0], $0xffff;
	(erf) = vrcp.f32 v24  }
0xce: {  	v22 =	vmul.bf16 v23, v22;
	v16 =	vadd.bf16 v18, v16;
	v18 =	vld.idx.msk [tilespmem:v7+s2+$0x0], $0xffff  }
0xcf: {  	v15 =	vmul.f32 $1.442695020e+00, v15;
	v23 =	vld.idx.msk [tilespmem:v10+s16+$0x0], $0xffff  }
0xd0: {  	v17 =	vmul.bf16 v25, v17;
	v20 =	vadd.bf16 v22, v20;
	v22 =	vld.idx.msk [tilespmem:v7+s16+$0x0], $0xffff  }
0xd1: {  	v24 =	vld.idx.msk [tilespmem:v10+s17+$0x0], $0xffff;
	(erf) = vpow2.f32 v15  }
0xd2: {  	v13 =	vmul.bf16 v21, v13;
	v15 =	vld.idx.msk [tilespmem:v7+s17+$0x0], $0xffff  }
0xd3: {  	v21 =	vld.idx.msk [tilespmem:v10+s18+$0x0], $0xffff  }
0xd4: {  	v13 =	vadd.bf16 v13, v17;
	v17 =	vmul.bf16 v18, v19;
	v18 =	vld.idx.msk [tilespmem:v7+s18+$0x0], $0xffff  }
0xd5: {  	v19 =	vld.idx.msk [tilespmem:v10+s19+$0x0], $0xffff  }
0xd6: {  	v13 =	vadd.bf16 v13, v20;
	v20 =	vmul.bf16 v22, v23;
	v22 =	vld.idx.msk [tilespmem:v7+s19+$0x0], $0xffff;
	v23 =	vpop (erf)  }
0xd7: {  	[tilespmem:v11+s23+$0x0] =	vst.idx.add.f32.msk $0xffff, v23  }
0xd8: {  	v15 =	vmul.bf16 v15, v24;
	v17 =	vadd.bf16 v20, v17;
	[tilespmem:v11+s24+$0x0] =	vst.idx.add.f32.msk $0xffff, v1  }
0xd9: {  	v11 =	vadd.bf16 v13, v16;
	v13 =	vld.idx.msk [tilespmem:v10+s20+$0x0], $0xffff  }
0xda: {  	v16 =	vmul.bf16 v18, v21;
	v18 =	vld.idx.msk [tilespmem:v7+s20+$0x0], $0xffff;
	v20 =	vpop (erf)  }
0xdb: {  	v21 =	vunpack.i.u.bf16.f32 v11;
	v11 =	vunpack.i.l.bf16.f32 v11;
	v20 =	vadd.f32 $1.000000000e+00, v20;
	v23 =	vld.idx.msk [tilespmem:v10+s21+$0x0], $0xffff  }
0xdc: {  	v11 =	vadd.f32 v11, v21;
	v19 =	vmul.bf16 v22, v19;
	v15 =	vadd.bf16 v16, v15;
	v21 =	vld.idx.msk [tilespmem:v7+s21+$0x0], $0xffff  }
0xdd: {  	v16 =	vld.idx.msk [tilespmem:v10+s22+$0x0], $0xffff;
	(erf) = vrcp.f32 v20  }
0xde: {  	v10 =	vsub.f32 $0.0e+00, v11;
	v15 =	vadd.bf16 v15, v17;
	v11 =	vld.idx.msk [tilespmem:v7+s22+$0x0], $0xffff  }
0xdf: {  	[tilespmem:v4+s23+$0x0] =	vst.idx.add.f32.msk $0xffff, v9  }
.Ltmp1:
0xe0: {  	v9 =	vmul.f32 $1.442695020e+00, v10;
	v10 =	vmul.bf16 v18, v13;
	[tilespmem:v4+s24+$0x0] =	vst.idx.add.f32.msk $0xffff, v1;
	v4 =	vmov v8;
	(pc) =	sbr.rel @p1 .LBB2_4-.Ltmp1, $4  }
0xe1: {  	[tilespmem:v5+s23+$0x0] =	vst.idx.add.f32.msk $0xffff, v12  }
0xe2: {  	v8 =	vmul.bf16 v21, v23;
	v10 =	vadd.bf16 v10, v19;
	(erf) = vpow2.f32 v9;
	[tilespmem:v5+s24+$0x0] =	vst.idx.add.f32.msk $0xffff, v1  }
0xe3: {  	v5 =	vmov v6;
	[tilespmem:v3+s23+$0x0] =	vst.idx.add.f32.msk $0xffff, v14  }
0xe4: {  	s0 =	sadd.s32 $0x40, s0;
	v6 =	vmul.bf16 v11, v16;
	[tilespmem:v3+s24+$0x0] =	vst.idx.add.f32.msk $0xffff, v1;
	v3 =	vmov v7  }
0xe5: {  	_ = 	snop  }
0xe6: {  	v6 =	vadd.bf16 v6, v8;
	_ =	sdelay $0x1  }
0xe7: {  	v6 =	vadd.bf16 v6, v10;
	_ =	sdelay $0x1  }
0xe8: {  	v6 =	vadd.bf16 v6, v15;
	_ =	sdelay $0x1  }
0xe9: {  	v7 =	vunpack.i.u.bf16.f32 v6  }
0xea: {  	v6 =	vunpack.i.l.bf16.f32 v6  }
0xeb: {  	v6 =	vadd.f32 v6, v7  }
0xec: {  	v7 =	vpop (erf)  }
0xed: {  	v6 =	vsub.f32 $0.0e+00, v6;
	v8 =	vpop (erf)  }
0xee: {  	v8 =	vadd.f32 $1.000000000e+00, v8  }
0xef: {  	v6 =	vmul.f32 $1.442695020e+00, v6  }
0xf0: {  	(erf) = vrcp.f32 v8  }
0xf1: {  	(erf) = vpow2.f32 v6;
	_ =	sdelay $0x7  }
0xf2: {  	v6 =	vpop (erf)  }
0xf3: {  	v8 =	vpop (erf)  }
0xf4: {  	v8 =	vadd.f32 $1.000000000e+00, v8;
	_ =	sdelay $0x1  }
0xf5: {  	(erf) = vrcp.f32 v8;
	_ =	sdelay $0x5  }
0xf6: {  	[tilespmem:v4+s23+$0x0] =	vst.idx.add.f32.msk $0xffff, v7  }
0xf7: {  	[tilespmem:v4+s24+$0x0] =	vst.idx.add.f32.msk $0xffff, v1  }
0xf8: {  	[tilespmem:v5+s23+$0x0] =	vst.idx.add.f32.msk $0xffff, v6  }
0xf9: {  	[tilespmem:v5+s24+$0x0] =	vst.idx.add.f32.msk $0xffff, v1;
	v4 =	vpop (erf)  }
0xfa: {  	[tilespmem:v3+s23+$0x0] =	vst.idx.add.f32.msk $0xffff, v4  }
0xfb: {  	[tilespmem:v3+s24+$0x0] =	vst.idx.add.f32.msk $0xffff, v1  }
0xfc: {  	v3 =	vld [tilespmem:$0x15F80]  }
0xfd: {  	v4 =	vld [tilespmem:$0x18700];
	_ =	sdelay $0x6  }
0xfe: {  	v5 =	vld.idx.msk [tilespmem:v3+s2+$0x0], $0xffff  }
0xff: {  	v6 =	vld.idx.msk [tilespmem:v4+s2+$0x0], $0xffff  }
0x100: {  	v7 =	vld.idx.msk [tilespmem:v3+s16+$0x0], $0xffff  }
0x101: {  	v8 =	vld.idx.msk [tilespmem:v4+s16+$0x0], $0xffff  }
0x102: {  	v9 =	vld.idx.msk [tilespmem:v3+s17+$0x0], $0xffff  }
0x103: {  	v10 =	vld.idx.msk [tilespmem:v4+s17+$0x0], $0xffff  }
0x104: {  	v11 =	vld.idx.msk [tilespmem:v3+s18+$0x0], $0xffff  }
0x105: {  	v12 =	vld.idx.msk [tilespmem:v4+s18+$0x0], $0xffff  }
0x106: {  	v13 =	vld.idx.msk [tilespmem:v3+s19+$0x0], $0xffff  }
0x107: {  	v14 =	vld.idx.msk [tilespmem:v4+s19+$0x0], $0xffff  }
0x108: {  	v15 =	vld.idx.msk [tilespmem:v3+s20+$0x0], $0xffff  }
0x109: {  	v16 =	vld.idx.msk [tilespmem:v4+s20+$0x0], $0xffff  }
0x10a: {  	v17 =	vld.idx.msk [tilespmem:v3+s21+$0x0], $0xffff  }
0x10b: {  	v18 =	vld.idx.msk [tilespmem:v4+s21+$0x0], $0xffff  }
0x10c: {  	v3 =	vld.idx.msk [tilespmem:v3+s22+$0x0], $0xffff  }
0x10d: {  	v19 =	vld.idx.msk [tilespmem:v4+s22+$0x0], $0xffff;
	_ =	sdelay $0x1  }
0x10e: {  	v5 =	vmul.bf16 v6, v5;
	v6 =	vmul.bf16 v8, v7  }
0x10f: {  	v7 =	vmul.bf16 v10, v9;
	v8 =	vmul.bf16 v12, v11  }
0x110: {  	v9 =	vmul.bf16 v14, v13;
	v10 =	vmul.bf16 v16, v15  }
0x111: {  	v11 =	vmul.bf16 v18, v17;
	v3 =	vmul.bf16 v19, v3  }
0x112: {  	v5 =	vadd.bf16 v6, v5;
	v6 =	vadd.bf16 v8, v7  }
0x113: {  	v7 =	vadd.bf16 v10, v9;
	v3 =	vadd.bf16 v3, v11;
	_ =	sdelay $0x1  }
0x114: {  	v5 =	vadd.bf16 v6, v5;
	v3 =	vadd.bf16 v3, v7;
	_ =	sdelay $0x1  }
0x115: {  	v3 =	vadd.bf16 v3, v5;
	_ =	sdelay $0x1  }
0x116: {  	v5 =	vunpack.i.u.bf16.f32 v3;
	v3 =	vunpack.i.l.bf16.f32 v3  }
0x117: {  	v3 =	vadd.f32 v3, v5;
	_ =	sdelay $0x1  }
0x118: {  	v3 =	vsub.f32 $0.0e+00, v3;
	_ =	sdelay $0x1  }
0x119: {  	v3 =	vmul.f32 $1.442695020e+00, v3;
	_ =	sdelay $0x1  }
0x11a: {  	(erf) = vpow2.f32 v3;
	_ =	sdelay $0x8  }
0x11b: {  	v3 =	vpop (erf)  }
0x11c: {  	v3 =	vadd.f32 $1.000000000e+00, v3;
	_ =	sdelay $0x1  }
0x11d: {  	(erf) = vrcp.f32 v3;
	_ =	sdelay $0x3  }
0x11e: {  	s30 =	sadd.s32 $0xFFFFFFF0, s9  }
0x11f: {  	v8 =	vor.u32 s30, v2  }
0x120: {  	vm0 =	vlt.s32 v8, $0x270F  }
0x121: {  	v5 =	vnsel vm0, $0x270F, v8;
	_ =	sdelay $0x1  }
0x122: {  	v3 =	vpop (erf)  }
0x123: {  	[tilespmem:v4+s23+$0x0] =	vst.idx.add.f32.msk $0xffff, v3  }
0x124: {  	[tilespmem:v4+s24+$0x0] =	vst.idx.add.f32.msk $0xffff, v1  }
0x125: {  	v4 =	vld.idx.msk [tilespmem:v5+s2+$0x0], $0xffff  }
0x126: {  	v6 =	vld.idx.msk [tilespmem:v5+s16+$0x0], $0xffff  }
0x127: {  	v7 =	vld.idx.msk [tilespmem:v5+s17+$0x0], $0xffff  }
0x128: {  	v3 =	vor.u32 s9, v2;
	v9 =	vld.idx.msk [tilespmem:v5+s18+$0x0], $0xffff  }
0x129: {  	vm0 =	vlt.s32 v3, $0x270F;
	v10 =	vld.idx.msk [tilespmem:v5+s19+$0x0], $0xffff  }
0x12a: {  	v11 =	vld.idx.msk [tilespmem:v5+s20+$0x0], $0xffff;
	v12 =	vnsel vm0, $0x270F, v3  }
0x12b: {  	v13 =	vld.idx.msk [tilespmem:v5+s21+$0x0], $0xffff  }
0x12c: {  	v5 =	vld.idx.msk [tilespmem:v5+s22+$0x0], $0xffff;
	_ =	sdelay $0x1  }
0x12d: {  	s0 =	sadd.s32 $0x20, s9;
	v4 =	vmul.bf16 v4, v4;
	v6 =	vmul.bf16 v6, v6  }
0x12e: {  	s31 =	sadd.s32 $0xFFFFFFF0, s0;
	v7 =	vmul.bf16 v7, v7;
	v9 =	vmul.bf16 v9, v9;
	v14 =	vld.idx.msk [tilespmem:v12+s2+$0x0], $0xffff  }
0x12f: {  	v15 =	vmul.bf16 v10, v10;
	v11 =	vmul.bf16 v11, v11;
	v16 =	vld.idx.msk [tilespmem:v12+s16+$0x0], $0xffff;
	v10 =	vor.u32 s31, v2  }
0x130: {  	v13 =	vmul.bf16 v13, v13;
	v5 =	vmul.bf16 v5, v5;
	v17 =	vld.idx.msk [tilespmem:v12+s17+$0x0], $0xffff;
	vm0 =	vlt.s32 v10, $0x270F  }
0x131: {  	v4 =	vadd.bf16 v6, v4;
	v6 =	vadd.bf16 v9, v7;
	v7 =	vld.idx.msk [tilespmem:v12+s18+$0x0], $0xffff;
	v9 =	vnsel vm0, $0x270F, v10  }
0x132: {  	v5 =	vadd.bf16 v5, v13;
	v13 =	vld.idx.msk [tilespmem:v12+s19+$0x0], $0xffff  }
0x133: {  	v11 =	vadd.bf16 v11, v15;
	v15 =	vld.idx.msk [tilespmem:v12+s20+$0x0], $0xffff  }
0x134: {  	v4 =	vadd.bf16 v6, v4;
	v6 =	vld.idx.msk [tilespmem:v12+s21+$0x0], $0xffff  }
0x135: {  	v5 =	vadd.bf16 v5, v11;
	v11 =	vmov s9;
	v12 =	vld.idx.msk [tilespmem:v12+s22+$0x0], $0xffff  }
0x136: {  	vm0 =	vlt.u32 v11, $0x2710;
	v11 =	vld.idx.msk [tilespmem:v9+s2+$0x0], $0xffff  }
0x137: {  	v18 =	vld.idx.msk [tilespmem:v9+s16+$0x0], $0xffff  }
0x138: {  	v14 =	vmul.bf16 v14, v14;
	v16 =	vmul.bf16 v16, v16;
	v20 =	vld.idx.msk [tilespmem:v9+s17+$0x0], $0xffff  }
0x139: {  	v17 =	vmul.bf16 v17, v17;
	v5 =	vadd.bf16 v5, v4;
	v4 =	vor.u32 s0, v2;
	v21 =	vld.idx.msk [tilespmem:v9+s19+$0x0], $0xffff  }
0x13a: {  	vm1 =	vlt.s32 v4, $0x270F;
	v7 =	vmul.bf16 v7, v7;
	v13 =	vmul.bf16 v13, v13;
	v23 =	vld.idx.msk [tilespmem:v9+s20+$0x0], $0xffff  }
0x13b: {  	v14 =	vadd.bf16 v16, v14;
	v16 =	vld.idx.msk [tilespmem:v9+s21+$0x0], $0xffff;
	v19 =	vunpack.i.u.bf16.f32 v5;
	v5 =	vunpack.i.l.bf16.f32 v5  }
0x13c: {  	v15 =	vmul.bf16 v15, v15;
	v22 =	vnsel vm1, $0x270F, v4;
	v5 =	vadd.f32 v5, v19;
	v19 =	vld.idx.msk [tilespmem:v9+s18+$0x0], $0xffff  }
0x13d: {  	v6 =	vmul.bf16 v6, v6;
	v12 =	vmul.bf16 v12, v12;
	v9 =	vld.idx.msk [tilespmem:v9+s22+$0x0], $0xffff  }
0x13e: {  	v7 =	vadd.bf16 v7, v17;
	v13 =	vadd.bf16 v15, v13  }
0x13f: {  	vm0 =	vmmov vm0;
	v5 =	vsub.f32 $0.0e+00, v5;
	v6 =	vadd.bf16 v12, v6  }
0x140: {  	v7 =	vadd.bf16 v7, v14;
	v12 =	vmov s0;
	v14 =	vmul.bf16 v20, v20  }
0x141: {  	vm2 =	vlt.u32 v12, $0x2710;
	v16 =	vmul.bf16 v16, v16;
	v5 =	vmul.f32 $1.442695020e+00, v5;
	v12 =	vld.idx.msk [tilespmem:v22+s2+$0x0], $0xffff  }
0x142: {  	s11 =	sadd.s32 $0x20, s0;
	vm1 =	vmmov vm0;
	v17 =	vld.idx.msk [tilespmem:v22+s16+$0x0], $0xffff;
	v15 =	vmul.bf16 v19, v19;
	v9 =	vmul.bf16 v9, v9  }
0x143: {  	s0 =	sadd.s32 $0xFFFFFFF0, s11;
	v20 =	vld.idx.msk [tilespmem:v22+s18+$0x0], $0xffff;
	(erf) = vpow2.f32 v5;
	v5 =	vadd.bf16 v6, v13;
	v6 =	vmul.bf16 v11, v11  }
0x144: {  	v19 =	vld.idx.msk [tilespmem:v22+s17+$0x0], $0xffff;
	v13 =	vmul.bf16 v18, v18;
	v18 =	vmul.bf16 v23, v23;
	v11 =	vor.u32 s0, v2  }
0x145: {  	vm0 =	vlt.s32 v11, $0x270F;
	v9 =	vadd.bf16 v9, v16;
	v7 =	vadd.bf16 v5, v7  }
0x146: {  	v5 =	vmul.bf16 v21, v21;
	v6 =	vadd.bf16 v13, v6;
	v13 =	vadd.bf16 v15, v14  }
0x147: {  	v14 =	vld.idx.msk [tilespmem:v22+s19+$0x0], $0xffff;
	v16 =	vnsel vm0, $0x270F, v11;
	v12 =	vmul.bf16 v12, v12;
	v17 =	vmul.bf16 v17, v17  }
0x148: {  	v24 =	vmov s11;
	v15 =	vadd.bf16 v18, v5;
	v18 =	vld.idx.msk [tilespmem:v22+s20+$0x0], $0xffff  }
0x149: {  	v21 =	vld.idx.msk [tilespmem:v22+s21+$0x0], $0xffff;
	v19 =	vmul.bf16 v19, v19;
	v12 =	vadd.bf16 v17, v12;
	v17 =	vmul.bf16 v20, v20  }
0x14a: {  	v5 =	vor.u32 s11, v2;
	v6 =	vadd.bf16 v13, v6;
	v9 =	vadd.bf16 v9, v15;
	v15 =	vld.idx.msk [tilespmem:v22+s22+$0x0], $0xffff  }
0x14b: {  	v13 =	vunpack.i.u.bf16.f32 v7;
	v7 =	vunpack.i.l.bf16.f32 v7;
	v17 =	vadd.bf16 v17, v19  }
0x14c: {  	vm0 =	vlt.s32 v5, $0x270F;
	v7 =	vadd.f32 v7, v13;
	v20 =	vld.idx.msk [tilespmem:v16+s2+$0x0], $0xffff;
	v6 =	vadd.bf16 v9, v6  }
0x14d: {  	v14 =	vmul.bf16 v14, v14;
	v13 =	vld.idx.msk [tilespmem:v16+s16+$0x0], $0xffff;
	v22 =	vpop (erf);
	v18 =	vmul.bf16 v18, v18;
	v12 =	vadd.bf16 v17, v12  }
0x14e: {  	v17 =	vld.idx.msk [tilespmem:v16+s20+$0x0], $0xffff;
	v9 =	vadd.f32 $1.000000000e+00, v22;
	v22 =	vunpack.i.u.bf16.f32 v6;
	v6 =	vunpack.i.l.bf16.f32 v6  }
0x14f: {  	v21 =	vmul.bf16 v21, v21;
	v6 =	vadd.f32 v6, v22;
	v22 =	vld.idx.msk [tilespmem:v16+s17+$0x0], $0xffff;
	v15 =	vmul.bf16 v15, v15  }
0x150: {  	v19 =	vnsel vm0, $0x270F, v5;
	v23 =	vld.idx.msk [tilespmem:v16+s18+$0x0], $0xffff;
	v7 =	vsub.f32 $0.0e+00, v7;
	v14 =	vadd.bf16 v18, v14  }
0x151: {  	(erf) = vrcp.f32 v9;
	v9 =	vld.idx.msk [tilespmem:v16+s19+$0x0], $0xffff;
	v6 =	vsub.f32 $0.0e+00, v6;
	v15 =	vadd.bf16 v15, v21  }
0x152: {  	vm3 =	vlt.u32 v24, $0x2710;
	v7 =	vmul.f32 $1.442695020e+00, v7;
	v13 =	vmul.bf16 v13, v13;
	v21 =	vld.idx.msk [tilespmem:v16+s21+$0x0], $0xffff  }
0x153: {  	v17 =	vmul.bf16 v17, v17;
	v6 =	vmul.f32 $1.442695020e+00, v6;
	v14 =	vadd.bf16 v15, v14;
	v15 =	vld.idx.msk [tilespmem:v16+s22+$0x0], $0xffff  }
0x154: {  	v18 =	vmov s30;
	v16 =	vmul.bf16 v20, v20;
	v20 =	vmul.bf16 v22, v22  }
0x155: {  	vm0 =	vlt.u32 v18, $0x2710;
	v18 =	vld.idx.msk [tilespmem:v19+s16+$0x0], $0xffff;
	v22 =	vmul.bf16 v23, v23;
	(erf) = vpow2.f32 v6  }
0x156: {  	s11 =	sadd.s32 $0x20, s11;
	v12 =	vadd.bf16 v14, v12;
	v14 =	vld.idx.msk [tilespmem:v19+s2+$0x0], $0xffff;
	v9 =	vmul.bf16 v9, v9;
	v13 =	vadd.bf16 v13, v16  }
0x157: {  	s30 =	sadd.s32 $0xFFFFFFF0, s11;
	(erf) = vpow2.f32 v7;
	v21 =	vmul.bf16 v21, v21;
	v16 =	vadd.bf16 v22, v20;
	v20 =	vld.idx.msk [tilespmem:v19+s19+$0x0], $0xffff  }
0x158: {  	v7 =	vor.u32 s30, v2;
	v9 =	vadd.bf16 v17, v9;
	v17 =	vld.idx.msk [tilespmem:v19+s20+$0x0], $0xffff;
	v15 =	vmul.bf16 v15, v15  }
0x159: {  	vm3 =	vmmov vm3;
	v24 =	vld.idx.msk [tilespmem:v19+s17+$0x0], $0xffff;
	vm4 =	vlt.s32 v7, $0x270F  }
0x15a: {  	v25 =	vld.idx.msk [tilespmem:v19+s18+$0x0], $0xffff;
	v6 =	vor.u32 s11, v2;
	v22 =	vnsel vm4, $0x270F, v7;
	v15 =	vadd.bf16 v15, v21  }
0x15b: {  	v26 =	vld.idx.msk [tilespmem:v19+s21+$0x0], $0xffff;
	v18 =	vmul.bf16 v18, v18;
	v23 =	vunpack.i.u.bf16.f32 v12;
	v14 =	vmul.bf16 v14, v14  }
0x15c: {  	v12 =	vunpack.i.l.bf16.f32 v12;
	v13 =	vadd.bf16 v16, v13;
	v9 =	vadd.bf16 v15, v9;
	v15 =	vld.idx.msk [tilespmem:v19+s22+$0x0], $0xffff  }
0x15d: {  	v21 =	vpop (erf);
	v14 =	vadd.bf16 v18, v14;
	v18 =	vmul.bf16 v20, v20;
	v17 =	vmul.bf16 v17, v17  }
0x15e: {  	vm4 =	vlt.s32 v6, $0x270F;
	v12 =	vadd.f32 v12, v23;
	[tilespmem:v8+s23+$0x0] =	vst.idx.add.f32.msk vm0, v21;
	v9 =	vadd.bf16 v9, v13  }
0x15f: {  	v19 =	vmul.bf16 v24, v24;
	v21 =	vld.idx.msk [tilespmem:v22+s16+$0x0], $0xffff;
	v16 =	vpop (erf);
	v13 =	vmul.bf16 v25, v25;
	v17 =	vadd.bf16 v17, v18  }
0x160: {  	v24 =	vld.idx.msk [tilespmem:v22+s17+$0x0], $0xffff;
	v16 =	vadd.f32 $1.000000000e+00, v16;
	v20 =	vunpack.i.u.bf16.f32 v9;
	v9 =	vunpack.i.l.bf16.f32 v9  }
0x161: {  	v18 =	vld.idx.msk [tilespmem:v22+s18+$0x0], $0xffff;
	v9 =	vadd.f32 v9, v20;
	v20 =	vmul.bf16 v26, v26;
	v15 =	vmul.bf16 v15, v15  }
0x162: {  	v13 =	vadd.bf16 v13, v19;
	v19 =	vmov s31;
	(erf) = vrcp.f32 v16;
	v16 =	vld.idx.msk [tilespmem:v22+s2+$0x0], $0xffff  }
0x163: {  	v23 =	vnsel vm4, $0x270F, v6;
	vm4 =	vlt.u32 v19, $0x2710;
	v19 =	vld.idx.msk [tilespmem:v22+s20+$0x0], $0xffff;
	v15 =	vadd.bf16 v15, v20  }
0x164: {  	vm1 =	vmmov vm1;
	vm2 =	vmmov vm2;
	v9 =	vsub.f32 $0.0e+00, v9;
	v20 =	vld.idx.msk [tilespmem:v22+s19+$0x0], $0xffff  }
0x165: {  	vm2 =	vmmov vm2;
	v12 =	vsub.f32 $0.0e+00, v12;
	v15 =	vadd.bf16 v15, v17;
	v17 =	vld.idx.msk [tilespmem:v22+s21+$0x0], $0xffff  }
0x166: {  	vm1 =	vmmov vm1;
	vm5 =	vmmov vm2;
	v9 =	vmul.f32 $1.442695020e+00, v9;
	v22 =	vld.idx.msk [tilespmem:v22+s22+$0x0], $0xffff  }
0x167: {  	v12 =	vmul.f32 $1.442695020e+00, v12;
	[tilespmem:v8+s24+$0x0] =	vst.idx.add.f32.msk vm0, v1;
	v25 =	vmov s11;
	v18 =	vmul.bf16 v18, v18  }
0x168: {  	v13 =	vadd.bf16 v13, v14;
	v14 =	vpop (erf);
	v19 =	vmul.bf16 v19, v19;
	(erf) = vpow2.f32 v9;
	v9 =	vld.idx.msk [tilespmem:v23+s2+$0x0], $0xffff  }
0x169: {  	vm6 =	vlt.u32 v25, $0x2710;
	v25 =	vld.idx.msk [tilespmem:v23+s17+$0x0], $0xffff;
	(erf) = vpow2.f32 v12;
	v12 =	vmul.bf16 v16, v16  }
0x16a: {  	v13 =	vadd.bf16 v15, v13;
	v15 =	vld.idx.msk [tilespmem:v23+s16+$0x0], $0xffff;
	v16 =	vmul.bf16 v21, v21;
	v20 =	vmul.bf16 v20, v20  }
0x16b: {  	s11 =	sadd.s32 $0x20, s11;
	v26 =	vld.idx.msk [tilespmem:v23+s20+$0x0], $0xffff;
	v14 =	vadd.f32 $1.000000000e+00, v14;
	v17 =	vmul.bf16 v17, v17;
	v22 =	vmul.bf16 v22, v22  }
0x16c: {  	s31 =	sadd.s32 $0xFFFFFFF0, s11;
	v21 =	vmul.bf16 v24, v24;
	v8 =	vpop (erf);
	v12 =	vadd.bf16 v16, v12;
	v16 =	vld.idx.msk [tilespmem:v23+s18+$0x0], $0xffff;
	v19 =	vadd.bf16 v19, v20  }
0x16d: {  	[tilespmem:v10+s23+$0x0] =	vst.idx.add.f32.msk vm4, v8;
	v8 =	vor.u32 s31, v2;
	v17 =	vadd.bf16 v22, v17;
	v22 =	vmul.bf16 v9, v9  }
0x16e: {  	v25 =	vmul.bf16 v25, v25;
	v18 =	vadd.bf16 v18, v21;
	v20 =	vld.idx.msk [tilespmem:v23+s19+$0x0], $0xffff;
	vm0 =	vlt.s32 v8, $0x270F  }
0x16f: {  	v15 =	vmul.bf16 v15, v15;
	v21 =	vnsel vm0, $0x270F, v8;
	v17 =	vadd.bf16 v17, v19;
	v19 =	vld.idx.msk [tilespmem:v23+s21+$0x0], $0xffff  }
0x170: {  	v24 =	vunpack.i.u.bf16.f32 v13;
	v13 =	vunpack.i.l.bf16.f32 v13;
	v18 =	vadd.bf16 v18, v12;
	v23 =	vld.idx.msk [tilespmem:v23+s22+$0x0], $0xffff  }
0x171: {  	v13 =	vadd.f32 v13, v24;
	v9 =	vor.u32 s11, v2;
	v15 =	vadd.bf16 v15, v22;
	v22 =	vpop (erf)  }
0x172: {  	[tilespmem:v10+s24+$0x0] =	vst.idx.add.f32.msk vm4, v1;
	v16 =	vmul.bf16 v16, v16;
	v10 =	vadd.bf16 v17, v18;
	v22 =	vadd.f32 $1.000000000e+00, v22  }
0x173: {  	vm0 =	vlt.s32 v9, $0x270F;
	v17 =	vmul.bf16 v20, v20;
	v20 =	vmul.bf16 v26, v26  }
0x174: {  	v16 =	vadd.bf16 v16, v25;
	v27 =	vld.idx.msk [tilespmem:v21+s2+$0x0], $0xffff;
	v18 =	vunpack.i.u.bf16.f32 v10;
	(erf) = vrcp.f32 v22  }
0x175: {  	v10 =	vunpack.i.l.bf16.f32 v10;
	v24 =	vld.idx.msk [tilespmem:v21+s17+$0x0], $0xffff;
	v19 =	vmul.bf16 v19, v19;
	v23 =	vmul.bf16 v23, v23  }
0x176: {  	v12 =	vnsel vm0, $0x270F, v9;
	v25 =	vld.idx.msk [tilespmem:v21+s18+$0x0], $0xffff;
	v26 =	vadd.bf16 v20, v17;
	v10 =	vadd.f32 v10, v18  }
0x177: {  	v17 =	vld.idx.msk [tilespmem:v21+s19+$0x0], $0xffff;
	v18 =	vmov s0;
	v28 =	vadd.bf16 v16, v15;
	v16 =	vadd.bf16 v23, v19  }
0x178: {  	v22 =	vld.idx.msk [tilespmem:v21+s16+$0x0], $0xffff;
	vm7 =	vlt.u32 v18, $0x2710;
	(erf) = vrcp.f32 v14;
	v14 =	vmov s11  }
0x179: {  	v20 =	vld.idx.msk [tilespmem:v21+s22+$0x0], $0xffff;
	v10 =	vsub.f32 $0.0e+00, v10;
	vm4 =	vlt.u32 v14, $0x2710;
	v14 =	vadd.bf16 v16, v26  }
0x17a: {  	vm2 =	vmmov vm3;
	vm3 =	vmmov vm1;
	v13 =	vsub.f32 $0.0e+00, v13;
	v18 =	vld.idx.msk [tilespmem:v21+s20+$0x0], $0xffff  }
0x17b: {  	vm1 =	vmmov vm5;
	vm6 =	vmmov vm6;
	v15 =	vpop (erf);
	v19 =	vld.idx.msk [tilespmem:v21+s21+$0x0], $0xffff;
	v23 =	vmul.f32 $1.442695020e+00, v10  }
0x17c: {  	vm0 =	vmmov vm2;
	v21 =	vmul.f32 $1.442695020e+00, v13;
	v10 =	vadd.f32 $1.000000000e+00, v15;
	v15 =	vld.idx.msk [tilespmem:v12+s2+$0x0], $0xffff  }
0x17d: {  	v16 =	vld.idx.msk [tilespmem:v12+s16+$0x0], $0xffff;
	v22 =	vmul.bf16 v22, v22;
	(erf) = vpow2.f32 v23;
	v13 =	vadd.bf16 v14, v28;
	v14 =	vpop (erf)  }
0x17e: {  	vm2 =	vmmov vm6;
	v23 =	vmul.bf16 v24, v24;
	(erf) = vpow2.f32 v21;
	[tilespmem:v11+s23+$0x0] =	vst.idx.add.f32.msk vm7, v14  }
0x17f: {  	s0 =	simm.s32 $0x8;
	s11 =	sadd.s32 $0x20, s11;
	v24 =	vmul.bf16 v25, v25;
	v21 =	vmul.bf16 v27, v27;
	v14 =	vunpack.i.u.bf16.f32 v13;
	[tilespmem:v11+s24+$0x0] =	vst.idx.add.f32.msk vm7, v1  }
.LBB2_6:
0x180: {  	v17 =	vmul.bf16 v17, v17  }
0x181: {  	s12 =	sadd.s32 $0xFFFFFFF0, s11;
	v11 =	vor.u32 s11, v2;
	v18 =	vmul.bf16 v18, v18;
	v25 =	vld.idx.msk [tilespmem:v12+s17+$0x0], $0xffff;
	v26 =	vmovc v7;
	v7 =	vmovc v8;
	vm5 =	vmmov vm4  }
0x182: {  	v19 =	vmul.bf16 v19, v19;
	v20 =	vmul.bf16 v20, v20;
	v8 =	vor.u32 s12, v2;
	v27 =	vld.idx.msk [tilespmem:v12+s18+$0x0], $0xffff  }
0x183: {  	v21 =	vadd.bf16 v22, v21;
	v29 =	vadd.bf16 v24, v23;
	vm4 =	vlt.s32 v8, $0x270F;
	v23 =	vld.idx.msk [tilespmem:v12+s19+$0x0], $0xffff;
	v24 =	vpop (erf)  }
0x184: {  	v17 =	vadd.bf16 v18, v17;
	v18 =	vadd.bf16 v20, v19;
	v28 =	vnsel vm4, $0x270F, v8;
	v19 =	vld.idx.msk [tilespmem:v12+s20+$0x0], $0xffff  }
0x185: {  	v15 =	vmul.bf16 v15, v15;
	v16 =	vmul.bf16 v16, v16;
	vm4 =	vlt.s32 v11, $0x270F;
	v20 =	vld.idx.msk [tilespmem:v12+s21+$0x0], $0xffff  }
0x186: {  	v21 =	vadd.bf16 v29, v21;
	v17 =	vadd.bf16 v18, v17;
	v18 =	vld.idx.msk [tilespmem:v12+s22+$0x0], $0xffff;
	v12 =	vnsel vm4, $0x270F, v11;
	v22 =	vpop (erf)  }
0x187: {  	v15 =	vadd.bf16 v16, v15;
	v25 =	vmul.bf16 v25, v25;
	v16 =	vadd.f32 $1.000000000e+00, v22;
	v22 =	vpop (erf);
	[tilespmem:v3+s23+$0x0] =	vst.idx.add.f32.msk vm3, v24  }
0x188: {  	v13 =	vunpack.i.l.bf16.f32 v13;
	v17 =	vadd.bf16 v17, v21;
	v21 =	vmul.bf16 v27, v27;
	[tilespmem:v3+s24+$0x0] =	vst.idx.add.f32.msk vm3, v1  }
0x189: {  	s0 =	sadd.s32 $0x2, s0;
	v13 =	vadd.f32 v13, v14;
	v23 =	vmul.bf16 v23, v23;
	v3 =	vmovc v4;
	v24 =	vld.idx.msk [tilespmem:v28+s2+$0x0], $0xffff;
	(erf) = vrcp.f32 v16  }
0x18a: {  	p1 =	slt.u32 s0, $0x12;
	v4 =	vmovc v5;
	v5 =	vmovc v6;
	v16 =	vunpack.i.u.bf16.f32 v17;
	v17 =	vunpack.i.l.bf16.f32 v17;
	v19 =	vmul.bf16 v19, v19;
	v14 =	vld.idx.msk [tilespmem:v28+s16+$0x0], $0xffff  }
0x18b: {  	v21 =	vadd.bf16 v21, v25;
	v16 =	vadd.f32 v17, v16;
	v20 =	vmul.bf16 v20, v20;
	v27 =	vld.idx.msk [tilespmem:v28+s17+$0x0], $0xffff  }
0x18c: {  	v6 =	vmovc v9;
	v9 =	vmovc v11;
	v29 =	vmul.bf16 v18, v18;
	v23 =	vadd.bf16 v19, v23;
	v18 =	vmov s30;
	s30 =	smov.u32 s31;
	s31 =	smov.u32 s12;
	v25 =	vld.idx.msk [tilespmem:v28+s18+$0x0], $0xffff  }
0x18d: {  	v21 =	vadd.bf16 v21, v15;
	v11 =	vsub.f32 $0.0e+00, v16;
	vm6 =	vlt.u32 v18, $0x2710;
	v17 =	vld.idx.msk [tilespmem:v28+s19+$0x0], $0xffff  }
0x18e: {  	v13 =	vsub.f32 $0.0e+00, v13;
	v15 =	vadd.bf16 v29, v20;
	v18 =	vld.idx.msk [tilespmem:v28+s20+$0x0], $0xffff;
	(erf) = vrcp.f32 v10  }
0x18f: {  	v16 =	vmov s11;
	v29 =	vmul.f32 $1.442695020e+00, v11;
	v10 =	vadd.f32 $1.000000000e+00, v22;
	v19 =	vld.idx.msk [tilespmem:v28+s21+$0x0], $0xffff  }
.Ltmp2:
0x190: {  	vm4 =	vlt.u32 v16, $0x2710;
	v22 =	vadd.bf16 v15, v23;
	v23 =	vmul.f32 $1.442695020e+00, v13;
	v20 =	vld.idx.msk [tilespmem:v28+s22+$0x0], $0xffff;
	(pc) =	sbr.rel @p1 .LBB2_6-.Ltmp2, $4  }
0x191: {  	vm3 =	vmmov vm1;
	vm1 =	vmmov vm0;
	v15 =	vld.idx.msk [tilespmem:v12+s2+$0x0], $0xffff;
	(erf) = vpow2.f32 v29  }
0x192: {  	vm0 =	vmmov vm2;
	v13 =	vadd.bf16 v22, v21;
	v16 =	vld.idx.msk [tilespmem:v12+s16+$0x0], $0xffff;
	v11 =	vpop (erf);
	(erf) = vpow2.f32 v23  }
0x193: {  	vm2 =	vmmov vm5;
	v21 =	vmul.bf16 v24, v24;
	v22 =	vmul.bf16 v14, v14;
	[tilespmem:v26+s23+$0x0] =	vst.idx.add.f32.msk vm6, v11  }
0x194: {  	s11 =	sadd.s32 $0x20, s11;
	v24 =	vmul.bf16 v25, v25;
	v23 =	vmul.bf16 v27, v27;
	v14 =	vunpack.i.u.bf16.f32 v13;
	[tilespmem:v26+s24+$0x0] =	vst.idx.add.f32.msk vm6, v1  }
0x195: {  	v11 =	vmul.bf16 v17, v17;
	v31 =	vmul.bf16 v18, v18  }
0x196: {  	v32 =	vmul.bf16 v19, v19;
	v33 =	vmul.bf16 v20, v20  }
0x197: {  	v34 =	vadd.bf16 v22, v21;
	v35 =	vadd.bf16 v24, v23  }
0x198: {  	v11 =	vadd.bf16 v31, v11;
	v36 =	vadd.bf16 v33, v32  }
0x199: {  	v37 =	vld.idx.msk [tilespmem:v12+s17+$0x0], $0xffff  }
0x19a: {  	v39 =	vld.idx.msk [tilespmem:v12+s18+$0x0], $0xffff;
	v38 =	vadd.bf16 v35, v34;
	v11 =	vadd.bf16 v36, v11  }
0x19b: {  	v40 =	vld.idx.msk [tilespmem:v12+s19+$0x0], $0xffff  }
0x19c: {  	v41 =	vld.idx.msk [tilespmem:v12+s20+$0x0], $0xffff;
	v11 =	vadd.bf16 v11, v38  }
0x19d: {  	v43 =	vld.idx.msk [tilespmem:v12+s21+$0x0], $0xffff  }
0x19e: {  	v44 =	vunpack.i.u.bf16.f32 v11;
	v11 =	vunpack.i.l.bf16.f32 v11  }
0x19f: {  	v45 =	vld.idx.msk [tilespmem:v12+s22+$0x0], $0xffff;
	v15 =	vmul.bf16 v15, v15;
	v42 =	vpop (erf);
	v16 =	vmul.bf16 v16, v16;
	v11 =	vadd.f32 v11, v44  }
0x1a0: {  	v46 =	vpop (erf);
	v18 =	vmul.bf16 v37, v37;
	v17 =	vmul.bf16 v39, v39  }
0x1a1: {  	v20 =	vmul.bf16 v40, v40;
	v47 =	vadd.f32 $1.000000000e+00, v46;
	v11 =	vsub.f32 $0.0e+00, v11  }
0x1a2: {  	v19 =	vmul.bf16 v41, v41;
	v22 =	vmul.bf16 v43, v43  }
0x1a3: {  	(erf) = vrcp.f32 v47;
	v11 =	vmul.f32 $1.442695020e+00, v11  }
0x1a4: {  	v12 =	vmul.bf16 v45, v45;
	(erf) = vrcp.f32 v10  }
0x1a5: {  	v48 =	vadd.bf16 v16, v15;
	v49 =	vadd.bf16 v17, v18;
	(erf) = vpow2.f32 v11  }
0x1a6: {  	v50 =	vadd.bf16 v19, v20;
	v12 =	vadd.bf16 v12, v22;
	_ =	sdelay $0x1  }
0x1a7: {  	v10 =	vadd.bf16 v49, v48;
	v11 =	vadd.bf16 v12, v50  }
0x1a8: {  	v51 =	vunpack.i.l.bf16.f32 v13  }
0x1a9: {  	v12 =	vadd.f32 v51, v14;
	v10 =	vadd.bf16 v11, v10  }
0x1aa: {  	v52 =	vpop (erf)  }
0x1ab: {  	v12 =	vsub.f32 $0.0e+00, v12;
	v53 =	vpop (erf);
	v54 =	vunpack.i.u.bf16.f32 v10;
	v10 =	vunpack.i.l.bf16.f32 v10  }
0x1ac: {  	v55 =	vpop (erf);
	v10 =	vadd.f32 v10, v54  }
0x1ad: {  	v12 =	vmul.f32 $1.442695020e+00, v12;
	v56 =	vpop (erf)  }
0x1ae: {  	v10 =	vsub.f32 $0.0e+00, v10;
	v14 =	vadd.f32 $1.000000000e+00, v56  }
0x1af: {  	v11 =	vadd.f32 $1.000000000e+00, v52;
	(erf) = vpow2.f32 v12  }
0x1b0: {  	v10 =	vmul.f32 $1.442695020e+00, v10;
	(erf) = vrcp.f32 v14  }
0x1b1: {  	(erf) = vrcp.f32 v11  }
0x1b2: {  	(erf) = vpow2.f32 v10;
	_ =	sdelay $0x4  }
0x1b3: {  	v57 =	vmov s30  }
0x1b4: {  	vm5 =	vlt.u32 v57, $0x2710;
	v58 =	vpop (erf)  }
0x1b5: {  	v59 =	vpop (erf)  }
0x1b6: {  	vm1 =	vmmov vm1;
	v11 =	vadd.f32 $1.000000000e+00, v58;
	v60 =	vpop (erf)  }
0x1b7: {  	v61 =	vmov s31;
	v62 =	vpop (erf)  }
0x1b8: {  	vm6 =	vlt.u32 v61, $0x2710;
	[tilespmem:v3+s23+$0x0] =	vst.idx.add.f32.msk vm3, v42;
	(erf) = vrcp.f32 v11;
	v63 =	vadd.f32 $1.000000000e+00, v62  }
0x1b9: {  	vm14 =	vmmov vm4;
	vm0 =	vmmov vm0;
	[tilespmem:v3+s24+$0x0] =	vst.idx.add.f32.msk vm3, v1  }
0x1ba: {  	vm2 =	vmmov vm2;
	vm0 =	vmmov vm0;
	[tilespmem:v7+s23+$0x0] =	vst.idx.add.f32.msk vm5, v53;
	(erf) = vrcp.f32 v63  }
0x1bb: {  	vm2 =	vmmov vm2;
	vm3 =	vmmov vm14;
	[tilespmem:v7+s24+$0x0] =	vst.idx.add.f32.msk vm5, v1  }
0x1bc: {  	vm2 =	vmmov vm2;
	vm3 =	vmmov vm3;
	[tilespmem:v4+s23+$0x0] =	vst.idx.add.f32.msk vm1, v55  }
0x1bd: {  	vm15 =	vmmov vm3;
	[tilespmem:v4+s24+$0x0] =	vst.idx.add.f32.msk vm1, v1  }
0x1be: {  	vm1 =	vmmov vm15;
	[tilespmem:v8+s23+$0x0] =	vst.idx.add.f32.msk vm6, v59  }
0x1bf: {  	[tilespmem:v8+s24+$0x0] =	vst.idx.add.f32.msk vm6, v1  }
0x1c0: {  	[tilespmem:v5+s23+$0x0] =	vst.idx.add.f32.msk vm0, v60  }
0x1c1: {  	[tilespmem:v5+s24+$0x0] =	vst.idx.add.f32.msk vm0, v1;
	v3 =	vpop (erf)  }
0x1c2: {  	[tilespmem:v6+s23+$0x0] =	vst.idx.add.f32.msk vm2, v3  }
0x1c3: {  	[tilespmem:v6+s24+$0x0] =	vst.idx.add.f32.msk vm2, v1;
	v3 =	vpop (erf)  }
0x1c4: {  	[tilespmem:v9+s23+$0x0] =	vst.idx.add.f32.msk vm1, v3  }
0x1c5: {  	[tilespmem:v9+s24+$0x0] =	vst.idx.add.f32.msk vm1, v1  }
0x1c6: {  	[hbm4b:s6+s25] =	stream.strided.scatter [tilespmem:s23], [sflag:$0x4], $0x2800, s26, s25, $0x38;
	[tilespmem:$0x1EB08] =	vst v63  }
0x1c7: {  	s29 =	sadd.s32 $0x1, s29;
	_ =	swait.ge [sflag:s28], $0x2800  }
0x1c8: {  	p1 =	sne.s32 s29, s8;
	[sflag:s28] =	ssyncset.done $0x0  }
.Ltmp3:
0x1c9: {  	[sflag:s28] =	ssyncadd.s32 $0xFFFFD800;
	(pc) =	sbr.rel @p1 .LBB2_1-.Ltmp3, $4  }
0x1ca: {  	[hbm4b:s7+s25] =	stream.strided.scatter [tilespmem:s24], [sflag:$0x4], $0x2800, s26, s25, $0x38;
	[tilespmem:$0x1EB08] =	vst v63  }
0x1cb: {  	_ =	swait.ge [sflag:s28], $0x2800  }
0x1cc: {  	[sflag:s28] =	ssyncset.done $0x0  }
0x1cd: {  	[sflag:s28] =	ssyncadd.s32 $0xFFFFD800  }
0x1ce: {  	_ =	sfence.sel $0x180000  }
0x1cf: {  	[bflag:$0x0] =	sbarrier.arrive $0xFFFF  }
0x1d0: {  	_ =	strace $0x90000047  }
0x1d1: {  	[bflag:$0x2] =	sbarrier.arrive $0xFFFF  }
0x1d2: {  	s0 =	rddreg [dreg:$0x2]  }
0x1d3: {  	s0 =	sadd.s32 @!p0 $0x100000, s0  }
0x1d4: {  	[sflag:s0] =	ssyncadd.tile.s32 @!p0 $0x1;
	_ =	shalt  }
.Lfunc_end2:
_tile_overlayer_lowered:
.L_overlay_start_2:
0x1d5: {  	(tag) =	ssettag $0x2  }
0x1d6: {  	s0 =	rddreg [dreg:$0x0];
	s2 =	stileid.u32  }
0x1d7: {  	s1 =	rddreg [dreg:$0x1];
	p0 =	sne.s32 s2, $0x0  }
0x1d8: {  	s3 =	rddreg [dreg:$0x2];
	[bflag:$0x3] =	sbarrier.arrive $0xFFFF;
	s2 =	simm.s32 @!p0 $0x1C04  }
0x1d9: {  	[timem:s3], [sflag:s2] =	dma.local @!p0 [hbm:s0], s1  }
0x1da: {  	s0 =	simm.s32 @!p0 $0x4  }
0x1db: {  	_ =	swait.ge @!p0 [sflag:s0], s1  }
0x1dc: {  	s1 =	ssub.s32 @!p0 $0x0, s1;
	[sflag:s0] =	ssyncset.done @!p0 $0x0  }
0x1dd: {  	[sflag:s0] =	ssyncadd.s32 @!p0 s1  }
0x1de: {  	[bflag:$0x3] =	sbarrier.arrive $0xFFFF  }
0x1df: {  	_ =	shalt  }

// kernel: kernel.9.cloned.1.call-start
scs
__scs_entry_jumppad:
0x0: {  	(pc) =	sbr.rel $0x88, $3  }
0x1: {  	(tag) =	ssettag $0x0;
	lr =	simm.s32 $0x1  }
0x2: {  	[smem:$0x3F9B] =	sst lr;
	_ =	strace $0xD0000000  }
0x3: {  	_ = 	snop  }
0x4: {  	_ = 	snop  }
0x5: {  	_ = 	snop  }
0x6: {  	_ = 	snop  }
0x7: {  	_ = 	snop  }
__scs_overlays_trampoline_lowered:
0x8: {  	[smem:$0x3FAA] =	sst s0  }
0x9: {  	[smem:$0x3FAB] =	sst s1  }
0xa: {  	[smem:$0x3FAC] =	sst s2  }
0xb: {  	[smem:$0x3FAD] =	sst s3  }
0xc: {  	[smem:$0x3FAE] =	sst s4  }
0xd: {  	[smem:$0x3FAF] =	sst s5  }
0xe: {  	[smem:$0x3FB0] =	sst s6  }
0xf: {  	[smem:$0x3FB1] =	sst s7  }
0x10: {  	[smem:$0x3FB2] =	sst s8  }
0x11: {  	[smem:$0x3FB3] =	sst s9;
	s0 =	simm.s32 @!p0 $0x0  }
0x12: {  	s1 =	sld [smem:$0x3F99];
	s0 =	simm.s32 @p0 $0x1  }
0x13: {  	[smem:$0x3FB4] =	sst s0;
	s0 =	simm.s32 @!p1 $0x0  }
0x14: {  	s2 =	sld [smem:$0x3F98];
	s0 =	simm.s32 @p1 $0x1  }
0x15: {  	[smem:$0x3FB5] =	sst s0;
	s0 =	simm.s32 @!p2 $0x0  }
0x16: {  	s3 =	sld [smem:$0x3FDB];
	s0 =	simm.s32 @p2 $0x1  }
0x17: {  	s4 =	simm.s32 $0x1BF5;
	[smem:$0x3FB7] =	sst s0  }
0x18: {  	s0 =	sld [smem:$0x3F9A];
	_ =	swait.ge [sflag:s4], $0x0  }
0x19: {  	s7 =	sld [smem:$0x3F9B]  }
0x1a: {  	s8 =	sadd.s32 $0xFFFFE003, lr  }
0x1b: {  	s9 =	sadd.s32 $0xFFFFFEF7, lr;
	s5 =	simm.s32 $0xFFFFFFFF;
	p2 =	slt.u32 s8, $0xFFFFF086  }
0x1c: {  	p1 =	slt.u32 s9, $0xF7A;
	s5 =	simm.s32 @!p2 $0x0  }
0x1d: {  	s5 =	simm.s32 @p1 $0x1;
	p0 =	seq.s32 s7, s2  }
0x1e: {  	s7 =	smul.u32 @!p0 $0xF7A, s2;
	p2 =	seq.s32 @!p0 s5, $0x0  }
0x1f: {  	s9 =	smul.u32 $0xF7A, s1;
	s8 =	simm.s32 @!p0 $0x1BF5;
	p2 =	por !p2, p0  }
0x20: {  	[sflag:s8] =	ssyncset.s32 @!p0 $0xFFFFF086;
	s6 =	sadd.s32 @!p0 s3, s7;
	s7 =	simm.s32 @!p0 $0x108  }
0x21: {  	s3 =	sadd.s32 s3, s9;
	s6 =	sadd.s32 @!p0 $0x88, s6;
	s7 =	simm.s32 @p2 $0x1082  }
0x22: {  	[simem:s7], [sflag:s8] =	dma.local @!p0 [hbm:s6], $0xF7A  }
0x23: {  	s9 =	sor.u32 $0xD0000000, s2;
	s6 =	simm.s32 $0x108;
	_ =	swait.ge @!p0 [sflag:s8], $0x0  }
0x24: {  	s3 =	sadd.s32 $0x88, s3;
	s6 =	simm.s32 @!p1 $0x1082;
	[sflag:s4] =	ssyncset.s32 $0xFFFFF086  }
0x25: {  	[simem:s6], [sflag:s4] =	dma.local [hbm:s3], $0xF7A  }
0x26: {  	[smem:$0x3F9B] =	sst s1;
	(tag) =	ssettag s2;
	_ =	strace s9  }
0x27: {  	s1 =	sld [smem:$0x3FAB]  }
0x28: {  	s2 =	sld [smem:$0x3FAC]  }
0x29: {  	s4 =	sld [smem:$0x3FAE]  }
0x2a: {  	p0 =	seq.s32 s5, $0x0;
	s5 =	sld [smem:$0x3FAF]  }
0x2b: {  	s6 =	sld [smem:$0x3FB0]  }
0x2c: {  	s7 =	sld [smem:$0x3FB1]  }
0x2d: {  	s3 =	simm.s32 $0x108;
	s8 =	sld [smem:$0x3FB2]  }
0x2e: {  	s3 =	simm.s32 @!p0 $0x1082;
	s9 =	sld [smem:$0x3FB3]  }
0x2f: {  	lr =	sadd.s32 s0, s3;
	s0 =	sld [smem:$0x3FAA]  }
0x30: {  	s3 =	sld [smem:$0x3FAD]  }
0x31: {  	[smem:$0x3FB6] =	sst s10  }
0x32: {  	s10 =	sld [smem:$0x3FB4];
	_ =	sdelay $0x3  }
0x33: {  	p0 =	seq.s32 s10, $0x1;
	s10 =	sld [smem:$0x3FB6];
	_ =	sdelay $0x3  }
0x34: {  	[smem:$0x3FB6] =	sst s10  }
0x35: {  	s10 =	sld [smem:$0x3FB5];
	_ =	sdelay $0x3  }
0x36: {  	p1 =	seq.s32 s10, $0x1;
	s10 =	sld [smem:$0x3FB6];
	_ =	sdelay $0x3  }
0x37: {  	[smem:$0x3FB6] =	sst s10  }
0x38: {  	s10 =	sld [smem:$0x3FB7]  }
0x39: {  	_ = 	snop;
	(pc) =	sbr.ind lr, $3  }
0x3a: {  	_ = 	snop  }
0x3b: {  	_ = 	snop  }
0x3c: {  	p2 =	seq.s32 s10, $0x1;
	s10 =	sld [smem:$0x3FB6]  }
0x3d: {  	_ =	shalt  }
0x3e: {  	_ =	shalt  }
0x3f: {  	_ =	shalt  }
0x40: {  	_ =	shalt  }
0x41: {  	_ =	shalt  }
0x42: {  	_ =	shalt  }
0x43: {  	_ =	shalt  }
0x44: {  	_ =	shalt  }
0x45: {  	_ =	shalt  }
0x46: {  	_ =	shalt  }
0x47: {  	_ =	shalt  }
0x48: {  	_ =	shalt  }
0x49: {  	_ =	shalt  }
0x4a: {  	_ =	shalt  }
0x4b: {  	_ =	shalt  }
0x4c: {  	_ =	shalt  }
0x4d: {  	_ =	shalt  }
0x4e: {  	_ =	shalt  }
0x4f: {  	_ =	shalt  }
0x50: {  	_ =	shalt  }
0x51: {  	_ =	shalt  }
0x52: {  	_ =	shalt  }
0x53: {  	_ =	shalt  }
0x54: {  	_ =	shalt  }
0x55: {  	_ =	shalt  }
0x56: {  	_ =	shalt  }
0x57: {  	_ =	shalt  }
0x58: {  	_ =	shalt  }
0x59: {  	_ =	shalt  }
0x5a: {  	_ =	shalt  }
0x5b: {  	_ =	shalt  }
0x5c: {  	_ =	shalt  }
0x5d: {  	_ =	shalt  }
0x5e: {  	_ =	shalt  }
0x5f: {  	_ =	shalt  }
0x60: {  	_ =	shalt  }
0x61: {  	_ =	shalt  }
0x62: {  	_ =	shalt  }
0x63: {  	_ =	shalt  }
0x64: {  	_ =	shalt  }
0x65: {  	_ =	shalt  }
0x66: {  	_ =	shalt  }
0x67: {  	_ =	shalt  }
0x68: {  	_ =	shalt  }
0x69: {  	_ =	shalt  }
0x6a: {  	_ =	shalt  }
0x6b: {  	_ =	shalt  }
0x6c: {  	_ =	shalt  }
0x6d: {  	_ =	shalt  }
0x6e: {  	_ =	shalt  }
0x6f: {  	_ =	shalt  }
0x70: {  	_ =	shalt  }
0x71: {  	_ =	shalt  }
0x72: {  	_ =	shalt  }
0x73: {  	_ =	shalt  }
0x74: {  	_ =	shalt  }
0x75: {  	_ =	shalt  }
0x76: {  	_ =	shalt  }
0x77: {  	_ =	shalt  }
0x78: {  	_ =	shalt  }
0x79: {  	_ =	shalt  }
0x7a: {  	_ =	shalt  }
0x7b: {  	_ =	shalt  }
0x7c: {  	_ =	shalt  }
0x7d: {  	_ =	shalt  }
0x7e: {  	_ =	shalt  }
0x7f: {  	_ =	shalt  }
0x80: {  	_ =	shalt  }
0x81: {  	_ =	shalt  }
0x82: {  	_ =	shalt  }
0x83: {  	_ =	shalt  }
0x84: {  	_ =	shalt  }
0x85: {  	_ =	shalt  }
0x86: {  	_ =	shalt  }
0x87: {  	_ =	shalt  }
.Lfunc_end0:
.L_simem_size_0:
called_computation.1_lowered:
.L_overlay_start_0:
0x88: {  	s2 =	sld [smem:$0x3FD9]  }
0x89: {  	s3 =	sld [smem:$0x3FFE];
	_ =	sdelay $0x1  }
0x8a: {  	s1 =	srdreg.scid  }
0x8b: {  	s0 =	sand.u32 $0x1, s1  }
0x8c: {  	s17 =	sshll.u32 s0, $0xA;
	s2 =	sadd.s32 s3, s2  }
0x8d: {  	s2 =	sadd.s32 s2, s17  }
0x8e: {  	[smem:$0x3FC2] =	sst s2  }
0x8f: {  	_ = 	snop  }
0x90: {  	s2 =	sld [smem:$0x3FC5]  }
0x91: {  	s18 =	sld [smem:$0x3FC4];
	(tm) =	ssettm $0x1  }
0x92: {  	s4 =	sld [smem:$0x3FFB];
	_ =	sdelay $0x3  }
0x93: {  	_ =	strace s4  }
0x94: {  	s4 =	sld [smem:$0x3FFC];
	_ =	sdelay $0x3  }
0x95: {  	_ =	strace s4  }
0x96: {  	s4 =	sld [smem:$0x3FFD];
	_ =	sdelay $0x3  }
0x97: {  	_ =	strace s4  }
0x98: {  	_ =	strace $0x8FFFFFFF  }
0x99: {  	s19 =	sld [smem:$0x3FDB];
	_ =	sdelay $0x1  }
0x9a: {  	s5 =	simm.s32 $_scs_section_size  }
0x9b: {  	s6 =	simm.s32 $_size__tile_overlayer_lowered;
	s7 =	simm.s32 $_tile_overlayer_lowered  }
0x9c: {  	s22 =	simm.s32 $0x1BFF;
	s21 =	sshll.u32 s7, $0x1;
	s4 =	sadd.s32 s5, s19  }
0x9d: {  	s8 =	simm.s32 $0x0;
	s20 =	sshll.u32 s6, $0x1;
	s6 =	sadd.s32 s21, s4  }
0x9e: {  	[timem:s8], [sflag:s22] =	dma.local [hbm:s6], s20  }
0x9f: {  	_ =	swait.ge [sflag:s22], s20  }
0xa0: {  	s5 =	ssub.s32 $0x0, s20;
	[sflag:s22] =	ssyncset.done $0x0  }
0xa1: {  	[sflag:s22] =	ssyncadd.s32 s5;
	_ =	sdelay $0x1  }
0xa2: {  	s23 =	simm.s32 $0x1B8B  }
0xa3: {  	_ =	swait.ge [sflag:s23], $0x1  }
0xa4: {  	[sflag:s23] =	ssyncset.done $0x0  }
0xa5: {  	s25 =	simm.s32 $0x1B8E;
	s24 =	sld [smem:$0x3FFE];
	[sflag:s23] =	ssyncadd.s32 $0xFFFFFFFF  }
0xa6: {  	s26 =	simm.s32 $execute0_lowered;
	[smem:$0x3FD2] =	sst s25  }
0xa7: {  	s6 =	sshll.u32 s26, $0x1;
	_ =	strace $0x80000049;
	[dreg:$0x1] =	wrdreg $0xFFFFFFFF  }
0xa8: {  	s28 =	simm.s32 $_size_execute0_lowered;
	s4 =	sadd.s32 s4, s6;
	[dreg:$0x0] =	wrdreg $0x0  }
0xa9: {  	s6 =	sshll.u32 s28, $0x1;
	[dreg:$0x2] =	wrdreg s4  }
0xaa: {  	[dreg:$0x3] =	wrdreg s6  }
0xab: {  	[dreg:$0x4] =	wrdreg $0xC0  }
0xac: {  	_ =	task [dreg:s8], $0x5FFFF  }
0xad: {  	[dreg:$0x1] =	wrdreg $0xFFFFFFFF  }
0xae: {  	[dreg:$0x0] =	wrdreg $0x60  }
0xaf: {  	[dreg:$0x2] =	wrdreg s24  }
0xb0: {  	[dreg:$0x3] =	wrdreg s2  }
0xb1: {  	[dreg:$0x4] =	wrdreg s18  }
0xb2: {  	[dreg:$0x5] =	wrdreg $0x142800  }
0xb3: {  	[dreg:$0x6] =	wrdreg $0x9  }
0xb4: {  	_ =	task.clear_ibuf [dreg:s8], $0x7FFFF;
	_ =	strace $0x90000049  }
0xb5: {  	s29 =	simm.s32 $0x9;
	_ =	strace $0x8000004B  }
0xb6: {  	_ =	swait.ge [sflag:s29], $0x1  }
0xb7: {  	[sflag:s29] =	ssyncadd.s32 $0xFFFFFFFF  }
0xb8: {  	_ =	strace $0x9000004B  }
0xb9: {  	_ =	sfence  }
0xba: {  	s30 =	sld [smem:$0x0];
	_ =	sdelay $0x2  }
0xbb: {  	s31 =	sshll.u32 s1, $0xD;
	s1 =	sshrl.u32 s1, $0x2  }
0xbc: {  	s3 =	sand.u32 $0x4000, s31;
	s1 =	sadd.s32 s1, s30  }
0xbd: {  	s0 =	sor.u32 s3, s0;
	s1 =	sshll.u32 s1, $0x11  }
0xbe: {  	s0 =	sor.u32 s1, s0  }
0xbf: {  	s0 =	sadd.s32 $0x8F2B, s0  }
0xc0: {  	[sflag:s0] =	ssyncadd.remote.s32 $0x1  }
0xc1: {  	_ =	sfence.sel $0xFFFF  }
0xc2: {  	[dreg:$0x0] =	wrdreg $0xFFFFFFFF;
	(pc) =	sbr.abs _section_cstart, $3  }
0xc3: {  	[dreg:$0x1] =	wrdreg $0xFFFFFFFF  }
0xc4: {  	_ =	task.clear_ibuf [dreg:s8], $0x2FFFF;
	_ =	strace $0x9FFFFFFF  }
0xc5: {  	(tm) =	ssettm $0x7FFFFFFF  }
tec
execute0_lowered:
.L_overlay_start_1:
0x0: {  	(tag) =	ssettag $0x1  }
0x1: {  	s0 =	rddreg [dreg:$0x0]  }
0x2: {  	s9 =	rddreg [dreg:$0x3];
	s8 =	stileid.u32  }
0x3: {  	s1 =	srdreg.scid;
	s4 =	simm.s32 $0x0;
	s3 =	smul.u32 $0x280, s8  }
0x4: {  	s2 =	sshll.u32 s8, $0x1;
	s5 =	sshrl.u32 s8, $0x2;
	s8 =	smul.u32 $0xA00, s8  }
0x5: {  	s1 =	sand.u32 $0x1, s1;
	[smem:$0x7FF] =	sst s4;
	s5 =	smul.u32 $0x14000, s5  }
0x6: {  	s2 =	sor.u32 s1, s2;
	s22 =	ssub.s32 $0x2, s1;
	s1 =	smul.u32 $0x140, s1  }
0x7: {  	_ =	strace $0x8000004A;
	s21 =	smul.u32 $0x2710, s2;
	s2 =	sshll.u32 s2, $0x7  }
0x8: {  	s6 =	sadd.s32 s3, s0;
	s7 =	sshrl.u32 s22, $0x1;
	s26 =	sshrl.u32 s8, $0x2  }
0x9: {  	s2 =	sand.u32 $0x380, s2;
	s23 =	ssub.s32 s22, s7;
	s24 =	sadd.s32 $0x17800, s6  }
0xa: {  	s25 =	sadd.s32 $0x21800, s6;
	s29 =	sadd.s32 s26, s9;
	[dreg:$0x14] =	wrdreg s24  }
0xb: {  	s4 =	sshrl.u32 s21, $0x3;
	s2 =	sor.u32 s5, s2;
	[dreg:$0x15] =	wrdreg s25  }
0xc: {  	[dreg:$0x18] =	wrdreg s29;
	s30 =	smax.u32 s23, $0x1;
	s4 =	sadd.s32 s4, s0  }
0xd: {  	s2 =	sshrl.u32 s2, $0x3;
	[dreg:$0x1a] =	wrdreg s30;
	s28 =	sadd.s32 $0x3E00, s4  }
0xe: {  	s0 =	sadd.s32 s2, s0;
	s4 =	sadd.s32 $0xDA40, s4;
	[dreg:$0x16] =	wrdreg s28  }
0xf: {  	s31 =	sadd.s32 s1, s3;
	[dreg:$0x17] =	wrdreg s4;
	s0 =	sadd.s32 $0x2B800, s0  }
0x10: {  	[dreg:$0x19] =	wrdreg s0;
	s0 =	sor.u32 $0x10, s31  }
0x11: {  	v0 =	vimm.f32 $0.0e+00;
	v1 =	vlaneseq.u32;
	s8 =	simm.s32 $0x4;
	s1 =	simm.s32 $0x0;
	[dreg:$0x1b] =	wrdreg s0  }
.LBB2_1:
0x12: {  	[dreg:$0x1c] =	wrdreg s1;
	s21 =	simm.s32 $0x0  }
0x13: {  	s0 =	rddreg [dreg:$0x14];
	s2 =	simm.s32 $0x1400;
	s3 =	simm.s32 $0x14000  }
0x14: {  	[tilespmem:s21], [sflag:$0x1] =	stream.strided.gather [hbm4b:s0+s2], $0x5000, s3, s2, $0x38;
	[tilespmem:$0x14500] =	vst v63  }
0x15: {  	s22 =	rddreg [dreg:$0x15];
	s4 =	simm.s32 $0x5000  }
0x16: {  	[tilespmem:s4], [sflag:$0x2] =	stream.strided.gather [hbm4b:s22+s2], $0x5000, s3, s2, $0x38;
	[tilespmem:$0x14500] =	vst v63  }
0x17: {  	s23 =	rddreg [dreg:$0x16];
	s24 =	simm.s32 $0xCA80  }
0x18: {  	[tilespmem:s24], [sflag:$0x3] =	stream.linear.gather [hbm4b:s23+s21], $0x2710, $0x38;
	[tilespmem:$0x14500] =	vst v63  }
0x19: {  	s25 =	rddreg [dreg:$0x17];
	s26 =	simm.s32 $0xF200  }
0x1a: {  	[tilespmem:s26], [sflag:$0x3] =	stream.linear.gather [hbm4b:s25+s21], $0x2710, $0x38;
	[tilespmem:$0x14500] =	vst v63  }
0x1b: {  	s28 =	rddreg [dreg:$0x1];
	s29 =	simm.s32 $0x14180  }
0x1c: {  	[tilespmem:s29], [sflag:$0x4] =	stream.linear.gather [hbm4b:s28+s21], $0x80, $0x38;
	[tilespmem:$0x14500] =	vst v63  }
0x1d: {  	_ =	swait.ge [sflag:s8], $0x80  }
0x1e: {  	[sflag:s8] =	ssyncset.done $0x0  }
0x1f: {  	[sflag:s8] =	ssyncadd.s32 $0xFFFFFF80  }
0x20: {  	s31 =	simm.s32 $0x14200;
	s30 =	rddreg [dreg:$0x2]  }
0x21: {  	[tilespmem:s31], [sflag:$0x4] =	stream.linear.gather [hbm4b:s30+s21], $0x80, $0x38;
	[tilespmem:$0x14500] =	vst v63  }
0x22: {  	_ =	swait.ge [sflag:s8], $0x80  }
0x23: {  	[sflag:s8] =	ssyncset.done $0x0  }
0x24: {  	s0 =	simm.s32 $0x119C0;
	[sflag:s8] =	ssyncadd.s32 $0xFFFFFF80  }
0x25: {  	[tilespmem:s0+$0xFFFFFFC0] =	vst v0  }
0x26: {  	[tilespmem:s0+$0x30] =	vst v0  }
0x27: {  	[tilespmem:s0+$0x20] =	vst v0  }
0x28: {  	[tilespmem:s0+$0x10] =	vst v0  }
0x29: {  	[tilespmem:s0+$0x0] =	vst v0  }
0x2a: {  	[tilespmem:s0+$0xFFFFFFF0] =	vst v0  }
0x2b: {  	s1 =	simm.s32 $0x0;
	[tilespmem:s0+$0xFFFFFFE0] =	vst v0  }
.LBB2_2:
0x2c: {  	s1 =	sadd.s32 $0x8, s1;
	[tilespmem:s0+$0xFFFFFFD0] =	vst v0;
	s0 =	sadd.s32 $0x80, s0  }
0x2d: {  	[tilespmem:s0+$0xFFFFFFC0] =	vst v0;
	p0 =	slt.u32 s1, $0x278  }
0x2e: {  	[tilespmem:s0+$0x30] =	vst v0  }
.Ltmp0:
0x2f: {  	[tilespmem:s0+$0x20] =	vst v0;
	(pc) =	sbr.rel @p0 .LBB2_2-.Ltmp0, $4  }
0x30: {  	[tilespmem:s0+$0x10] =	vst v0  }
0x31: {  	[tilespmem:s0+$0x0] =	vst v0  }
0x32: {  	[tilespmem:s0+$0xFFFFFFF0] =	vst v0  }
0x33: {  	[tilespmem:s0+$0xFFFFFFE0] =	vst v0  }
0x34: {  	[tilespmem:s0+$0xFFFFFFD0] =	vst v0;
	s30 =	simm.s32 $0x1  }
0x35: {  	_ =	swait.ge [sflag:s30], $0x5000  }
0x36: {  	[sflag:s30] =	ssyncset.done $0x0  }
0x37: {  	s1 =	simm.s32 $0x0;
	s2 =	simm.s32 $0x2;
	[sflag:s30] =	ssyncadd.s32 $0xFFFFB000  }
0x38: {  	s0 =	sand.u32 $0x60, s1;
	_ =	swait.ge [sflag:s2], $0x5000  }
0x39: {  	s1 =	sand.u32 $0x1C00, s1;
	s5 =	sor.u32 $0x10, s0;
	[sflag:s2] =	ssyncset.done $0x0  }
0x3a: {  	s4 =	sadd.s32 $0x1400, s1;
	s14 =	sor.u32 s1, s5;
	[sflag:s2] =	ssyncadd.s32 $0xFFFFB000  }
0x3b: {  	s15 =	sor.u32 s5, s4;
	v4 =	vld [tilespmem:s14+$0x0]  }
0x3c: {  	v2 =	vld [tilespmem:s15+$0x0]  }
0x3d: {  	v6 =	vld [tilespmem:s14+$0x80]  }
0x3e: {  	v7 =	vld [tilespmem:s14+$0x100]  }
0x3f: {  	v8 =	vld [tilespmem:s14+$0x180]  }
0x40: {  	s2 =	sadd.s32 $0x1480, s1;
	v5 =	vld [tilespmem:s14+$0x200]  }
0x41: {  	v9 =	vld [tilespmem:s14+$0x280];
	s16 =	sor.u32 s5, s2;
	[tilespmem:$0x1F9D0] =	vst v2  }
0x42: {  	v2 =	vld [tilespmem:s16+$0x0];
	_ =	sdelay $0x3  }
0x43: {  	s3 =	sadd.s32 $0x1500, s1  }
0x44: {  	s17 =	sor.u32 s5, s3;
	[tilespmem:$0x1F9E0] =	vst v2  }
0x45: {  	v2 =	vld [tilespmem:s17+$0x0];
	_ =	sdelay $0x3  }
0x46: {  	s6 =	sadd.s32 $0x1580, s1  }
0x47: {  	s19 =	sor.u32 s5, s6;
	[tilespmem:$0x1F9F0] =	vst v2  }
0x48: {  	v2 =	vld [tilespmem:s19+$0x0];
	_ =	sdelay $0x3  }
0x49: {  	s7 =	sadd.s32 $0x1600, s1  }
0x4a: {  	s20 =	sor.u32 s5, s7;
	[tilespmem:$0x1FA00] =	vst v2  }
0x4b: {  	v2 =	vld [tilespmem:s20+$0x0];
	_ =	sdelay $0x3  }
0x4c: {  	s8 =	sadd.s32 $0x1680, s1  }
0x4d: {  	s21 =	sor.u32 s5, s8;
	[tilespmem:$0x1FA10] =	vst v2  }
0x4e: {  	v2 =	vld [tilespmem:s21+$0x0];
	_ =	sdelay $0x3  }
0x4f: {  	s9 =	sadd.s32 $0x1700, s1  }
0x50: {  	s22 =	sor.u32 s5, s9;
	[tilespmem:$0x1FA20] =	vst v2  }
0x51: {  	v2 =	vld [tilespmem:s22+$0x0];
	_ =	sdelay $0x3  }
0x52: {  	s10 =	sadd.s32 $0x1780, s1  }
0x53: {  	s23 =	sor.u32 s5, s10;
	[tilespmem:$0x1FA30] =	vst v2  }
0x54: {  	v2 =	vld [tilespmem:s23+$0x0];
	_ =	sdelay $0x3  }
0x55: {  	s11 =	sadd.s32 $0x2800, s1  }
0x56: {  	s24 =	sor.u32 s5, s11;
	[tilespmem:$0x1FA40] =	vst v2  }
0x57: {  	v2 =	vld [tilespmem:s24+$0x0];
	_ =	sdelay $0x4  }
0x58: {  	[tilespmem:$0x1FA50] =	vst v2  }
0x59: {  	v3 =	vld [tilespmem:s14+$0x5000];
	_ =	sdelay $0x2  }
0x5a: {  	s12 =	sadd.s32 $0x2880, s1  }
0x5b: {  	s25 =	sor.u32 s5, s12  }
0x5c: {  	v2 =	vld [tilespmem:s25+$0x0];
	[tilespmem:$0x1FA60] =	vst v3  }
0x5d: {  	v3 =	vld [tilespmem:s14+$0x5080];
	_ =	sdelay $0x4  }
0x5e: {  	[tilespmem:$0x1FA70] =	vst v3  }
0x5f: {  	v3 =	vld [tilespmem:s14+$0x5100];
	_ =	sdelay $0x4  }
0x60: {  	[tilespmem:$0x1FA80] =	vst v3  }
0x61: {  	v3 =	vld [tilespmem:s14+$0x5180];
	_ =	sdelay $0x4  }
0x62: {  	[tilespmem:$0x1FA90] =	vst v3  }
0x63: {  	v3 =	vld [tilespmem:s14+$0x5200];
	_ =	sdelay $0x4  }
0x64: {  	[tilespmem:$0x1FAA0] =	vst v3  }
0x65: {  	v3 =	vld [tilespmem:s14+$0x5280];
	_ =	sdelay $0x4  }
0x66: {  	[tilespmem:$0x1FAB0] =	vst v3  }
0x67: {  	v3 =	vld [tilespmem:s15+$0x5000];
	_ =	sdelay $0x2  }
0x68: {  	s13 =	sadd.s32 $0x2900, s1  }
0x69: {  	s26 =	sor.u32 s5, s13  }
0x6a: {  	v41 =	vld [tilespmem:s26+$0x0];
	[tilespmem:$0x1FAC0] =	vst v3  }
0x6b: {  	v3 =	vld [tilespmem:s16+$0x5000];
	_ =	sdelay $0x4  }
0x6c: {  	[tilespmem:$0x1FAD0] =	vst v3  }
0x6d: {  	v3 =	vld [tilespmem:s17+$0x5000];
	_ =	sdelay $0x3  }
0x6e: {  	s15 =	sadd.s32 $0x2A00, s1  }
0x6f: {  	s31 =	sor.u32 s5, s15;
	[tilespmem:$0x1FAE0] =	vst v3  }
0x70: {  	v3 =	vld [tilespmem:s31+$0x0];
	_ =	sdelay $0x1  }
0x71: {  	s14 =	sadd.s32 $0x2980, s1  }
0x72: {  	s28 =	sor.u32 s5, s14  }
0x73: {  	v18 =	vld [tilespmem:s28+$0x0]  }
0x74: {  	s16 =	sadd.s32 $0x2A80, s1;
	v38 =	vld [tilespmem:s19+$0x5000];
	[tilespmem:$0x1FAF0] =	vst v3  }
0x75: {  	v47 =	vld [tilespmem:s21+$0x5000];
	s21 =	sor.u32 s5, s16  }
0x76: {  	v3 =	vld [tilespmem:s21+$0x0];
	_ =	sdelay $0x3  }
0x77: {  	v50 =	vld [tilespmem:s20+$0x5000]  }
0x78: {  	s17 =	sadd.s32 $0x2B00, s1;
	v39 =	vld [tilespmem:s22+$0x5000];
	[tilespmem:$0x1FB00] =	vst v3  }
0x79: {  	v28 =	vld [tilespmem:s23+$0x5000];
	s23 =	sor.u32 s5, s17  }
0x7a: {  	v3 =	vld [tilespmem:s23+$0x0];
	_ =	sdelay $0x4  }
0x7b: {  	[tilespmem:$0x1FB10] =	vst v3  }
0x7c: {  	v23 =	vld [tilespmem:s24+$0x5000]  }
0x7d: {  	v25 =	vld [tilespmem:s25+$0x5000]  }
0x7e: {  	s19 =	sadd.s32 $0x2B80, s1;
	v27 =	vld [tilespmem:s26+$0x5000]  }
0x7f: {  	v22 =	vld [tilespmem:s28+$0x5000];
	s26 =	sor.u32 s5, s19  }
0x80: {  	v3 =	vld [tilespmem:s26+$0x0]  }
0x81: {  	v24 =	vld [tilespmem:s31+$0x5000]  }
0x82: {  	v21 =	vld [tilespmem:s21+$0x5000]  }
0x83: {  	s20 =	sadd.s32 $0x3C00, s1;
	v20 =	vld [tilespmem:s23+$0x5000]  }
0x84: {  	s28 =	sor.u32 s5, s20;
	v19 =	vld [tilespmem:s26+$0x5000]  }
0x85: {  	v17 =	vld [tilespmem:s28+$0x5000];
	[tilespmem:$0x1FB20] =	vst v3  }
0x86: {  	v3 =	vld [tilespmem:s28+$0x0];
	_ =	sdelay $0x1  }
0x87: {  	s21 =	sadd.s32 $0x3C80, s1  }
0x88: {  	s22 =	sadd.s32 $0x3D00, s1;
	s29 =	sor.u32 s5, s21  }
0x89: {  	s30 =	sor.u32 s5, s22;
	v16 =	vld [tilespmem:s29+$0x5000]  }
0x8a: {  	v57 =	vld [tilespmem:s30+$0x5000];
	[tilespmem:$0x1FB30] =	vst v3  }
0x8b: {  	v3 =	vld [tilespmem:s29+$0x0];
	_ =	sdelay $0x4  }
0x8c: {  	[tilespmem:$0x1FB40] =	vst v3  }
0x8d: {  	v3 =	vld [tilespmem:s30+$0x0];
	_ =	sdelay $0x3  }
0x8e: {  	s23 =	sadd.s32 $0x3D80, s1  }
0x8f: {  	s31 =	sor.u32 s5, s23;
	[tilespmem:$0x1FB50] =	vst v3  }
0x90: {  	v3 =	vld [tilespmem:s31+$0x0];
	_ =	sdelay $0x3  }
0x91: {  	s24 =	sadd.s32 $0x3E00, s1  }
0x92: {  	s28 =	sor.u32 s5, s24;
	v55 =	vld [tilespmem:s31+$0x5000];
	[tilespmem:$0x1FB60] =	vst v3  }
0x93: {  	v3 =	vld [tilespmem:s28+$0x0];
	_ =	sdelay $0x3  }
0x94: {  	s25 =	sadd.s32 $0x3E80, s1  }
0x95: {  	s29 =	sor.u32 s5, s25;
	v15 =	vld [tilespmem:s28+$0x5000];
	[tilespmem:$0x1FB70] =	vst v3  }
0x96: {  	v3 =	vld [tilespmem:s29+$0x0];
	_ =	sdelay $0x2  }
0x97: {  	s18 =	simm.s32 $0x0  }
0x98: {  	s26 =	sadd.s32 $0x3F00, s1;
	s30 =	sand.u32 $0x3, s18  }
0x99: {  	s28 =	sshll.u32 s30, $0x5;
	v14 =	vld [tilespmem:s29+$0x5000];
	s29 =	sor.u32 s5, s26;
	[tilespmem:$0x1FB80] =	vst v3  }
0x9a: {  	s28 =	sadd.s32 $0x0, s28;
	v13 =	vld [tilespmem:s29+$0x5000]  }
0x9b: {  	s30 =	sadd.s32 $0x3F80, s1;
	s31 =	sadd.s32 $0x10, s28;
	s28 =	sor.u32 $0x300, s28;
	v52 =	vld [tilespmem:s29+$0x0]  }
0x9c: {  	s29 =	sor.u32 s5, s30;
	v3 =	vld [tilespmem:s28+$0x5000]  }
0x9d: {  	v35 =	vld [tilespmem:s29+$0x5000]  }
0x9e: {  	v32 =	vld [tilespmem:s29+$0x0];
	s29 =	sor.u32 $0x300, s31  }
0x9f: {  	v12 =	vld [tilespmem:s29+$0x5000]  }
0xa0: {  	s31 =	sor.u32 $0x380, s31;
	v53 =	vld [tilespmem:s29+$0x0]  }
0xa1: {  	v49 =	vld [tilespmem:s31+$0x5000]  }
0xa2: {  	v43 =	vld [tilespmem:s31+$0x0];
	[tilespmem:$0x1FC30] =	vst v3  }
0xa3: {  	v3 =	vld [tilespmem:s28+$0x0];
	_ =	sdelay $0x4  }
0xa4: {  	s4 =	sor.u32 s0, s4;
	[tilespmem:$0x1FE20] =	vst v3  }
0xa5: {  	v3 =	vld [tilespmem:s4+$0x5000];
	_ =	sdelay $0x4  }
0xa6: {  	[tilespmem:$0x1FB90] =	vst v3  }
0xa7: {  	v3 =	vld [tilespmem:s4+$0x0];
	_ =	sdelay $0x4  }
0xa8: {  	s2 =	sor.u32 s0, s2;
	[tilespmem:$0x1FC40] =	vst v3  }
0xa9: {  	v3 =	vld [tilespmem:s2+$0x5000];
	_ =	sdelay $0x4  }
0xaa: {  	s3 =	sor.u32 s0, s3;
	[tilespmem:$0x1FBA0] =	vst v3  }
0xab: {  	v3 =	vld [tilespmem:s3+$0x5000];
	_ =	sdelay $0x4  }
0xac: {  	s6 =	sor.u32 s0, s6;
	[tilespmem:$0x1FBB0] =	vst v3  }
0xad: {  	v3 =	vld [tilespmem:s6+$0x5000];
	_ =	sdelay $0x4  }
0xae: {  	s7 =	sor.u32 s0, s7;
	[tilespmem:$0x1FBC0] =	vst v3  }
0xaf: {  	v3 =	vld [tilespmem:s7+$0x5000];
	_ =	sdelay $0x4  }
0xb0: {  	s8 =	sor.u32 s0, s8;
	[tilespmem:$0x1FBD0] =	vst v3  }
0xb1: {  	v3 =	vld [tilespmem:s8+$0x5000];
	_ =	sdelay $0x4  }
0xb2: {  	s9 =	sor.u32 s0, s9;
	[tilespmem:$0x1FBE0] =	vst v3  }
0xb3: {  	v3 =	vld [tilespmem:s9+$0x5000];
	_ =	sdelay $0x4  }
0xb4: {  	s10 =	sor.u32 s0, s10;
	[tilespmem:$0x1FBF0] =	vst v3  }
0xb5: {  	v3 =	vld [tilespmem:s10+$0x5000];
	_ =	sdelay $0x4  }
0xb6: {  	s11 =	sor.u32 s0, s11;
	[tilespmem:$0x1FC00] =	vst v3  }
0xb7: {  	v3 =	vld [tilespmem:s11+$0x5000];
	_ =	sdelay $0x4  }
0xb8: {  	s13 =	sor.u32 s0, s13;
	[tilespmem:$0x1FC10] =	vst v3  }
0xb9: {  	v3 =	vld [tilespmem:s13+$0x5000];
	_ =	sdelay $0x3  }
0xba: {  	s12 =	sor.u32 s0, s12  }
0xbb: {  	s14 =	sor.u32 s0, s14;
	v61 =	vld [tilespmem:s12+$0x5000];
	[tilespmem:$0x1FC20] =	vst v3  }
0xbc: {  	s15 =	sor.u32 s0, s15;
	v48 =	vld [tilespmem:s14+$0x5000]  }
0xbd: {  	s16 =	sor.u32 s0, s16;
	v63 =	vld [tilespmem:s15+$0x5000]  }
0xbe: {  	s17 =	sor.u32 s0, s17;
	v60 =	vld [tilespmem:s16+$0x5000]  }
0xbf: {  	s19 =	sor.u32 s0, s19;
	v59 =	vld [tilespmem:s17+$0x5000]  }
0xc0: {  	s20 =	sor.u32 s0, s20;
	v42 =	vld [tilespmem:s19+$0x5000]  }
0xc1: {  	s21 =	sor.u32 s0, s21;
	v56 =	vld [tilespmem:s20+$0x5000]  }
0xc2: {  	s22 =	sor.u32 s0, s22;
	v33 =	vld [tilespmem:s21+$0x5000]  }
0xc3: {  	s23 =	sor.u32 s0, s23;
	v58 =	vld [tilespmem:s22+$0x5000]  }
0xc4: {  	s24 =	sor.u32 s0, s24;
	v40 =	vld [tilespmem:s23+$0x5000]  }
0xc5: {  	s28 =	sor.u32 s0, s25;
	v46 =	vld [tilespmem:s24+$0x5000]  }
0xc6: {  	s29 =	sor.u32 s0, s26;
	v36 =	vld [tilespmem:s28+$0x5000]  }
0xc7: {  	v29 =	vld [tilespmem:s29+$0x5000]  }
0xc8: {  	s31 =	sor.u32 s0, s30;
	v3 =	vld [tilespmem:s2+$0x0]  }
0xc9: {  	s1 =	sor.u32 s0, s1;
	v26 =	vld [tilespmem:s31+$0x5000]  }
0xca: {  	v37 =	vld [tilespmem:s1+$0x5000]  }
0xcb: {  	v30 =	vld [tilespmem:s1+$0x5080]  }
0xcc: {  	v45 =	vld [tilespmem:s1+$0x5100]  }
0xcd: {  	v44 =	vld [tilespmem:s1+$0x5180];
	[tilespmem:$0x1FC50] =	vst v3  }
0xce: {  	v3 =	vld [tilespmem:s3+$0x0];
	_ =	sdelay $0x1  }
0xcf: {  	s18 =	simm.s32 $0x0  }
0xd0: {  	s2 =	sor.u32 s18, s18;
	v51 =	vld [tilespmem:s1+$0x5200]  }
0xd1: {  	s18 =	sor.u32 $0x380, s2;
	v31 =	vld [tilespmem:s1+$0x5280]  }
0xd2: {  	v34 =	vld [tilespmem:s18+$0x5000];
	[tilespmem:$0x1FC60] =	vst v3  }
0xd3: {  	v3 =	vld [tilespmem:s6+$0x0];
	_ =	sdelay $0x4  }
0xd4: {  	[tilespmem:$0x1FC70] =	vst v3  }
0xd5: {  	v3 =	vld [tilespmem:s7+$0x0];
	_ =	sdelay $0x4  }
0xd6: {  	[tilespmem:$0x1FC80] =	vst v3  }
0xd7: {  	v3 =	vld [tilespmem:s8+$0x0];
	_ =	sdelay $0x4  }
0xd8: {  	[tilespmem:$0x1FC90] =	vst v3  }
0xd9: {  	v3 =	vld [tilespmem:s9+$0x0];
	_ =	sdelay $0x4  }
0xda: {  	[tilespmem:$0x1FCA0] =	vst v3  }
0xdb: {  	v3 =	vld [tilespmem:s10+$0x0];
	_ =	sdelay $0x4  }
0xdc: {  	[tilespmem:$0x1FCB0] =	vst v3  }
0xdd: {  	v3 =	vld [tilespmem:s11+$0x0];
	_ =	sdelay $0x4  }
0xde: {  	[tilespmem:$0x1FCC0] =	vst v3  }
0xdf: {  	v3 =	vld [tilespmem:s12+$0x0];
	_ =	sdelay $0x4  }
0xe0: {  	[tilespmem:$0x1FCD0] =	vst v3  }
0xe1: {  	v3 =	vld [tilespmem:s13+$0x0];
	_ =	sdelay $0x4  }
0xe2: {  	[tilespmem:$0x1FCE0] =	vst v3  }
0xe3: {  	v3 =	vld [tilespmem:s14+$0x0];
	_ =	sdelay $0x4  }
0xe4: {  	[tilespmem:$0x1FCF0] =	vst v3  }
0xe5: {  	v3 =	vld [tilespmem:s15+$0x0];
	_ =	sdelay $0x4  }
0xe6: {  	[tilespmem:$0x1FD00] =	vst v3  }
0xe7: {  	v3 =	vld [tilespmem:s16+$0x0];
	_ =	sdelay $0x4  }
0xe8: {  	[tilespmem:$0x1FD10] =	vst v3  }
0xe9: {  	v3 =	vld [tilespmem:s17+$0x0];
	_ =	sdelay $0x4  }
0xea: {  	[tilespmem:$0x1FD20] =	vst v3  }
0xeb: {  	v3 =	vld [tilespmem:s19+$0x0];
	_ =	sdelay $0x4  }
0xec: {  	[tilespmem:$0x1FD30] =	vst v3  }
0xed: {  	v3 =	vld [tilespmem:s20+$0x0];
	_ =	sdelay $0x4  }
0xee: {  	[tilespmem:$0x1FD40] =	vst v3  }
0xef: {  	v3 =	vld [tilespmem:s21+$0x0];
	_ =	sdelay $0x4  }
0xf0: {  	[tilespmem:$0x1FD50] =	vst v3  }
0xf1: {  	v3 =	vld [tilespmem:s22+$0x0];
	_ =	sdelay $0x4  }
0xf2: {  	[tilespmem:$0x1FD60] =	vst v3  }
0xf3: {  	v3 =	vld [tilespmem:s23+$0x0];
	_ =	sdelay $0x4  }
0xf4: {  	[tilespmem:$0x1FD70] =	vst v3  }
0xf5: {  	v3 =	vld [tilespmem:s24+$0x0];
	_ =	sdelay $0x4  }
0xf6: {  	[tilespmem:$0x1FD80] =	vst v3  }
0xf7: {  	v3 =	vld [tilespmem:s28+$0x0];
	_ =	sdelay $0x4  }
0xf8: {  	[tilespmem:$0x1FD90] =	vst v3  }
0xf9: {  	v3 =	vld [tilespmem:s29+$0x0];
	_ =	sdelay $0x4  }
0xfa: {  	[tilespmem:$0x1FDA0] =	vst v3  }
0xfb: {  	v3 =	vld [tilespmem:s31+$0x0];
	_ =	sdelay $0x4  }
0xfc: {  	[tilespmem:$0x1FDB0] =	vst v3  }
0xfd: {  	v3 =	vld [tilespmem:s1+$0x0];
	_ =	sdelay $0x4  }
0xfe: {  	[tilespmem:$0x1FDC0] =	vst v3  }
0xff: {  	v3 =	vld [tilespmem:s1+$0x80];
	_ =	sdelay $0x4  }
0x100: {  	[tilespmem:$0x1FDD0] =	vst v3  }
0x101: {  	v3 =	vld [tilespmem:s1+$0x100];
	_ =	sdelay $0x4  }
0x102: {  	[tilespmem:$0x1FDE0] =	vst v3  }
0x103: {  	v3 =	vld [tilespmem:s1+$0x180];
	_ =	sdelay $0x4  }
0x104: {  	[tilespmem:$0x1FDF0] =	vst v3  }
0x105: {  	v3 =	vld [tilespmem:s1+$0x200];
	_ =	sdelay $0x4  }
0x106: {  	[tilespmem:$0x1FE00] =	vst v3  }
0x107: {  	v3 =	vld [tilespmem:s1+$0x280];
	_ =	sdelay $0x4  }
0x108: {  	[tilespmem:$0x1FE10] =	vst v3  }
0x109: {  	v3 =	vld [tilespmem:s18+$0x0];
	_ =	sdelay $0x1  }
0x10a: {  	s20 =	simm.s32 $0x20  }
0x10b: {  	s4 =	sand.u32 $0x60, s20;
	s21 =	simm.s32 $0x100  }
0x10c: {  	s30 =	sand.u32 $0x1C00, s21;
	s31 =	sor.u32 $0x10, s4  }
0x10d: {  	s22 =	sor.u32 s30, s31;
	[tilespmem:$0x1FE30] =	vst v3  }
0x10e: {  	v3 =	vld [tilespmem:s22+$0x0];
	_ =	sdelay $0x4  }
0x10f: {  	[tilespmem:$0x1FE40] =	vst v3  }
0x110: {  	v3 =	vld [tilespmem:s22+$0x80];
	_ =	sdelay $0x4  }
0x111: {  	[tilespmem:$0x1FE50] =	vst v3  }
0x112: {  	v3 =	vld [tilespmem:s22+$0x100];
	_ =	sdelay $0x4  }
0x113: {  	[tilespmem:$0x1FE60] =	vst v3  }
0x114: {  	v3 =	vld [tilespmem:s22+$0x180];
	_ =	sdelay $0x4  }
0x115: {  	[tilespmem:$0x1FE70] =	vst v3  }
0x116: {  	v3 =	vld [tilespmem:s22+$0x200];
	_ =	sdelay $0x4  }
0x117: {  	[tilespmem:$0x1FE80] =	vst v3  }
0x118: {  	v3 =	vld [tilespmem:s22+$0x280];
	_ =	sdelay $0x3  }
0x119: {  	s13 =	sadd.s32 $0x1400, s30  }
0x11a: {  	s23 =	sor.u32 s31, s13;
	[tilespmem:$0x1FE90] =	vst v3  }
0x11b: {  	v3 =	vld [tilespmem:s23+$0x0];
	_ =	sdelay $0x3  }
0x11c: {  	s6 =	sadd.s32 $0x1480, s30  }
0x11d: {  	s24 =	sor.u32 s31, s6;
	[tilespmem:$0x1FEA0] =	vst v3  }
0x11e: {  	v3 =	vld [tilespmem:s24+$0x0];
	_ =	sdelay $0x3  }
0x11f: {  	v11 =	vadd.f32 v6, v4;
	v4 =	vld [tilespmem:$0x1F9E0]  }
0x120: {  	[tilespmem:$0x1FEB0] =	vst v3;
	v3 =	vld [tilespmem:$0x1F9D0];
	_ =	sdelay $0x2  }
0x121: {  	s0 =	sadd.s32 $0x1500, s30;
	s26 =	sadd.s32 $0x1600, s30  }
0x122: {  	s25 =	sor.u32 s31, s0;
	[dreg:$0x1d] =	wrdreg s26  }
0x123: {  	v62 =	vadd.f32 v9, v5;
	v9 =	vadd.f32 v4, v3;
	v3 =	vld [tilespmem:s25+$0x0];
	_ =	sdelay $0x3  }
0x124: {  	v4 =	vld [tilespmem:$0x1FA00]  }
0x125: {  	[tilespmem:$0x1FEC0] =	vst v3;
	v3 =	vld [tilespmem:$0x1F9F0];
	_ =	sdelay $0x4  }
0x126: {  	v10 =	vadd.f32 v8, v7;
	v7 =	vadd.f32 v4, v3;
	v3 =	vld [tilespmem:$0x1FA10]  }
0x127: {  	v4 =	vld [tilespmem:$0x1FA20];
	_ =	sdelay $0x2  }
0x128: {  	s7 =	sadd.s32 $0x1580, s30  }
0x129: {  	s28 =	sor.u32 s31, s7  }
0x12a: {  	v8 =	vadd.f32 v4, v3;
	v3 =	vld [tilespmem:s28+$0x0];
	_ =	sdelay $0x3  }
0x12b: {  	v4 =	vld [tilespmem:$0x1FA40]  }
0x12c: {  	[tilespmem:$0x1FED0] =	vst v3;
	v3 =	vld [tilespmem:$0x1FA30];
	_ =	sdelay $0x4  }
0x12d: {  	v5 =	vadd.f32 v4, v3;
	v3 =	vld [tilespmem:$0x1FA50];
	_ =	sdelay $0x3  }
0x12e: {  	s29 =	sor.u32 s31, s26  }
0x12f: {  	v6 =	vadd.f32 v2, v3;
	v2 =	vld [tilespmem:s29+$0x0];
	_ =	sdelay $0x3  }
0x130: {  	v3 =	vld [tilespmem:$0x1FA70]  }
0x131: {  	[tilespmem:$0x1FEE0] =	vst v2;
	v2 =	vld [tilespmem:$0x1FA60];
	_ =	sdelay $0x2  }
0x132: {  	s8 =	sadd.s32 $0x1680, s30  }
0x133: {  	s1 =	sor.u32 s31, s8  }
0x134: {  	v18 =	vadd.f32 v18, v41;
	v41 =	vadd.f32 v3, v2;
	v2 =	vld [tilespmem:s1+$0x0];
	_ =	sdelay $0x3  }
0x135: {  	v3 =	vld [tilespmem:$0x1FA90]  }
0x136: {  	[tilespmem:$0x1FEF0] =	vst v2;
	v2 =	vld [tilespmem:$0x1FA80];
	_ =	sdelay $0x3  }
0x137: {  	v4 =	vld [tilespmem:$0x1FAB0]  }
0x138: {  	v3 =	vadd.f32 v3, v2;
	v2 =	vld [tilespmem:$0x1FAA0];
	_ =	sdelay $0x2  }
0x139: {  	s9 =	sadd.s32 $0x1700, s30  }
0x13a: {  	s2 =	sor.u32 s31, s9  }
0x13b: {  	v4 =	vadd.f32 v4, v2;
	v2 =	vld [tilespmem:s2+$0x0];
	_ =	sdelay $0x3  }
0x13c: {  	v54 =	vld [tilespmem:$0x1FAD0]  }
0x13d: {  	[tilespmem:$0x1FF00] =	vst v2;
	v2 =	vld [tilespmem:$0x1FAC0];
	_ =	sdelay $0x4  }
0x13e: {  	v2 =	vadd.f32 v54, v2;
	v54 =	vld [tilespmem:$0x1FAE0];
	_ =	sdelay $0x2  }
0x13f: {  	s10 =	sadd.s32 $0x1780, s30  }
0x140: {  	s3 =	sor.u32 s31, s10  }
0x141: {  	v38 =	vadd.f32 v38, v54;
	v54 =	vld [tilespmem:s3+$0x0];
	_ =	sdelay $0x3  }
0x142: {  	s12 =	sadd.s32 $0x2800, s30  }
0x143: {  	s18 =	sor.u32 s31, s12;
	[tilespmem:$0x1FF10] =	vst v54  }
0x144: {  	v47 =	vadd.f32 v47, v50;
	v50 =	vld [tilespmem:s18+$0x0];
	_ =	sdelay $0x4  }
0x145: {  	[tilespmem:$0x1FF20] =	vst v50  }
0x146: {  	v54 =	vld [tilespmem:s22+$0x5000];
	_ =	sdelay $0x4  }
0x147: {  	[tilespmem:$0x1FF30] =	vst v54  }
0x148: {  	v23 =	vadd.f32 v25, v23;
	v25 =	vld [tilespmem:s22+$0x5080];
	_ =	sdelay $0x4  }
0x149: {  	[tilespmem:$0x1FF40] =	vst v25  }
0x14a: {  	v19 =	vadd.f32 v19, v20;
	v20 =	vld [tilespmem:s22+$0x5100];
	_ =	sdelay $0x4  }
0x14b: {  	[tilespmem:$0x1FF50] =	vst v20  }
0x14c: {  	v14 =	vadd.f32 v14, v15;
	v15 =	vld [tilespmem:s22+$0x5180];
	_ =	sdelay $0x2  }
0x14d: {  	v22 =	vadd.f32 v22, v27  }
0x14e: {  	v16 =	vadd.f32 v16, v17;
	v27 =	vadd.f32 v55, v57  }
0x14f: {  	v13 =	vadd.f32 v35, v13;
	v12 =	vadd.f32 v49, v12;
	[tilespmem:$0x1FF60] =	vst v15  }
0x150: {  	v17 =	vadd.f32 v27, v16;
	v3 =	vadd.f32 v3, v41;
	v15 =	vld [tilespmem:s22+$0x5200]  }
0x151: {  	v4 =	vadd.f32 v12, v4;
	v12 =	vadd.f32 v13, v14  }
0x152: {  	v14 =	vld [tilespmem:$0x1FB00]  }
0x153: {  	v3 =	vadd.f32 v4, v3;
	v4 =	vadd.f32 v12, v17;
	v12 =	vld [tilespmem:$0x1FAF0]  }
0x154: {  	v28 =	vadd.f32 v28, v39  }
0x155: {  	v21 =	vadd.f32 v21, v24;
	[tilespmem:$0x1FF70] =	vst v15  }
0x156: {  	v2 =	vadd.f32 v38, v2;
	v15 =	vadd.f32 v28, v47;
	v20 =	vld [tilespmem:s22+$0x5280]  }
0x157: {  	v19 =	vadd.f32 v19, v21;
	v28 =	vadd.f32 v22, v23  }
0x158: {  	v12 =	vadd.f32 v14, v12;
	v14 =	vld [tilespmem:$0x1FB10];
	v2 =	vadd.f32 v15, v2  }
0x159: {  	v13 =	vadd.f32 v19, v28;
	v15 =	vld [tilespmem:$0x1FB20]  }
0x15a: {  	v2 =	vadd.f32 v2, v3;
	v3 =	vld [tilespmem:$0x1FB30]  }
0x15b: {  	v4 =	vadd.f32 v4, v13;
	v13 =	vld [tilespmem:$0x1FB40];
	[tilespmem:$0x1FF80] =	vst v20  }
0x15c: {  	v35 =	vld [tilespmem:s23+$0x5000];
	_ =	sdelay $0x2  }
0x15d: {  	v15 =	vadd.f32 v15, v14;
	v14 =	vld [tilespmem:$0x1FB60]  }
0x15e: {  	v13 =	vadd.f32 v13, v3;
	v3 =	vld [tilespmem:$0x1FB50]  }
0x15f: {  	[tilespmem:$0x1FF90] =	vst v35  }
0x160: {  	s11 =	sadd.s32 $0x2880, s30;
	v57 =	vld [tilespmem:s24+$0x5000]  }
0x161: {  	s23 =	sor.u32 s31, s11;
	v49 =	vld [tilespmem:s25+$0x5000]  }
0x162: {  	v16 =	vld [tilespmem:s23+$0x0]  }
0x163: {  	v38 =	vadd.f32 v14, v3;
	v3 =	vld [tilespmem:$0x1FB70]  }
0x164: {  	v14 =	vld [tilespmem:$0x1FB80]  }
0x165: {  	v41 =	vld [tilespmem:s28+$0x5000]  }
0x166: {  	s17 =	sadd.s32 $0x2900, s30;
	v2 =	vadd.f32 v4, v2;
	v35 =	vld [tilespmem:s29+$0x5000]  }
0x167: {  	s20 =	sadd.s32 $0x2A00, s30;
	s24 =	sor.u32 s31, s17;
	v20 =	vld [tilespmem:s1+$0x5000]  }
0x168: {  	s26 =	sor.u32 s31, s20;
	v55 =	vld [tilespmem:s24+$0x0];
	[tilespmem:$0x1FFC0] =	vst v2  }
0x169: {  	v39 =	vadd.f32 v14, v3;
	v3 =	vld [tilespmem:s26+$0x0];
	_ =	sdelay $0x1  }
0x16a: {  	s19 =	sadd.s32 $0x2980, s30;
	v4 =	vld [tilespmem:$0x1FBA0]  }
0x16b: {  	s25 =	sor.u32 s31, s19;
	v22 =	vld [tilespmem:s2+$0x5000]  }
0x16c: {  	v54 =	vld [tilespmem:s25+$0x0]  }
0x16d: {  	v7 =	vadd.f32 v7, v9;
	[tilespmem:$0x1FFA0] =	vst v3;
	v3 =	vld [tilespmem:$0x1FB90]  }
0x16e: {  	v5 =	vadd.f32 v5, v8;
	v8 =	vadd.f32 v43, v53  }
0x16f: {  	v6 =	vadd.f32 v18, v6;
	v9 =	vadd.f32 v15, v12  }
0x170: {  	v10 =	vadd.f32 v10, v11;
	s21 =	sadd.s32 $0x2A80, s30;
	v8 =	vadd.f32 v8, v62  }
0x171: {  	v5 =	vadd.f32 v5, v7;
	v7 =	vadd.f32 v9, v6;
	s28 =	sor.u32 s31, s21;
	v43 =	vld [tilespmem:s3+$0x5000]  }
0x172: {  	v6 =	vadd.f32 v8, v10;
	v8 =	vadd.f32 v4, v3;
	v3 =	vld [tilespmem:s28+$0x0]  }
0x173: {  	v47 =	vld [tilespmem:s18+$0x5000]  }
0x174: {  	v50 =	vld [tilespmem:s23+$0x5000]  }
0x175: {  	v62 =	vld [tilespmem:s24+$0x5000]  }
0x176: {  	v4 =	vld [tilespmem:$0x1FBC0]  }
0x177: {  	[tilespmem:$0x1FFB0] =	vst v3;
	v3 =	vld [tilespmem:$0x1FBB0];
	_ =	sdelay $0x4  }
0x178: {  	v9 =	vadd.f32 v4, v3;
	v3 =	vadd.f32 v5, v6  }
0x179: {  	v4 =	vld [tilespmem:$0x1FBE0]  }
0x17a: {  	[tilespmem:$0x1FFE0] =	vst v3;
	v3 =	vld [tilespmem:$0x1FBD0];
	_ =	sdelay $0x4  }
0x17b: {  	v5 =	vadd.f32 v4, v3;
	v3 =	vld [tilespmem:$0x1FBF0]  }
0x17c: {  	v4 =	vld [tilespmem:$0x1FC00];
	_ =	sdelay $0x4  }
0x17d: {  	v10 =	vadd.f32 v4, v3;
	v3 =	vld [tilespmem:$0x1FC10]  }
0x17e: {  	s22 =	sadd.s32 $0x2B00, s30;
	v2 =	vadd.f32 v32, v52  }
0x17f: {  	s29 =	sor.u32 s31, s22  }
0x180: {  	v2 =	vadd.f32 v2, v39;
	v39 =	vld [tilespmem:s29+$0x0]  }
0x181: {  	v53 =	vld [tilespmem:s25+$0x5000]  }
0x182: {  	v8 =	vadd.f32 v9, v8;
	v9 =	vadd.f32 v61, v3;
	v3 =	vld [tilespmem:$0x1FC20]  }
0x183: {  	s23 =	sadd.s32 $0x2B80, s30;
	v52 =	vld [tilespmem:s26+$0x5000]  }
0x184: {  	s24 =	sadd.s32 $0x3C00, s30;
	s3 =	sor.u32 s31, s23;
	v32 =	vld [tilespmem:s29+$0x5000]  }
0x185: {  	v15 =	vadd.f32 v36, v46;
	s14 =	sor.u32 s31, s24;
	v28 =	vld [tilespmem:s3+$0x0]  }
0x186: {  	v11 =	vadd.f32 v38, v13;
	v13 =	vadd.f32 v42, v59;
	v36 =	vld [tilespmem:s14+$0x5000]  }
0x187: {  	s25 =	sadd.s32 $0x3C80, s30;
	v5 =	vadd.f32 v10, v5;
	v10 =	vadd.f32 v48, v3;
	v3 =	vld [tilespmem:$0x1FC30]  }
0x188: {  	v2 =	vadd.f32 v2, v11;
	v11 =	vadd.f32 v60, v63;
	v24 =	vld [tilespmem:s14+$0x0];
	s26 =	sadd.s32 $0x3D00, s30;
	s15 =	sor.u32 s31, s25  }
0x189: {  	v42 =	vadd.f32 v26, v29;
	s16 =	sor.u32 s31, s26;
	v29 =	vld [tilespmem:s15+$0x0]  }
0x18a: {  	v11 =	vadd.f32 v13, v11;
	v13 =	vadd.f32 v40, v58;
	v17 =	vld [tilespmem:s16+$0x5000]  }
0x18b: {  	v4 =	vld [tilespmem:$0x1FC50];
	v9 =	vadd.f32 v10, v9;
	v10 =	vadd.f32 v33, v56  }
0x18c: {  	v58 =	vadd.f32 v34, v3;
	v3 =	vld [tilespmem:$0x1FC40]  }
0x18d: {  	v15 =	vadd.f32 v42, v15;
	v26 =	vld [tilespmem:s16+$0x0];
	v10 =	vadd.f32 v13, v10  }
0x18e: {  	v2 =	vadd.f32 v2, v7;
	v48 =	vld [tilespmem:s28+$0x5000]  }
0x18f: {  	v33 =	vld [tilespmem:s3+$0x5000];
	v9 =	vadd.f32 v11, v9;
	v10 =	vadd.f32 v15, v10  }
0x190: {  	v13 =	vadd.f32 v30, v37;
	v37 =	vld [tilespmem:s15+$0x5000];
	[tilespmem:$0x1FFF0] =	vst v2;
	v2 =	vadd.f32 v5, v8  }
0x191: {  	v5 =	vadd.f32 v10, v9;
	v10 =	vadd.f32 v4, v3;
	v3 =	vld [tilespmem:$0x1FC60]  }
0x192: {  	v4 =	vld [tilespmem:$0x1FC70]  }
0x193: {  	v46 =	vadd.f32 v44, v45;
	v56 =	vadd.f32 v31, v51;
	_ =	sdelay $0x1  }
0x194: {  	v13 =	vadd.f32 v46, v13;
	v15 =	vadd.f32 v58, v56;
	_ =	sdelay $0x1  }
0x195: {  	v9 =	vadd.f32 v15, v13;
	v13 =	vadd.f32 v4, v3;
	v3 =	vld [tilespmem:$0x1FC80]  }
0x196: {  	s28 =	sadd.s32 $0x3D80, s30;
	v4 =	vld [tilespmem:$0x1FC90]  }
0x197: {  	s18 =	sor.u32 s31, s28  }
0x198: {  	s29 =	sadd.s32 $0x3E00, s30;
	v14 =	vld [tilespmem:s18+$0x5000]  }
0x199: {  	s1 =	sor.u32 s31, s29;
	v27 =	vld [tilespmem:s18+$0x0]  }
0x19a: {  	v40 =	vld [tilespmem:s1+$0x5000]  }
0x19b: {  	v2 =	vadd.f32 v2, v9;
	v9 =	vadd.f32 v4, v3;
	v3 =	vld [tilespmem:$0x1FCA0]  }
0x19c: {  	s18 =	sadd.s32 $0x3E80, s30;
	v4 =	vld [tilespmem:$0x1FCB0]  }
0x19d: {  	v31 =	vld [tilespmem:s1+$0x0];
	s3 =	sor.u32 s31, s18  }
0x19e: {  	v42 =	vld [tilespmem:s3+$0x5000];
	v2 =	vadd.f32 v5, v2  }
0x19f: {  	v34 =	vld [tilespmem:s3+$0x0]  }
0x1a0: {  	[tilespmem:$0x1FFD0] =	vst v2;
	v2 =	vld [tilespmem:$0x1FCC0]  }
0x1a1: {  	v10 =	vadd.f32 v13, v10;
	v13 =	vadd.f32 v4, v3;
	v3 =	vld [tilespmem:$0x1FCD0];
	_ =	sdelay $0x3  }
0x1a2: {  	v4 =	vld [tilespmem:$0x1FCF0]  }
0x1a3: {  	v2 =	vadd.f32 v3, v2;
	v3 =	vld [tilespmem:$0x1FCE0];
	_ =	sdelay $0x4  }
0x1a4: {  	v9 =	vadd.f32 v13, v9;
	v13 =	vadd.f32 v4, v3;
	v3 =	vld [tilespmem:$0x1FD00]  }
0x1a5: {  	v4 =	vld [tilespmem:$0x1FD10];
	_ =	sdelay $0x4  }
0x1a6: {  	v15 =	vadd.f32 v4, v3;
	v3 =	vld [tilespmem:$0x1FD20]  }
0x1a7: {  	v4 =	vld [tilespmem:$0x1FD30];
	_ =	sdelay $0x4  }
0x1a8: {  	v59 =	vadd.f32 v4, v3;
	v3 =	vld [tilespmem:$0x1FD40]  }
0x1a9: {  	v4 =	vld [tilespmem:$0x1FD50];
	_ =	sdelay $0x4  }
0x1aa: {  	v2 =	vadd.f32 v13, v2;
	v13 =	vadd.f32 v4, v3;
	v3 =	vld [tilespmem:$0x1FD60]  }
0x1ab: {  	v4 =	vld [tilespmem:$0x1FD70];
	_ =	sdelay $0x4  }
0x1ac: {  	v60 =	vadd.f32 v4, v3;
	v3 =	vld [tilespmem:$0x1FD80]  }
0x1ad: {  	v4 =	vld [tilespmem:$0x1FD90];
	_ =	sdelay $0x4  }
0x1ae: {  	v61 =	vadd.f32 v4, v3;
	v3 =	vld [tilespmem:$0x1FDA0]  }
0x1af: {  	v4 =	vld [tilespmem:$0x1FDB0];
	_ =	sdelay $0x4  }
0x1b0: {  	v63 =	vadd.f32 v4, v3;
	v3 =	vld [tilespmem:$0x1FDC0]  }
0x1b1: {  	v4 =	vld [tilespmem:$0x1FDD0];
	_ =	sdelay $0x4  }
0x1b2: {  	v18 =	vadd.f32 v4, v3;
	v3 =	vld [tilespmem:$0x1FDE0]  }
0x1b3: {  	v4 =	vld [tilespmem:$0x1FDF0];
	_ =	sdelay $0x4  }
0x1b4: {  	v21 =	vadd.f32 v4, v3;
	v3 =	vld [tilespmem:$0x1FE00]  }
0x1b5: {  	v4 =	vld [tilespmem:$0x1FE10];
	_ =	sdelay $0x4  }
0x1b6: {  	v23 =	vadd.f32 v4, v3;
	v3 =	vld [tilespmem:$0x1FE20]  }
0x1b7: {  	v4 =	vld [tilespmem:$0x1FE30];
	_ =	sdelay $0x4  }
0x1b8: {  	v38 =	vadd.f32 v4, v3;
	v3 =	vld [tilespmem:$0x1FE40]  }
0x1b9: {  	v4 =	vld [tilespmem:$0x1FE50];
	_ =	sdelay $0x4  }
0x1ba: {  	v11 =	vadd.f32 v4, v3;
	v3 =	vld [tilespmem:$0x1FE60]  }
0x1bb: {  	v4 =	vld [tilespmem:$0x1FE70]  }
0x1bc: {  	v41 =	vadd.f32 v41, v49  }
0x1bd: {  	v49 =	vadd.f32 v53, v62;
	v19 =	vadd.f32 v63, v61  }
0x1be: {  	v18 =	vadd.f32 v21, v18;
	v61 =	vadd.f32 v38, v23  }
0x1bf: {  	v62 =	vadd.f32 v37, v36;
	v14 =	vadd.f32 v14, v17  }
0x1c0: {  	v25 =	vadd.f32 v61, v18;
	v61 =	vadd.f32 v4, v3;
	v3 =	vld [tilespmem:$0x1FE80]  }
0x1c1: {  	s16 =	sadd.s32 $0x3F00, s30;
	s15 =	simm.s32 $0x1;
	v4 =	vld [tilespmem:$0x1FE90]  }
0x1c2: {  	s14 =	simm.s32 $0x1;
	[dreg:$0x5] =	wrdreg s15;
	s3 =	sor.u32 s31, s16;
	v14 =	vadd.f32 v14, v62;
	v62 =	vld [tilespmem:$0x1FFB0]  }
0x1c3: {  	s1 =	sand.u32 $0x3, s14;
	s14 =	sadd.s32 $0x3F80, s30;
	v44 =	vld [tilespmem:s3+$0x5000]  }
0x1c4: {  	s15 =	sor.u32 s31, s14;
	v45 =	vld [tilespmem:s3+$0x0]  }
0x1c5: {  	v46 =	vld [tilespmem:s15+$0x5000]  }
0x1c6: {  	v63 =	vadd.f32 v4, v3;
	v3 =	vld [tilespmem:$0x1FEA0]  }
0x1c7: {  	s2 =	sshll.u32 s1, $0x5;
	v4 =	vld [tilespmem:$0x1FEB0]  }
0x1c8: {  	s11 =	sor.u32 s4, s11;
	s3 =	sadd.s32 $0x100, s2;
	v51 =	vld [tilespmem:s15+$0x0]  }
0x1c9: {  	v37 =	vld [tilespmem:s11+$0x5000];
	s2 =	sor.u32 $0x300, s3  }
0x1ca: {  	s1 =	sadd.s32 $0x10, s3;
	s3 =	sor.u32 s4, s13;
	s13 =	sor.u32 s4, s0;
	v30 =	vld [tilespmem:s2+$0x5000]  }
0x1cb: {  	v12 =	vld [tilespmem:s13+$0x5000]  }
0x1cc: {  	v8 =	vadd.f32 v4, v3;
	v3 =	vld [tilespmem:$0x1FEC0]  }
0x1cd: {  	s15 =	sor.u32 $0x300, s1;
	v4 =	vld [tilespmem:$0x1FED0]  }
0x1ce: {  	v56 =	vld [tilespmem:s15+$0x5000]  }
0x1cf: {  	s1 =	sor.u32 $0x380, s1;
	v58 =	vld [tilespmem:s15+$0x0];
	v15 =	vadd.f32 v59, v15  }
0x1d0: {  	v59 =	vld [tilespmem:s1+$0x5000]  }
0x1d1: {  	v15 =	vadd.f32 v15, v2;
	v2 =	vld [tilespmem:s2+$0x0]  }
0x1d2: {  	v7 =	vadd.f32 v4, v3;
	v3 =	vld [tilespmem:$0x1FEE0]  }
0x1d3: {  	v4 =	vld [tilespmem:$0x1FEF0]  }
0x1d4: {  	v13 =	vadd.f32 v60, v13;
	v60 =	vld [tilespmem:s1+$0x0];
	s1 =	sor.u32 s4, s7;
	s7 =	sor.u32 s4, s10  }
0x1d5: {  	v22 =	vadd.f32 v43, v22;
	v43 =	vadd.f32 v50, v47;
	s10 =	sor.u32 s4, s12;
	v50 =	vld [tilespmem:s7+$0x5000]  }
0x1d6: {  	s12 =	sor.u32 s4, s17;
	v36 =	vld [tilespmem:s10+$0x5000]  }
0x1d7: {  	v48 =	vadd.f32 v48, v52;
	v52 =	vadd.f32 v42, v40;
	v42 =	vld [tilespmem:s12+$0x5000]  }
0x1d8: {  	v6 =	vadd.f32 v4, v3;
	v3 =	vld [tilespmem:$0x1FF00]  }
0x1d9: {  	s17 =	sor.u32 s4, s20;
	v4 =	vld [tilespmem:$0x1FF10]  }
0x1da: {  	v53 =	vadd.f32 v46, v44;
	s20 =	sor.u32 s4, s22;
	v46 =	vld [tilespmem:s17+$0x5000]  }
0x1db: {  	v40 =	vld [tilespmem:s20+$0x5000]  }
0x1dc: {  	v17 =	vadd.f32 v53, v52;
	v53 =	vadd.f32 v51, v45;
	v45 =	vld [tilespmem:s1+$0x0]  }
0x1dd: {  	v51 =	vld [tilespmem:s12+$0x0]  }
0x1de: {  	v5 =	vadd.f32 v4, v3;
	v3 =	vld [tilespmem:$0x1FF20]  }
0x1df: {  	v13 =	vadd.f32 v19, v13;
	v19 =	vadd.f32 v9, v10;
	v10 =	vld [tilespmem:s1+$0x5000]  }
0x1e0: {  	v9 =	vld [tilespmem:$0x1FF80]  }
0x1e1: {  	v21 =	vld [tilespmem:s13+$0x0]  }
0x1e2: {  	v20 =	vadd.f32 v20, v35;
	v4 =	vld [tilespmem:$0x1FF40]  }
0x1e3: {  	s13 =	sor.u32 s4, s19;
	v16 =	vadd.f32 v16, v3;
	v3 =	vld [tilespmem:$0x1FF30]  }
0x1e4: {  	v20 =	vadd.f32 v22, v20;
	s19 =	sor.u32 s4, s21;
	v22 =	vld [tilespmem:s13+$0x5000]  }
0x1e5: {  	v32 =	vadd.f32 v33, v32;
	s21 =	sor.u32 s4, s25;
	v33 =	vld [tilespmem:s19+$0x5000]  }
0x1e6: {  	v28 =	vadd.f32 v28, v39;
	s25 =	sor.u32 s4, s26;
	v39 =	vld [tilespmem:s21+$0x5000]  }
0x1e7: {  	v32 =	vadd.f32 v32, v48;
	v48 =	vld [tilespmem:s25+$0x5000]  }
0x1e8: {  	v54 =	vadd.f32 v54, v55;
	v55 =	vadd.f32 v4, v3;
	v3 =	vld [tilespmem:$0x1FF50]  }
0x1e9: {  	s26 =	sor.u32 s4, s28;
	v4 =	vld [tilespmem:$0x1FF60]  }
0x1ea: {  	s6 =	sor.u32 s4, s6;
	v43 =	vadd.f32 v49, v43;
	s2 =	sor.u32 s4, s14;
	v49 =	vld [tilespmem:s26+$0x5000]  }
0x1eb: {  	s14 =	simm.s32 $0x100;
	s22 =	sor.u32 s4, s23;
	s28 =	sor.u32 s4, s29;
	v23 =	vadd.f32 v13, v15;
	v15 =	vld [tilespmem:s3+$0x5000]  }
0x1ec: {  	s29 =	sor.u32 s4, s16;
	s16 =	sor.u32 s4, s30;
	s30 =	simm.s32 $0x20;
	v38 =	vld [tilespmem:s3+$0x0]  }
0x1ed: {  	s23 =	sor.u32 s4, s24;
	s24 =	sor.u32 s4, s18;
	s18 =	sor.u32 s14, s30;
	v13 =	vld [tilespmem:s6+$0x5000]  }
0x1ee: {  	s3 =	sor.u32 $0x380, s18;
	v3 =	vadd.f32 v4, v3;
	v4 =	vld [tilespmem:$0x1FF70]  }
0x1ef: {  	v24 =	vadd.f32 v29, v24;
	v26 =	vadd.f32 v27, v26;
	v44 =	vld [tilespmem:s3+$0x5000]  }
0x1f0: {  	v32 =	vadd.f32 v32, v43;
	v18 =	vld [tilespmem:s6+$0x0];
	s6 =	sor.u32 s4, s8;
	s8 =	sor.u32 s4, s9  }
0x1f1: {  	v24 =	vadd.f32 v26, v24;
	v52 =	vadd.f32 v34, v31;
	v47 =	vld [tilespmem:s8+$0x5000]  }
0x1f2: {  	v10 =	vadd.f32 v10, v12;
	v12 =	vld [tilespmem:s16+$0x5100];
	v33 =	vadd.f32 v33, v46  }
0x1f3: {  	v13 =	vadd.f32 v13, v15;
	v4 =	vadd.f32 v9, v4;
	v9 =	vld [tilespmem:$0x1FF90]  }
0x1f4: {  	v7 =	vadd.f32 v7, v8;
	v8 =	vadd.f32 v60, v58;
	v60 =	vld [tilespmem:s16+$0x5180]  }
0x1f5: {  	v35 =	vld [tilespmem:s6+$0x5000];
	v30 =	vadd.f32 v44, v30;
	v10 =	vadd.f32 v10, v13  }
0x1f6: {  	s15 =	rddreg [dreg:$0x1d];
	v46 =	vld [tilespmem:s6+$0x0];
	v13 =	vadd.f32 v37, v36;
	v15 =	vadd.f32 v50, v47  }
0x1f7: {  	s15 =	sor.u32 s4, s15;
	v50 =	vld [tilespmem:$0x1FFC0];
	v11 =	vadd.f32 v61, v11;
	v58 =	vadd.f32 v53, v52  }
0x1f8: {  	v8 =	vadd.f32 v8, v63;
	v57 =	vadd.f32 v57, v9;
	v9 =	vld [tilespmem:s15+$0x5000]  }
0x1f9: {  	v12 =	vadd.f32 v60, v12;
	v5 =	vadd.f32 v5, v6;
	v6 =	vld [tilespmem:s29+$0x5000]  }
0x1fa: {  	v41 =	vadd.f32 v41, v57;
	v57 =	vadd.f32 v59, v56;
	v59 =	vld [tilespmem:$0x1FFA0]  }
0x1fb: {  	v5 =	vadd.f32 v5, v7;
	v16 =	vadd.f32 v54, v16;
	v56 =	vld [tilespmem:s2+$0x5000]  }
0x1fc: {  	v61 =	vld [tilespmem:s16+$0x5200];
	v3 =	vadd.f32 v3, v55;
	v4 =	vadd.f32 v57, v4  }
0x1fd: {  	v55 =	vld [tilespmem:s24+$0x5000];
	v20 =	vadd.f32 v20, v41;
	v9 =	vadd.f32 v35, v9  }
0x1fe: {  	v41 =	vld [tilespmem:s22+$0x5000];
	v3 =	vadd.f32 v4, v3;
	v4 =	vadd.f32 v17, v14  }
0x1ff: {  	v57 =	vld [tilespmem:s16+$0x5000];
	v17 =	vadd.f32 v62, v59;
	v9 =	vadd.f32 v15, v9  }
0x200: {  	v14 =	vld [tilespmem:s23+$0x5000];
	v15 =	vadd.f32 v22, v42;
	v6 =	vadd.f32 v56, v6  }
0x201: {  	v59 =	vld [tilespmem:s16+$0x5080];
	v3 =	vadd.f32 v20, v3;
	v4 =	vadd.f32 v4, v32  }
0x202: {  	v62 =	vld [tilespmem:s16+$0x5280];
	v20 =	vadd.f32 v49, v48;
	v17 =	vadd.f32 v28, v17  }
0x203: {  	v63 =	vadd.f32 v41, v40;
	v3 =	vadd.f32 v4, v3;
	v4 =	vld [tilespmem:s28+$0x5000]  }
0x204: {  	v52 =	vld [tilespmem:$0x1FFD0];
	v13 =	vadd.f32 v15, v13;
	v9 =	vadd.f32 v9, v10  }
0x205: {  	v47 =	vld [tilespmem:s8+$0x0];
	v14 =	vadd.f32 v39, v14;
	v33 =	vadd.f32 v63, v33  }
0x206: {  	v53 =	vld [tilespmem:s19+$0x0];
	v7 =	vadd.f32 v17, v16;
	v26 =	vadd.f32 v59, v57  }
0x207: {  	v54 =	vld [tilespmem:$0x1FFF0];
	v22 =	vadd.f32 v62, v61;
	v3 =	vmax.f32 v3, $1.000000000e+00;
	v14 =	vadd.f32 v20, v14  }
0x208: {  	v48 =	vld [tilespmem:s7+$0x0];
	v20 =	vmax.f32 v50, $1.000000000e+00;
	v12 =	vadd.f32 v12, v26;
	v4 =	vadd.f32 v55, v4  }
0x209: {  	v49 =	vld [tilespmem:s10+$0x0];
	v22 =	vadd.f32 v30, v22;
	(erf) = vrcp.f32 v20;
	v20 =	vmax.f32 v52, $1.000000000e+00  }
0x20a: {  	v15 =	vld [tilespmem:s15+$0x0];
	v10 =	vadd.f32 v33, v13;
	(erf) = vrcp.f32 v20;
	v4 =	vadd.f32 v6, v4  }
0x20b: {  	v13 =	vld [tilespmem:s13+$0x0];
	v12 =	vadd.f32 v22, v12;
	(erf) = vrcp.f32 v3;
	v3 =	vadd.f32 v8, v11  }
0x20c: {  	v55 =	vld [tilespmem:s25+$0x0];
	v8 =	vadd.f32 v58, v24;
	v4 =	vadd.f32 v4, v14  }
0x20d: {  	v11 =	vld [tilespmem:s22+$0x0];
	v9 =	vadd.f32 v9, v12;
	v3 =	vadd.f32 v5, v3  }
0x20e: {  	v5 =	vadd.f32 v8, v7;
	v7 =	vld [tilespmem:$0x1FFE0];
	v4 =	vadd.f32 v4, v10  }
0x20f: {  	v6 =	vld [tilespmem:s11+$0x0]  }
0x210: {  	v8 =	vld [tilespmem:s21+$0x0];
	v4 =	vadd.f32 v4, v9  }
0x211: {  	v18 =	vadd.f32 v18, v38;
	v56 =	vadd.f32 v45, v21;
	v10 =	vld [tilespmem:s20+$0x0]  }
0x212: {  	v15 =	vadd.f32 v46, v15;
	v12 =	vadd.f32 v19, v25;
	v14 =	vld [tilespmem:s17+$0x0];
	v4 =	vmax.f32 v4, $1.000000000e+00  }
0x213: {  	v58 =	vadd.f32 v48, v47;
	v9 =	vld [tilespmem:s23+$0x0];
	v7 =	vadd.f32 v54, v7;
	(erf) = vrcp.f32 v4  }
0x214: {  	v12 =	vadd.f32 v23, v12;
	v3 =	vadd.f32 v5, v3;
	v5 =	vpop (erf);
	v4 =	vld [tilespmem:s26+$0x0]  }
0x215: {  	v57 =	vld [tilespmem:s28+$0x0];
	v13 =	vadd.f32 v13, v51;
	v15 =	vadd.f32 v58, v15;
	v61 =	vpop (erf);
	v7 =	vmul.f32 v5, v7  }
0x216: {  	v59 =	vld [tilespmem:s24+$0x0];
	s28 =	simm.s32 $0x0;
	v60 =	vadd.f32 v6, v49;
	v12 =	vmul.f32 v61, v12;
	v10 =	vadd.f32 v11, v10;
	v11 =	vpop (erf)  }
0x217: {  	v5 =	vld [tilespmem:s29+$0x0];
	s29 =	sand.u32 $0x380, s28;
	v62 =	vmax.f32 v7, $0.0e+00;
	v7 =	vadd.f32 v53, v14;
	v3 =	vmul.f32 v11, v3  }
0x218: {  	v6 =	vld [tilespmem:s2+$0x0];
	s1 =	sor.u32 s5, s29;
	v14 =	vadd.f32 v56, v18;
	v11 =	vadd.f32 v13, v60;
	v12 =	vmax.f32 v12, $0.0e+00  }
0x219: {  	s0 =	simm.s32 $0xA000;
	s30 =	sand.u32 $0x380, s30;
	[tilespmem:s1+$0xA000] =	vst v62;
	v13 =	vadd.f32 v8, v9;
	v8 =	vld [tilespmem:s16+$0x80];
	v63 =	vadd.f32 v4, v55;
	v4 =	vmax.f32 v3, $0.0e+00  }
0x21a: {  	[tilespmem:s0+$0x0] =	vst v12;
	s1 =	sor.u32 s31, s30;
	v9 =	vld [tilespmem:s16+$0x100];
	s31 =	simm.s32 $0x2;
	v10 =	vadd.f32 v10, v7  }
0x21b: {  	v12 =	vadd.f32 v59, v57;
	v7 =	vld [tilespmem:s16+$0x0];
	[dreg:$0x7] =	wrdreg s31;
	v3 =	vadd.f32 v15, v14  }
0x21c: {  	s18 =	simm.s32 $0x40;
	s9 =	simm.s32 $0x100;
	v10 =	vadd.f32 v10, v11;
	[tilespmem:s1+$0xA000] =	vst v4;
	v11 =	vadd.f32 v63, v13;
	v13 =	vld [tilespmem:s16+$0x180];
	v4 =	vpop (erf)  }
.LBB2_4:
0x21d: {  	s13 =	sand.u32 $0x60, s18;
	v14 =	vld [tilespmem:s16+$0x200];
	s2 =	sadd.s32 $0x100, s9  }
0x21e: {  	v15 =	vld [tilespmem:s16+$0x280];
	s17 =	sand.u32 $0x1C00, s2;
	s8 =	sor.u32 $0x10, s13  }
0x21f: {  	v16 =	vld [tilespmem:s3+$0x0];
	s5 =	sor.u32 s17, s8  }
0x220: {  	v23 =	vld [tilespmem:s5+$0x5000]  }
0x221: {  	v24 =	vld [tilespmem:s5+$0x5080]  }
0x222: {  	v25 =	vld [tilespmem:s5+$0x5100]  }
0x223: {  	v26 =	vld [tilespmem:s5+$0x5180]  }
0x224: {  	v27 =	vld [tilespmem:s5+$0x5200]  }
0x225: {  	v28 =	vld [tilespmem:s5+$0x5280]  }
0x226: {  	v5 =	vadd.f32 v6, v5;
	v6 =	vld [tilespmem:s5+$0x0]  }
0x227: {  	s26 =	sadd.s32 $0x1400, s17;
	s30 =	sadd.s32 $0x1500, s17;
	v17 =	vadd.f32 v8, v7;
	v8 =	vld [tilespmem:s5+$0x80]  }
0x228: {  	s7 =	sadd.s32 $0x1600, s17;
	s10 =	sadd.s32 $0x1680, s17;
	s23 =	sor.u32 s8, s30;
	v7 =	vld [tilespmem:s5+$0x180]  }
0x229: {  	s28 =	sor.u32 s13, s26;
	s19 =	sor.u32 s8, s26;
	s26 =	sor.u32 s8, s7;
	v9 =	vadd.f32 v13, v9;
	v13 =	vld [tilespmem:s23+$0x0]  }
0x22a: {  	s12 =	sadd.s32 $0x1700, s17;
	s21 =	sor.u32 s8, s10;
	v51 =	vld [tilespmem:s26+$0x0]  }
0x22b: {  	s24 =	sor.u32 s8, s12;
	v52 =	vld [tilespmem:s21+$0x0]  }
0x22c: {  	s4 =	sadd.s32 $0x1480, s17;
	v18 =	vld [tilespmem:s24+$0x0]  }
0x22d: {  	s20 =	sor.u32 s8, s4;
	v29 =	vld [tilespmem:s19+$0x5000]  }
0x22e: {  	s3 =	sadd.s32 $0x1580, s17;
	v30 =	vld [tilespmem:s20+$0x5000]  }
0x22f: {  	s25 =	sor.u32 s8, s3;
	v31 =	vld [tilespmem:s23+$0x5000]  }
0x230: {  	v32 =	vld [tilespmem:s25+$0x5000]  }
0x231: {  	s1 =	sor.u32 s2, s18;
	v33 =	vld [tilespmem:s26+$0x5000]  }
0x232: {  	s15 =	sadd.s32 $0x1780, s17;
	s29 =	sor.u32 s13, s4;
	s31 =	sor.u32 s13, s30;
	v34 =	vld [tilespmem:s21+$0x5000]  }
0x233: {  	s14 =	sor.u32 s13, s12;
	s4 =	sor.u32 s8, s15;
	s30 =	sadd.s32 $0x2880, s17;
	v35 =	vld [tilespmem:s24+$0x5000]  }
0x234: {  	s1 =	sor.u32 $0x380, s1;
	[dreg:$0xf] =	wrdreg s14;
	s14 =	sor.u32 s8, s30;
	v36 =	vld [tilespmem:s4+$0x5000]  }
0x235: {  	s9 =	sor.u32 s13, s7;
	s12 =	sadd.s32 $0x2A00, s17;
	s7 =	sadd.s32 $0x2B80, s17;
	v20 =	vld [tilespmem:s14+$0x0]  }
0x236: {  	[dreg:$0xb] =	wrdreg s31;
	s31 =	sor.u32 s13, s30;
	s30 =	sor.u32 s8, s12;
	v38 =	vld [tilespmem:s14+$0x5000]  }
0x237: {  	[dreg:$0x8] =	wrdreg s1;
	s21 =	sor.u32 s8, s7;
	v41 =	vld [tilespmem:s30+$0x5000]  }
0x238: {  	s6 =	sor.u32 s13, s3;
	s11 =	sor.u32 s13, s10;
	[dreg:$0x9] =	wrdreg s28;
	v44 =	vld [tilespmem:s21+$0x5000]  }
0x239: {  	s22 =	sor.u32 s13, s15;
	[dreg:$0xa] =	wrdreg s29;
	s28 =	sadd.s32 $0x2800, s17;
	v45 =	vld [tilespmem:s21+$0x0];
	v5 =	vadd.f32 v5, v12  }
0x23a: {  	s10 =	sadd.s32 $0x2900, s17;
	[dreg:$0xc] =	wrdreg s6;
	s1 =	sor.u32 s8, s28;
	v12 =	vadd.f32 v15, v14;
	v14 =	vadd.f32 v9, v17;
	v9 =	vld [tilespmem:s5+$0x200]  }
0x23b: {  	[dreg:$0xe] =	wrdreg s11;
	s29 =	sor.u32 s13, s28;
	s28 =	sor.u32 s8, s10;
	v19 =	vld [tilespmem:s1+$0x0]  }
0x23c: {  	[dreg:$0x10] =	wrdreg s22;
	v21 =	vld [tilespmem:s28+$0x0]  }
0x23d: {  	s6 =	sor.u32 s13, s10;
	s22 =	sadd.s32 $0x2A80, s17;
	[dreg:$0x12] =	wrdreg s31;
	v37 =	vld [tilespmem:s1+$0x5000]  }
0x23e: {  	s11 =	sadd.s32 $0x2980, s17;
	[dreg:$0x13] =	wrdreg s6;
	s15 =	sor.u32 s8, s22;
	v39 =	vld [tilespmem:s28+$0x5000]  }
0x23f: {  	s10 =	sor.u32 s13, s11;
	[dreg:$0x11] =	wrdreg s29;
	s29 =	sor.u32 s8, s11;
	v42 =	vld [tilespmem:s15+$0x5000]  }
0x240: {  	s31 =	sadd.s32 $0x2B00, s17;
	s6 =	sadd.s32 $0x3E00, s17;
	s11 =	sor.u32 s13, s12;
	v22 =	vld [tilespmem:s29+$0x0]  }
0x241: {  	s12 =	sor.u32 s13, s22;
	s22 =	sor.u32 s13, s31;
	s31 =	sor.u32 s8, s31;
	v40 =	vld [tilespmem:s29+$0x5000]  }
0x242: {  	s1 =	sor.u32 s8, s6;
	v43 =	vld [tilespmem:s31+$0x5000]  }
0x243: {  	v2 =	vadd.f32 v16, v2;
	v53 =	vld [tilespmem:s1+$0x5000]  }
0x244: {  	[dreg:$0xd] =	wrdreg s9;
	s9 =	sadd.s32 $0x3C00, s17;
	v11 =	vadd.f32 v5, v11;
	v5 =	vld [tilespmem:s5+$0x100]  }
0x245: {  	s24 =	sor.u32 s8, s9;
	v2 =	vadd.f32 v2, v12;
	v12 =	vld [tilespmem:s20+$0x0]  }
0x246: {  	v6 =	vadd.f32 v8, v6;
	v8 =	vld [tilespmem:s24+$0x5000]  }
0x247: {  	v55 =	vadd.f32 v24, v23;
	v15 =	vadd.f32 v11, v10;
	v11 =	vld [tilespmem:s5+$0x280]  }
0x248: {  	v56 =	vadd.f32 v26, v25;
	v10 =	vld [tilespmem:s19+$0x0];
	v2 =	vadd.f32 v2, v14  }
0x249: {  	v14 =	vld [tilespmem:s25+$0x0];
	v16 =	vadd.f32 v20, v19  }
0x24a: {  	v20 =	vadd.f32 v56, v55;
	v55 =	vld [tilespmem:s1+$0x0];
	v2 =	vadd.f32 v3, v2  }
0x24b: {  	v3 =	vld [tilespmem:s15+$0x0];
	s15 =	sadd.s32 $0x3C80, s17  }
0x24c: {  	s29 =	sor.u32 s8, s15;
	v2 =	vadd.f32 v15, v2;
	v15 =	vld [tilespmem:s4+$0x0]  }
0x24d: {  	s0 =	sadd.s32 $0x20, s0;
	v47 =	vld [tilespmem:s29+$0x0]  }
0x24e: {  	[dreg:$0x6] =	wrdreg s0;
	s16 =	sor.u32 s13, s17;
	s25 =	sadd.s32 $0x3D80, s17;
	v7 =	vadd.f32 v7, v5;
	v5 =	vadd.f32 v11, v9;
	v9 =	vld [tilespmem:s29+$0x5000];
	v2 =	vmul.f32 v4, v2  }
0x24f: {  	s23 =	sor.u32 s13, s7;
	v58 =	vadd.f32 v28, v27;
	s4 =	sor.u32 s8, s25;
	v4 =	vld [tilespmem:s31+$0x0];
	s31 =	rddreg [dreg:$0x7]  }
0x250: {  	s7 =	sadd.s32 $0x3E80, s17;
	s14 =	rddreg [dreg:$0x5];
	v11 =	vadd.f32 v14, v13;
	v13 =	vadd.f32 v52, v51;
	v52 =	vld [tilespmem:s4+$0x0];
	s3 =	sadd.s32 $0x2, s31;
	v2 =	vmax.f32 v2, $0.0e+00  }
0x251: {  	s26 =	sadd.s32 $0x3F80, s17;
	s20 =	sadd.s32 $0x3D00, s17;
	v59 =	vadd.f32 v30, v29;
	v61 =	vadd.f32 v32, v31;
	[dreg:$0x7] =	wrdreg s3;
	[tilespmem:s0+$0x0] =	vst v2;
	v2 =	vld [tilespmem:s30+$0x0]  }
0x252: {  	v62 =	vadd.f32 v34, v33;
	p0 =	slt.u32 s3, $0x26;
	s3 =	sor.u32 s8, s26;
	s0 =	sadd.s32 $0x1, s14;
	v14 =	vadd.f32 v15, v18;
	v15 =	vld [tilespmem:s4+$0x5000]  }
0x253: {  	v36 =	vadd.f32 v36, v35;
	s5 =	sor.u32 s13, s9;
	s9 =	smov.u32 s2;
	v37 =	vadd.f32 v38, v37;
	v60 =	vld [tilespmem:s3+$0x5000];
	s19 =	sand.u32 $0x3, s0  }
0x254: {  	v42 =	vadd.f32 v42, v41;
	v50 =	vadd.f32 v61, v59;
	s30 =	sor.u32 s8, s20;
	s14 =	sor.u32 s8, s7;
	v59 =	vld [tilespmem:s3+$0x0];
	s28 =	sshll.u32 s19, $0x5  }
0x255: {  	v46 =	vadd.f32 v44, v43;
	v10 =	vadd.f32 v12, v10;
	[dreg:$0x5] =	wrdreg s0;
	v12 =	vld [tilespmem:s30+$0x5000];
	s0 =	sadd.s32 $0x3F00, s17;
	s17 =	sadd.s32 s28, s2  }
0x256: {  	v17 =	vadd.f32 v22, v21;
	v51 =	vadd.f32 v36, v62;
	v54 =	vld [tilespmem:s14+$0x5000];
	s2 =	sor.u32 s8, s0;
	s19 =	sor.u32 $0x300, s17;
	s17 =	sadd.s32 $0x10, s17  }
0x257: {  	v40 =	vadd.f32 v40, v39;
	v56 =	vadd.f32 v46, v42;
	s31 =	sor.u32 s13, s15;
	s15 =	sor.u32 s13, s20;
	v57 =	vld [tilespmem:s2+$0x5000];
	s20 =	sor.u32 $0x300, s17  }
0x258: {  	v6 =	vadd.f32 v7, v6;
	v22 =	vadd.f32 v51, v50;
	s28 =	sor.u32 s13, s25;
	s25 =	sor.u32 $0x380, s17;
	v63 =	vld [tilespmem:s20+$0x5000]  }
0x259: {  	v10 =	vadd.f32 v11, v10;
	v11 =	vadd.f32 v14, v13;
	v38 =	vld [tilespmem:s25+$0x5000]  }
0x25a: {  	v8 =	vadd.f32 v9, v8;
	v9 =	vld [tilespmem:s24+$0x0];
	v14 =	vadd.f32 v17, v16  }
0x25b: {  	v49 =	vld [tilespmem:s30+$0x0];
	v10 =	vadd.f32 v11, v10;
	v2 =	vadd.f32 v3, v2  }
0x25c: {  	s17 =	sor.u32 s13, s7;
	v3 =	vadd.f32 v45, v4;
	s7 =	rddreg [dreg:$0xb];
	v12 =	vadd.f32 v15, v12;
	v4 =	vld [tilespmem:s25+$0x0]  }
0x25d: {  	v15 =	vadd.f32 v54, v53;
	v7 =	vld [tilespmem:s7+$0x5000];
	s25 =	rddreg [dreg:$0x10];
	v48 =	vadd.f32 v60, v57  }
0x25e: {  	v54 =	vadd.f32 v40, v37;
	v11 =	vld [tilespmem:s25+$0x5000];
	v53 =	vadd.f32 v38, v63  }
0x25f: {  	v8 =	vadd.f32 v12, v8;
	v12 =	vld [tilespmem:s14+$0x0];
	v15 =	vadd.f32 v48, v15  }
0x260: {  	v9 =	vadd.f32 v47, v9;
	v57 =	vld [tilespmem:s2+$0x0];
	v23 =	vadd.f32 v53, v58  }
0x261: {  	v61 =	vadd.f32 v52, v49;
	s14 =	rddreg [dreg:$0xc];
	v8 =	vadd.f32 v15, v8;
	v15 =	vld [tilespmem:s20+$0x0]  }
0x262: {  	s21 =	rddreg [dreg:$0xe];
	v13 =	vld [tilespmem:s14+$0x5000];
	v58 =	vadd.f32 v56, v54;
	v20 =	vadd.f32 v23, v20  }
0x263: {  	v2 =	vadd.f32 v3, v2;
	v3 =	vadd.f32 v61, v9;
	v9 =	vld [tilespmem:s21+$0x5000]  }
0x264: {  	v60 =	vld [tilespmem:s19+$0x5000];
	s2 =	rddreg [dreg:$0x9];
	v8 =	vadd.f32 v8, v58;
	v20 =	vadd.f32 v22, v20  }
0x265: {  	s4 =	rddreg [dreg:$0xa];
	v62 =	vld [tilespmem:s2+$0x5000];
	v12 =	vadd.f32 v12, v55;
	v19 =	vadd.f32 v59, v57  }
0x266: {  	s6 =	sor.u32 s13, s6;
	v63 =	vld [tilespmem:s4+$0x5000];
	v4 =	vadd.f32 v4, v15;
	v8 =	vadd.f32 v8, v20  }
0x267: {  	s29 =	rddreg [dreg:$0x12];
	v2 =	vadd.f32 v2, v14;
	v14 =	vld [tilespmem:s6+$0x0];
	v7 =	vadd.f32 v13, v7  }
0x268: {  	s24 =	rddreg [dreg:$0xf];
	v13 =	vld [tilespmem:s29+$0x5000];
	v4 =	vadd.f32 v4, v5;
	v5 =	vadd.f32 v19, v12;
	v8 =	vmax.f32 v8, $1.000000000e+00  }
0x269: {  	s20 =	rddreg [dreg:$0xd];
	v12 =	vld [tilespmem:s24+$0x5000];
	(erf) = vrcp.f32 v8  }
0x26a: {  	s0 =	sor.u32 s13, s0;
	s13 =	sor.u32 s13, s26;
	s26 =	rddreg [dreg:$0x11];
	v8 =	vld [tilespmem:s20+$0x5000];
	v4 =	vadd.f32 v4, v6;
	v3 =	vadd.f32 v5, v3  }
0x26b: {  	s30 =	rddreg [dreg:$0x13];
	v5 =	vld [tilespmem:s26+$0x5000];
	v6 =	vadd.f32 v63, v62  }
0x26c: {  	v4 =	vadd.f32 v10, v4;
	v2 =	vadd.f32 v3, v2;
	v3 =	vld [tilespmem:s30+$0x5000]  }
0x26d: {  	v6 =	vadd.f32 v7, v6;
	v7 =	vld [tilespmem:s10+$0x5000]  }
0x26e: {  	v2 =	vadd.f32 v2, v4;
	v4 =	vld [tilespmem:s11+$0x5000]  }
0x26f: {  	v8 =	vadd.f32 v9, v8;
	v9 =	vadd.f32 v11, v12;
	v11 =	vld [tilespmem:s12+$0x5000]  }
0x270: {  	v12 =	vld [tilespmem:s5+$0x5000]  }
0x271: {  	v5 =	vadd.f32 v13, v5;
	v13 =	vld [tilespmem:s16+$0x5200]  }
0x272: {  	v8 =	vadd.f32 v9, v8;
	v9 =	vld [tilespmem:s23+$0x5000];
	v10 =	vpop (erf)  }
0x273: {  	v3 =	vadd.f32 v7, v3;
	v2 =	vmul.f32 v10, v2;
	v10 =	vld [tilespmem:s22+$0x5000]  }
0x274: {  	v7 =	vld [tilespmem:s15+$0x5000]  }
0x275: {  	s1 =	sand.u32 $0x380, s18;
	v3 =	vadd.f32 v3, v5;
	v5 =	vld [tilespmem:s28+$0x5000]  }
0x276: {  	s1 =	sor.u32 s8, s1;
	v6 =	vadd.f32 v8, v6;
	v8 =	vld [tilespmem:s6+$0x5000];
	v2 =	vmax.f32 v2, $0.0e+00  }
0x277: {  	[tilespmem:s1+$0xA000] =	vst v2;
	v2 =	vld [tilespmem:s31+$0x5000]  }
0x278: {  	v4 =	vadd.f32 v11, v4;
	v11 =	vld [tilespmem:s0+$0x5000];
	v9 =	vadd.f32 v9, v10  }
0x279: {  	v10 =	vld [tilespmem:s17+$0x5000]  }
0x27a: {  	v4 =	vadd.f32 v9, v4;
	v9 =	vld [tilespmem:s13+$0x5000]  }
0x27b: {  	v5 =	vadd.f32 v5, v7;
	v7 =	vld [tilespmem:s16+$0x5100]  }
0x27c: {  	v2 =	vadd.f32 v2, v12;
	v12 =	vld [tilespmem:s16+$0x5000]  }
0x27d: {  	v3 =	vadd.f32 v4, v3;
	v4 =	vld [tilespmem:s16+$0x5080]  }
0x27e: {  	v8 =	vadd.f32 v10, v8;
	v10 =	vld [tilespmem:s16+$0x5180]  }
0x27f: {  	s3 =	rddreg [dreg:$0x8];
	v5 =	vadd.f32 v5, v2;
	v2 =	vadd.f32 v9, v11;
	v9 =	vld [tilespmem:s16+$0x5280]  }
0x280: {  	v11 =	vld [tilespmem:s3+$0x5000]  }
0x281: {  	v8 =	vadd.f32 v2, v8;
	v2 =	vld [tilespmem:s19+$0x0]  }
0x282: {  	v4 =	vadd.f32 v4, v12;
	v12 =	vld [tilespmem:s2+$0x0]  }
0x283: {  	v7 =	vadd.f32 v10, v7;
	v10 =	vld [tilespmem:s7+$0x0]  }
0x284: {  	v5 =	vadd.f32 v8, v5;
	v8 =	vld [tilespmem:s4+$0x0]  }
0x285: {  	v4 =	vadd.f32 v7, v4;
	v7 =	vld [tilespmem:s14+$0x0]  }
0x286: {  	v9 =	vadd.f32 v9, v13;
	v11 =	vadd.f32 v11, v60;
	v13 =	vld [tilespmem:s21+$0x0]  }
0x287: {  	v3 =	vadd.f32 v5, v3;
	v5 =	vld [tilespmem:s20+$0x0]  }
0x288: {  	v9 =	vadd.f32 v11, v9;
	v11 =	vld [tilespmem:s24+$0x0]  }
0x289: {  	v8 =	vadd.f32 v8, v12;
	v12 =	vld [tilespmem:s25+$0x0]  }
0x28a: {  	v4 =	vadd.f32 v9, v4;
	v9 =	vld [tilespmem:s26+$0x0]  }
0x28b: {  	v7 =	vadd.f32 v7, v10;
	v10 =	vld [tilespmem:s29+$0x0]  }
0x28c: {  	v4 =	vadd.f32 v6, v4;
	v6 =	vld [tilespmem:s30+$0x0]  }
0x28d: {  	v5 =	vadd.f32 v13, v5;
	v13 =	vld [tilespmem:s22+$0x0]  }
0x28e: {  	v7 =	vadd.f32 v7, v8;
	v8 =	vld [tilespmem:s10+$0x0]  }
0x28f: {  	v3 =	vadd.f32 v3, v4;
	v4 =	vld [tilespmem:s11+$0x0]  }
0x290: {  	v11 =	vadd.f32 v12, v11;
	v12 =	vld [tilespmem:s12+$0x0]  }
0x291: {  	v9 =	vadd.f32 v10, v9;
	v10 =	vld [tilespmem:s23+$0x0]  }
0x292: {  	v3 =	vmax.f32 v3, $1.000000000e+00;
	v5 =	vadd.f32 v11, v5;
	v11 =	vld [tilespmem:s5+$0x0]  }
0x293: {  	(erf) = vrcp.f32 v3;
	v6 =	vadd.f32 v8, v6;
	v8 =	vld [tilespmem:s15+$0x0]  }
0x294: {  	v3 =	vadd.f32 v5, v7;
	v7 =	vld [tilespmem:s31+$0x0]  }
0x295: {  	v4 =	vadd.f32 v12, v4;
	v12 =	vld [tilespmem:s28+$0x0]  }
0x296: {  	v5 =	vld [tilespmem:s0+$0x0];
	v9 =	vadd.f32 v6, v9;
	v6 =	vadd.f32 v10, v13  }
0x297: {  	v13 =	vld [tilespmem:s17+$0x0]  }
.Ltmp1:
0x298: {  	v10 =	vadd.f32 v6, v4;
	v6 =	vld [tilespmem:s13+$0x0];
	(pc) =	sbr.rel @p0 .LBB2_4-.Ltmp1, $4  }
0x299: {  	v11 =	vadd.f32 v7, v11;
	v7 =	vld [tilespmem:s16+$0x0]  }
0x29a: {  	v15 =	vadd.f32 v12, v8;
	v8 =	vld [tilespmem:s16+$0x80]  }
0x29b: {  	v10 =	vadd.f32 v10, v9;
	v9 =	vld [tilespmem:s16+$0x100]  }
0x29c: {  	s18 =	sadd.s32 $0x20, s18;
	s0 =	rddreg [dreg:$0x6];
	v4 =	vpop (erf);
	v12 =	vadd.f32 v13, v14;
	v13 =	vld [tilespmem:s16+$0x180];
	v11 =	vadd.f32 v15, v11  }
0x29d: {  	v14 =	vld [tilespmem:s16+$0x200]  }
0x29e: {  	v15 =	vld [tilespmem:s16+$0x280]  }
0x29f: {  	v16 =	vld [tilespmem:s3+$0x0];
	_ =	sdelay $0x2  }
0x2a0: {  	v5 =	vadd.f32 v6, v5  }
0x2a1: {  	v6 =	vadd.f32 v8, v7;
	v7 =	vadd.f32 v13, v9  }
0x2a2: {  	v8 =	vadd.f32 v15, v14;
	v2 =	vadd.f32 v16, v2  }
0x2a3: {  	v5 =	vadd.f32 v5, v12  }
0x2a4: {  	v6 =	vadd.f32 v7, v6;
	v2 =	vadd.f32 v2, v8;
	_ =	sdelay $0x1  }
0x2a5: {  	v5 =	vadd.f32 v5, v11;
	v2 =	vadd.f32 v2, v6;
	_ =	sdelay $0x1  }
0x2a6: {  	v5 =	vadd.f32 v5, v10;
	v2 =	vadd.f32 v3, v2;
	_ =	sdelay $0x1  }
0x2a7: {  	v2 =	vadd.f32 v5, v2;
	_ =	sdelay $0x1  }
0x2a8: {  	v2 =	vmul.f32 v4, v2;
	_ =	sdelay $0x1  }
0x2a9: {  	s0 =	sadd.s32 $0x20, s0;
	v2 =	vmax.f32 v2, $0.0e+00  }
0x2aa: {  	[tilespmem:s0+$0x0] =	vst v2  }
0x2ab: {  	s1 =	simm.s32 $0xA000;
	s8 =	simm.s32 $0x4;
	s0 =	rddreg [dreg:$0x18]  }
0x2ac: {  	[spmem:s0] =	stream.linear.scatter [tilespmem:s1], [sflag:$0x4], $0x280, $0x38;
	[tilespmem:$0x14500] =	vst v63  }
0x2ad: {  	_ =	swait.ge [sflag:s8], $0x280  }
0x2ae: {  	[sflag:s8] =	ssyncset.done $0x0  }
0x2af: {  	[sflag:s8] =	ssyncadd.s32 $0xFFFFFD80  }
0x2b0: {  	[bflag:$0x0] =	sbarrier.arrive $0xFFFF  }
0x2b1: {  	s9 =	simm.s32 $0xA280;
	s24 =	rddreg [dreg:$0x3]  }
0x2b2: {  	[tilespmem:s9], [sflag:$0x4] =	stream.linear.gather [spmem:s24], $0x2800, $0x38;
	[tilespmem:$0x14500] =	vst v63  }
0x2b3: {  	_ =	swait.ge [sflag:s8], $0x2800  }
0x2b4: {  	[sflag:s8] =	ssyncset.done $0x0  }
0x2b5: {  	[sflag:s8] =	ssyncadd.s32 $0xFFFFD800  }
0x2b6: {  	v2 =	vld [tilespmem:$0x14180]  }
0x2b7: {  	v3 =	vld [tilespmem:$0x14200];
	_ =	sdelay $0x3  }
0x2b8: {  	v4 =	vmul.f32 v2, v2  }
0x2b9: {  	v2 =	vmul.f32 v3, v2  }
0x2ba: {  	v3 =	vmul.f32 v3, v3;
	(xrf2) =	vadd.scan.msk.f32 $0xffff, v4  }
0x2bb: {  	(xrf2) =	vadd.scan.msk.f32 $0xffff, v2  }
0x2bc: {  	(xrf2) =	vadd.scan.msk.f32 $0xffff, v3;
	_ =	sdelay $0x7  }
0x2bd: {  	v2, _, _ =	vpop (xrf2)  }
0x2be: {  	v4, _, _ =	vpop (xrf2)  }
0x2bf: {  	s25 =	simm.s32 $0x3;
	v6, _, _ =	vpop (xrf2)  }
0x2c0: {  	_ =	swait.ge [sflag:s25], $0x2710  }
0x2c1: {  	[sflag:s25] =	ssyncset.done $0x0  }
0x2c2: {  	[sflag:s25] =	ssyncadd.s32 $0xFFFFD8F0  }
0x2c3: {  	_ =	swait.ge [sflag:s25], $0x2710  }
0x2c4: {  	[sflag:s25] =	ssyncset.done $0x0  }
0x2c5: {  	s26 =	simm.s32 $0xCAA0;
	[sflag:s25] =	ssyncadd.s32 $0xFFFFD8F0  }
0x2c6: {  	s28 =	simm.s32 $0xF220;
	v3 =	vld [tilespmem:s26+$0x10]  }
0x2c7: {  	v16 =	vld [tilespmem:s28+$0x10]  }
0x2c8: {  	v15 =	vld [tilespmem:s28+$0xFFFFFFE0]  }
0x2c9: {  	v7 =	vld [tilespmem:s26+$0xFFFFFFF0]  }
0x2ca: {  	v14 =	vld [tilespmem:s28+$0xFFFFFFF0]  }
0x2cb: {  	v9 =	vld [tilespmem:s26+$0xFFFFFFE0]  }
0x2cc: {  	v8 =	vld [tilespmem:s26+$0x0]  }
0x2cd: {  	v5 =	vld [tilespmem:s28+$0x0]  }
0x2ce: {  	v10 =	vld.idx.msk [tilespmem:v3+s9+$0x0], $0xffff  }
0x2cf: {  	v11 =	vld.idx.msk [tilespmem:v16+s9+$0x0], $0xffff;
	_ =	sdelay $0x1  }
0x2d0: {  	v12 =	vld.idx.msk [tilespmem:v15+s9+$0x0], $0xffff  }
0x2d1: {  	v7 =	vld.idx.msk [tilespmem:v7+s9+$0x0], $0xffff  }
0x2d2: {  	v4 =	vbroadcast v4, $0xF;
	v9 =	vld.idx.msk [tilespmem:v9+s9+$0x0], $0xffff  }
0x2d3: {  	v3 =	vbroadcast v2, $0xF;
	v13 =	vld.idx.msk [tilespmem:v14+s9+$0x0], $0xffff;
	v2 =	vmul.f32 v11, v10;
	v10 =	vadd.f32 v11, v10  }
0x2d4: {  	v8 =	vld.idx.msk [tilespmem:v8+s9+$0x0], $0xffff  }
0x2d5: {  	v11 =	vld.idx.msk [tilespmem:v5+s9+$0x0], $0xffff;
	v17 =	vmul.f32 v2, v3;
	v10 =	vmul.f32 v10, v4;
	_ =	sdelay $0x1  }
0x2d6: {  	s30 =	simm.s32 $0xF260;
	v19 =	vmul.f32 v12, v9;
	v2 =	vbroadcast v6, $0xF;
	v10 =	vadd.f32 v10, v17  }
0x2d7: {  	s29 =	simm.s32 $0xCAE0;
	v9 =	vadd.f32 v12, v9;
	v6 =	vld [tilespmem:s30+$0x10];
	v17 =	vmul.f32 v13, v7  }
0x2d8: {  	v18 =	vld [tilespmem:s29+$0x10];
	v19 =	vmul.f32 v19, v3;
	v13 =	vadd.f32 v13, v7;
	v10 =	vadd.f32 v10, v2  }
0x2d9: {  	v20 =	vld [tilespmem:s29+$0xFFFFFFF0];
	v12 =	vmul.f32 v17, v3;
	v17 =	vmul.f32 v11, v8;
	v11 =	vadd.f32 v11, v8  }
0x2da: {  	v9 =	vmul.f32 v9, v4;
	v7 =	vld [tilespmem:s30+$0xFFFFFFE0];
	v13 =	vmul.f32 v13, v4;
	v10 =	vsub.f32 $0.0e+00, v10  }
0x2db: {  	v8 =	vld [tilespmem:s30+$0xFFFFFFF0];
	v17 =	vmul.f32 v17, v3;
	v11 =	vmul.f32 v11, v4  }
0x2dc: {  	v19 =	vadd.f32 v9, v19;
	v12 =	vadd.f32 v13, v12;
	v13 =	vld [tilespmem:s29+$0xFFFFFFE0];
	v10 =	vmul.f32 $1.442695020e+00, v10  }
0x2dd: {  	v21 =	vld [tilespmem:s29+$0x0];
	v11 =	vadd.f32 v11, v17  }
0x2de: {  	v9 =	vld [tilespmem:s30+$0x0];
	v19 =	vadd.f32 v19, v2;
	(erf) = vpow2.f32 v10  }
0x2df: {  	v12 =	vadd.f32 v12, v2;
	v17 =	vld.idx.msk [tilespmem:v6+s9+$0x0], $0xffff;
	v11 =	vadd.f32 v11, v2  }
0x2e0: {  	v10 =	vld.idx.msk [tilespmem:v18+s9+$0x0], $0xffff;
	v18 =	vsub.f32 $0.0e+00, v19  }
0x2e1: {  	v20 =	vld.idx.msk [tilespmem:v20+s9+$0x0], $0xffff;
	v12 =	vsub.f32 $0.0e+00, v12;
	v11 =	vsub.f32 $0.0e+00, v11  }
0x2e2: {  	v19 =	vld.idx.msk [tilespmem:v7+s9+$0x0], $0xffff;
	v18 =	vmul.f32 $1.442695020e+00, v18  }
0x2e3: {  	v12 =	vmul.f32 $1.442695020e+00, v12;
	v22 =	vld.idx.msk [tilespmem:v8+s9+$0x0], $0xffff;
	v11 =	vmul.f32 $1.442695020e+00, v11  }
0x2e4: {  	(erf) = vpow2.f32 v18;
	v13 =	vld.idx.msk [tilespmem:v13+s9+$0x0], $0xffff  }
0x2e5: {  	v18 =	vld.idx.msk [tilespmem:v21+s9+$0x0], $0xffff;
	(erf) = vpow2.f32 v12;
	v12 =	vmul.f32 v17, v10;
	v10 =	vadd.f32 v17, v10  }
0x2e6: {  	v17 =	vld.idx.msk [tilespmem:v9+s9+$0x0], $0xffff;
	(erf) = vpow2.f32 v11  }
0x2e7: {  	v12 =	vmul.f32 v12, v3;
	v10 =	vmul.f32 v10, v4;
	v11 =	vpop (erf)  }
0x2e8: {  	v21 =	vmul.f32 v22, v20;
	v11 =	vadd.f32 $1.000000000e+00, v11  }
0x2e9: {  	v12 =	vadd.f32 v10, v12;
	v24 =	vmul.f32 v19, v13;
	v13 =	vadd.f32 v19, v13  }
0x2ea: {  	s31 =	simm.s32 $0xCB20;
	v19 =	vadd.f32 v22, v20;
	v20 =	vmul.f32 v21, v3;
	(erf) = vrcp.f32 v11  }
0x2eb: {  	v23 =	vld [tilespmem:s31+$0x10];
	v21 =	vmul.f32 v17, v18;
	v17 =	vadd.f32 v17, v18;
	v12 =	vadd.f32 v12, v2  }
0x2ec: {  	s0 =	simm.s32 $0xF2A0;
	v25 =	vld [tilespmem:s31+$0xFFFFFFF0];
	v24 =	vmul.f32 v24, v3;
	v13 =	vmul.f32 v13, v4  }
0x2ed: {  	v10 =	vld [tilespmem:s0+$0x10];
	v21 =	vmul.f32 v21, v3;
	v17 =	vmul.f32 v17, v4;
	v22 =	vpop (erf);
	v26 =	vsub.f32 $0.0e+00, v12  }
0x2ee: {  	v19 =	vmul.f32 v19, v4;
	v12 =	vld [tilespmem:s0+$0xFFFFFFF0];
	v18 =	vadd.f32 $1.000000000e+00, v22  }
0x2ef: {  	v27 =	vld [tilespmem:s31+$0x0];
	v24 =	vadd.f32 v13, v24;
	v22 =	vpop (erf);
	v17 =	vadd.f32 v17, v21;
	v26 =	vmul.f32 $1.442695020e+00, v26  }
0x2f0: {  	v11 =	vld [tilespmem:s0+$0xFFFFFFE0];
	v28 =	vpop (erf);
	v22 =	vadd.f32 $1.000000000e+00, v22;
	(erf) = vrcp.f32 v18;
	v18 =	vadd.f32 v19, v20  }
0x2f1: {  	v13 =	vld [tilespmem:s0+$0x0];
	v24 =	vadd.f32 v24, v2;
	v19 =	vadd.f32 $1.000000000e+00, v28;
	(erf) = vpow2.f32 v26  }
0x2f2: {  	v20 =	vld [tilespmem:s31+$0xFFFFFFE0];
	(erf) = vrcp.f32 v22;
	v18 =	vadd.f32 v18, v2  }
0x2f3: {  	v21 =	vld.idx.msk [tilespmem:v23+s9+$0x0], $0xffff;
	v17 =	vadd.f32 v17, v2;
	v23 =	vpop (erf);
	(erf) = vrcp.f32 v19;
	v19 =	vsub.f32 $0.0e+00, v24  }
0x2f4: {  	v61 =	vld.idx.msk [tilespmem:v25+s9+$0x0], $0xffff;
	v18 =	vsub.f32 $0.0e+00, v18  }
0x2f5: {  	v22 =	vld.idx.msk [tilespmem:v10+s9+$0x0], $0xffff;
	v17 =	vsub.f32 $0.0e+00, v17;
	v19 =	vmul.f32 $1.442695020e+00, v19  }
0x2f6: {  	s10 =	simm.s32 $0x11980;
	v62 =	vld.idx.msk [tilespmem:v12+s9+$0x0], $0xffff;
	v18 =	vmul.f32 $1.442695020e+00, v18  }
0x2f7: {  	[tilespmem:v16+s10+$0x0] =	vst.idx.add.f32.msk $0xffff, v23;
	v23 =	vmul.f32 $1.442695020e+00, v17;
	(erf) = vpow2.f32 v19  }
0x2f8: {  	v16 =	vld.idx.msk [tilespmem:v11+s9+$0x0], $0xffff;
	(erf) = vpow2.f32 v18  }
0x2f9: {  	v17 =	vld.idx.msk [tilespmem:v27+s9+$0x0], $0xffff;
	(erf) = vpow2.f32 v23  }
0x2fa: {  	v19 =	vld.idx.msk [tilespmem:v20+s9+$0x0], $0xffff;
	v20 =	vmul.f32 v22, v21;
	v22 =	vadd.f32 v22, v21;
	v21 =	vpop (erf)  }
0x2fb: {  	v18 =	vld.idx.msk [tilespmem:v13+s9+$0x0], $0xffff;
	v26 =	vpop (erf)  }
0x2fc: {  	[tilespmem:v15+s10+$0x0] =	vst.idx.add.f32.msk $0xffff, v21;
	v21 =	vmul.f32 v20, v3;
	v23 =	vmul.f32 v22, v4;
	v63 =	vpop (erf);
	v20 =	vadd.f32 $1.000000000e+00, v26  }
0x2fd: {  	s2 =	simm.s32 $0xCB60;
	s1 =	simm.s32 $0x8;
	v15 =	vadd.f32 v62, v61;
	v22 =	vmul.f32 v62, v61;
	[tilespmem:v14+s10+$0x0] =	vst.idx.add.f32.msk $0xffff, v63;
	v14 =	vpop (erf)  }
.LBB2_6:
0x2fe: {  	v24 =	vld [tilespmem:s2+$0x10];
	v23 =	vadd.f32 v23, v21;
	s0 =	sadd.s32 $0x40, s0;
	(erf) = vrcp.f32 v20;
	v25 =	vmovc v12;
	v26 =	vmovc v5;
	v5 =	vmov v9  }
0x2ff: {  	v12 =	vmul.f32 v16, v19;
	v16 =	vadd.f32 v16, v19;
	v9 =	vmovc v13;
	v20 =	vld [tilespmem:s0+$0x10];
	v19 =	vmul.f32 v22, v3  }
0x300: {  	s1 =	sadd.s32 $0x4, s1;
	v13 =	vmul.f32 v18, v17;
	v17 =	vadd.f32 v18, v17;
	v22 =	vld [tilespmem:s0+$0xFFFFFFE0];
	v18 =	vadd.f32 v23, v2;
	v21 =	vpop (erf)  }
0x301: {  	p0 =	slt.u32 s1, $0x26C;
	v27 =	vmul.f32 v12, v3;
	v16 =	vmul.f32 v16, v4;
	v23 =	vld [tilespmem:s2+$0xFFFFFFF0];
	v21 =	vadd.f32 $1.000000000e+00, v21;
	v28 =	vpop (erf)  }
0x302: {  	v15 =	vmul.f32 v15, v4;
	v29 =	vmul.f32 v13, v3;
	v12 =	vld [tilespmem:s0+$0xFFFFFFF0];
	v18 =	vsub.f32 $0.0e+00, v18;
	v30 =	vpop (erf)  }
0x303: {  	v17 =	vmul.f32 v17, v4;
	v16 =	vadd.f32 v16, v27;
	v27 =	vadd.f32 $1.000000000e+00, v28;
	v31 =	vld [tilespmem:s2+$0x0]  }
0x304: {  	v15 =	vadd.f32 v15, v19;
	v19 =	vadd.f32 $1.000000000e+00, v30;
	v13 =	vld [tilespmem:s0+$0x0];
	v18 =	vmul.f32 $1.442695020e+00, v18  }
0x305: {  	v17 =	vadd.f32 v17, v29;
	v30 =	vadd.f32 v16, v2;
	v28 =	vld [tilespmem:s2+$0xFFFFFFE0];
	(erf) = vrcp.f32 v21  }
0x306: {  	v15 =	vadd.f32 v15, v2;
	v21 =	vld.idx.msk [tilespmem:v24+s9+$0x0], $0xffff;
	(erf) = vpow2.f32 v18  }
0x307: {  	v17 =	vadd.f32 v17, v2;
	v18 =	vsub.f32 $0.0e+00, v30;
	v24 =	vld.idx.msk [tilespmem:v20+s9+$0x0], $0xffff;
	(erf) = vrcp.f32 v27;
	v16 =	vpop (erf)  }
0x308: {  	v15 =	vsub.f32 $0.0e+00, v15;
	[tilespmem:v6+s10+$0x0] =	vst.idx.add.f32.msk $0xffff, v16;
	(erf) = vrcp.f32 v19;
	v6 =	vmovc v10;
	v10 =	vmov v20  }
0x309: {  	v17 =	vsub.f32 $0.0e+00, v17;
	v18 =	vmul.f32 $1.442695020e+00, v18;
	v16 =	vld.idx.msk [tilespmem:v22+s9+$0x0], $0xffff  }
0x30a: {  	v15 =	vmul.f32 $1.442695020e+00, v15;
	v27 =	vld.idx.msk [tilespmem:v23+s9+$0x0], $0xffff  }
0x30b: {  	v20 =	vmul.f32 $1.442695020e+00, v17;
	v29 =	vld.idx.msk [tilespmem:v12+s9+$0x0], $0xffff;
	(erf) = vpow2.f32 v18  }
0x30c: {  	v17 =	vld.idx.msk [tilespmem:v31+s9+$0x0], $0xffff;
	(erf) = vpow2.f32 v15  }
.Ltmp2:
0x30d: {  	v19 =	vld.idx.msk [tilespmem:v28+s9+$0x0], $0xffff;
	(erf) = vpow2.f32 v20;
	(pc) =	sbr.rel @p0 .LBB2_6-.Ltmp2, $4  }
0x30e: {  	v15 =	vmul.f32 v24, v21;
	v20 =	vadd.f32 v24, v21;
	v18 =	vld.idx.msk [tilespmem:v13+s9+$0x0], $0xffff;
	v21 =	vpop (erf)  }
0x30f: {  	v24 =	vpop (erf);
	[tilespmem:v7+s10+$0x0] =	vst.idx.add.f32.msk $0xffff, v21;
	v7 =	vmov v11;
	v11 =	vmov v22  }
0x310: {  	v21 =	vmul.f32 v15, v3;
	v23 =	vmul.f32 v20, v4;
	v20 =	vadd.f32 $1.000000000e+00, v24;
	v24 =	vpop (erf);
	[tilespmem:v26+s10+$0x0] =	vst.idx.add.f32.msk $0xffff, v14  }
0x311: {  	s2 =	sadd.s32 $0x40, s2;
	v22 =	vmul.f32 v29, v27;
	v15 =	vadd.f32 v29, v27;
	[tilespmem:v8+s10+$0x0] =	vst.idx.add.f32.msk $0xffff, v24;
	v14 =	vpop (erf);
	v8 =	vmov v25  }
0x312: {  	v24 =	vmul.f32 v16, v19;
	v16 =	vadd.f32 v16, v19;
	v19 =	vadd.f32 v23, v21  }
0x313: {  	v21 =	vmul.f32 v22, v3;
	v23 =	vmul.f32 v18, v17;
	v17 =	vadd.f32 v18, v17  }
0x314: {  	v22 =	vmul.f32 v24, v3;
	v16 =	vmul.f32 v16, v4;
	v18 =	vadd.f32 v19, v2  }
0x315: {  	v15 =	vmul.f32 v15, v4;
	v17 =	vmul.f32 v17, v4  }
0x316: {  	v19 =	vpop (erf);
	v16 =	vadd.f32 v16, v22;
	v22 =	vmul.f32 v23, v3;
	v18 =	vsub.f32 $0.0e+00, v18  }
0x317: {  	v15 =	vadd.f32 v15, v21;
	(erf) = vrcp.f32 v20;
	v19 =	vadd.f32 $1.000000000e+00, v19  }
0x318: {  	v20 =	vpop (erf);
	v16 =	vadd.f32 v16, v2;
	v18 =	vmul.f32 $1.442695020e+00, v18;
	v17 =	vadd.f32 v17, v22  }
0x319: {  	v15 =	vadd.f32 v15, v2;
	v20 =	vadd.f32 $1.000000000e+00, v20;
	v21 =	vpop (erf);
	(erf) = vrcp.f32 v19  }
0x31a: {  	v16 =	vsub.f32 $0.0e+00, v16;
	(erf) = vpow2.f32 v18;
	v17 =	vadd.f32 v17, v2  }
0x31b: {  	v19 =	vadd.f32 $1.000000000e+00, v21;
	v15 =	vsub.f32 $0.0e+00, v15  }
0x31c: {  	(erf) = vrcp.f32 v20;
	v16 =	vmul.f32 $1.442695020e+00, v16;
	v17 =	vsub.f32 $0.0e+00, v17  }
0x31d: {  	v15 =	vmul.f32 $1.442695020e+00, v15;
	(erf) = vrcp.f32 v19  }
0x31e: {  	(erf) = vpow2.f32 v16;
	v16 =	vmul.f32 $1.442695020e+00, v17  }
0x31f: {  	(erf) = vpow2.f32 v15  }
0x320: {  	(erf) = vpow2.f32 v16  }
0x321: {  	v15 =	vpop (erf)  }
0x322: {  	v16 =	vpop (erf)  }
0x323: {  	v17 =	vpop (erf)  }
0x324: {  	v17 =	vadd.f32 $1.000000000e+00, v17  }
0x325: {  	v18 =	vpop (erf)  }
0x326: {  	v19 =	vpop (erf)  }
0x327: {  	v20 =	vpop (erf)  }
0x328: {  	(erf) = vrcp.f32 v17;
	v20 =	vadd.f32 $1.000000000e+00, v20;
	v17 =	vpop (erf)  }
0x329: {  	v21 =	vpop (erf);
	v17 =	vadd.f32 $1.000000000e+00, v17  }
0x32a: {  	(erf) = vrcp.f32 v20;
	v20 =	vadd.f32 $1.000000000e+00, v21  }
0x32b: {  	(erf) = vrcp.f32 v17  }
0x32c: {  	(erf) = vrcp.f32 v20;
	_ =	sdelay $0x1  }
0x32d: {  	[tilespmem:v5+s10+$0x0] =	vst.idx.add.f32.msk $0xffff, v14  }
0x32e: {  	[tilespmem:v6+s10+$0x0] =	vst.idx.add.f32.msk $0xffff, v15  }
0x32f: {  	[tilespmem:v7+s10+$0x0] =	vst.idx.add.f32.msk $0xffff, v16  }
0x330: {  	[tilespmem:v8+s10+$0x0] =	vst.idx.add.f32.msk $0xffff, v18  }
0x331: {  	[tilespmem:v9+s10+$0x0] =	vst.idx.add.f32.msk $0xffff, v19;
	v5 =	vpop (erf)  }
0x332: {  	[tilespmem:v10+s10+$0x0] =	vst.idx.add.f32.msk $0xffff, v5;
	v5 =	vpop (erf)  }
0x333: {  	[tilespmem:v11+s10+$0x0] =	vst.idx.add.f32.msk $0xffff, v5;
	v5 =	vpop (erf)  }
0x334: {  	[tilespmem:v12+s10+$0x0] =	vst.idx.add.f32.msk $0xffff, v5;
	v5 =	vpop (erf)  }
0x335: {  	[tilespmem:v13+s10+$0x0] =	vst.idx.add.f32.msk $0xffff, v5  }
0x336: {  	v5 =	vld [tilespmem:$0xF180]  }
0x337: {  	v6 =	vld [tilespmem:$0x11900];
	_ =	sdelay $0x6  }
0x338: {  	v5 =	vld.idx.msk [tilespmem:v5+s9+$0x0], $0xffff  }
0x339: {  	v7 =	vld.idx.msk [tilespmem:v6+s9+$0x0], $0xffff;
	_ =	sdelay $0x4  }
0x33a: {  	v8 =	vmul.f32 v7, v5;
	v5 =	vadd.f32 v7, v5;
	_ =	sdelay $0x1  }
0x33b: {  	v7 =	vmul.f32 v8, v3;
	v5 =	vmul.f32 v5, v4;
	_ =	sdelay $0x1  }
0x33c: {  	v5 =	vadd.f32 v5, v7;
	_ =	sdelay $0x1  }
0x33d: {  	v5 =	vadd.f32 v5, v2;
	_ =	sdelay $0x1  }
0x33e: {  	v5 =	vsub.f32 $0.0e+00, v5;
	_ =	sdelay $0x1  }
0x33f: {  	v5 =	vmul.f32 $1.442695020e+00, v5;
	_ =	sdelay $0x1  }
0x340: {  	(erf) = vpow2.f32 v5;
	_ =	sdelay $0x8  }
0x341: {  	v5 =	vpop (erf)  }
0x342: {  	v5 =	vadd.f32 $1.000000000e+00, v5;
	_ =	sdelay $0x1  }
0x343: {  	(erf) = vrcp.f32 v5;
	_ =	sdelay $0x3  }
0x344: {  	s7 =	rddreg [dreg:$0x1b]  }
0x345: {  	s4 =	sadd.s32 $0xFFFFFFF0, s7  }
0x346: {  	v21 =	vor.u32 s4, v1;
	_ =	sdelay $0x2  }
0x347: {  	v5 =	vpop (erf)  }
0x348: {  	[tilespmem:v6+s10+$0x0] =	vst.idx.add.f32.msk $0xffff, v5  }
0x349: {  	v5 =	vor.u32 s7, v1;
	v7 =	vld.idx.msk [tilespmem:v21+s9+$0x0], $0xffff  }
0x34a: {  	s0 =	sadd.s32 $0x20, s7  }
0x34b: {  	s3 =	sadd.s32 $0xFFFFFFF0, s0  }
0x34c: {  	v6 =	vor.u32 s3, v1;
	_ =	sdelay $0x1  }
0x34d: {  	v8 =	vld.idx.msk [tilespmem:v5+s9+$0x0], $0xffff;
	v9 =	vmul.f32 v7, v7;
	v7 =	vadd.f32 v7, v7;
	_ =	sdelay $0x1  }
0x34e: {  	v9 =	vmul.f32 v9, v3;
	v10 =	vmul.f32 v7, v4  }
0x34f: {  	v11 =	vld.idx.msk [tilespmem:v6+s9+$0x0], $0xffff  }
0x350: {  	v7 =	vor.u32 s0, v1;
	v9 =	vadd.f32 v10, v9  }
0x351: {  	v10 =	vmul.f32 v8, v8;
	v8 =	vadd.f32 v8, v8  }
0x352: {  	v9 =	vadd.f32 v9, v2  }
0x353: {  	s1 =	sadd.s32 $0x20, s0;
	v10 =	vmul.f32 v10, v3;
	v8 =	vmul.f32 v8, v4  }
0x354: {  	s5 =	sadd.s32 $0xFFFFFFF0, s1;
	v13 =	vmul.f32 v11, v11;
	v9 =	vsub.f32 $0.0e+00, v9  }
0x355: {  	v11 =	vadd.f32 v11, v11;
	v12 =	vld.idx.msk [tilespmem:v7+s9+$0x0], $0xffff;
	v10 =	vadd.f32 v8, v10;
	v8 =	vor.u32 s5, v1  }
0x356: {  	v9 =	vmul.f32 $1.442695020e+00, v9  }
0x357: {  	v13 =	vmul.f32 v13, v3;
	v11 =	vmul.f32 v11, v4;
	v10 =	vadd.f32 v10, v2  }
0x358: {  	(erf) = vpow2.f32 v9;
	v9 =	vor.u32 s1, v1  }
0x359: {  	v11 =	vadd.f32 v11, v13;
	v10 =	vsub.f32 $0.0e+00, v10  }
0x35a: {  	v15 =	vmul.f32 v12, v12;
	v12 =	vadd.f32 v12, v12;
	v14 =	vld.idx.msk [tilespmem:v8+s9+$0x0], $0xffff  }
0x35b: {  	v11 =	vadd.f32 v11, v2;
	v10 =	vmul.f32 $1.442695020e+00, v10  }
0x35c: {  	v13 =	vmul.f32 v15, v3;
	v12 =	vmul.f32 v12, v4  }
0x35d: {  	v11 =	vsub.f32 $0.0e+00, v11;
	(erf) = vpow2.f32 v10;
	v15 =	vld.idx.msk [tilespmem:v9+s9+$0x0], $0xffff  }
0x35e: {  	s2 =	sadd.s32 $0x20, s1;
	v12 =	vadd.f32 v12, v13  }
0x35f: {  	s6 =	sadd.s32 $0xFFFFFFF0, s2;
	v11 =	vmul.f32 $1.442695020e+00, v11;
	v13 =	vmul.f32 v14, v14  }
0x360: {  	v10 =	vor.u32 s6, v1;
	v14 =	vadd.f32 v14, v14;
	v12 =	vadd.f32 v12, v2  }
0x361: {  	(erf) = vpow2.f32 v11;
	v11 =	vor.u32 s2, v1;
	v13 =	vmul.f32 v13, v3  }
0x362: {  	v14 =	vmul.f32 v14, v4;
	v12 =	vsub.f32 $0.0e+00, v12;
	v19 =	vadd.f32 v15, v15  }
0x363: {  	v16 =	vpop (erf);
	v18 =	vmul.f32 v15, v15  }
0x364: {  	v16 =	vadd.f32 $1.000000000e+00, v16;
	v13 =	vadd.f32 v14, v13;
	v12 =	vmul.f32 $1.442695020e+00, v12  }
0x365: {  	v14 =	vmul.f32 v18, v3;
	v18 =	vmul.f32 v19, v4  }
0x366: {  	v23 =	vmov s7;
	v20 =	vld.idx.msk [tilespmem:v10+s9+$0x0], $0xffff;
	(erf) = vrcp.f32 v16;
	v22 =	vadd.f32 v13, v2;
	v19 =	vpop (erf)  }
0x367: {  	(erf) = vpow2.f32 v12;
	v14 =	vadd.f32 v18, v14;
	v18 =	vld.idx.msk [tilespmem:v11+s9+$0x0], $0xffff;
	v19 =	vadd.f32 $1.000000000e+00, v19  }
0x368: {  	v17 =	vmov s4;
	v15 =	vmov s3;
	s3 =	sadd.s32 $0x20, s2;
	v22 =	vsub.f32 $0.0e+00, v22  }
0x369: {  	vm0 =	vlt.u32 v23, $0x2710;
	vm1 =	vlt.u32 v17, $0x2710;
	s31 =	sadd.s32 $0xFFFFFFF0, s3;
	(erf) = vrcp.f32 v19  }
0x36a: {  	v12 =	vor.u32 s31, v1;
	v63 =	vpop (erf);
	v14 =	vadd.f32 v14, v2;
	v22 =	vmul.f32 $1.442695020e+00, v22  }
0x36b: {  	v24 =	vadd.f32 $1.000000000e+00, v63;
	v19 =	vmul.f32 v20, v20;
	v20 =	vadd.f32 v20, v20  }
0x36c: {  	v25 =	vsub.f32 $0.0e+00, v14;
	(erf) = vpow2.f32 v22;
	v22 =	vmul.f32 v18, v18  }
0x36d: {  	v14 =	vor.u32 s3, v1;
	v19 =	vmul.f32 v19, v3;
	v20 =	vmul.f32 v20, v4  }
0x36e: {  	v16 =	vmov s5;
	v13 =	vmov s6;
	v26 =	vadd.f32 v18, v18  }
0x36f: {  	(erf) = vrcp.f32 v24;
	v18 =	vld.idx.msk [tilespmem:v12+s9+$0x0], $0xffff;
	v25 =	vmul.f32 $1.442695020e+00, v25;
	v27 =	vpop (erf);
	v28 =	vadd.f32 v20, v19  }
0x370: {  	v17 =	vmov s31;
	v19 =	vmul.f32 v22, v3;
	v20 =	vmul.f32 v26, v4;
	v22 =	vpop (erf)  }
0x371: {  	s4 =	simm.s32 $0x8;
	s5 =	sadd.s32 $0x20, s3;
	[tilespmem:v21+s10+$0x0] =	vst.idx.add.f32.msk vm1, v27;
	(erf) = vpow2.f32 v25;
	v21 =	vadd.f32 v28, v2;
	v22 =	vadd.f32 $1.000000000e+00, v22  }
.LBB2_8:
0x372: {  	s6 =	sadd.s32 $0xFFFFFFF0, s5;
	s4 =	sadd.s32 $0x2, s4;
	v23 =	vld.idx.msk [tilespmem:v14+s9+$0x0], $0xffff;
	v19 =	vadd.f32 v20, v19;
	vm1 =	vlt.u32 v15, $0x2710;
	v20 =	vpop (erf);
	v15 =	vmov v16  }
0x373: {  	v16 =	vmovc v13;
	v13 =	vmovc v17;
	v24 =	vor.u32 s6, v1;
	p0 =	slt.u32 s4, $0x12;
	v21 =	vsub.f32 $0.0e+00, v21;
	(erf) = vrcp.f32 v22  }
0x374: {  	v22 =	vmul.f32 v18, v18;
	v18 =	vadd.f32 v18, v18;
	v19 =	vadd.f32 v19, v2  }
0x375: {  	v25 =	vmov s0;
	s0 =	smov.u32 s1;
	s1 =	smov.u32 s2;
	s2 =	smov.u32 s3;
	v17 =	vmov s6;
	v21 =	vmul.f32 $1.442695020e+00, v21;
	[tilespmem:v5+s10+$0x0] =	vst.idx.add.f32.msk vm0, v20;
	v5 =	vmovc v7;
	v7 =	vmovc v9  }
0x376: {  	s3 =	smov.u32 s5;
	v20 =	vmul.f32 v22, v3;
	v22 =	vmul.f32 v18, v4;
	v19 =	vsub.f32 $0.0e+00, v19;
	v9 =	vpop (erf)  }
.Ltmp3:
0x377: {  	(erf) = vpow2.f32 v21;
	v21 =	vadd.f32 $1.000000000e+00, v9;
	v9 =	vmovc v11;
	v11 =	vmovc v14;
	v14 =	vor.u32 s5, v1;
	(pc) =	sbr.rel @p0 .LBB2_8-.Ltmp3, $4  }
0x378: {  	vm0 =	vlt.u32 v25, $0x2710;
	v26 =	vmul.f32 v23, v23;
	v28 =	vadd.f32 v23, v23;
	v18 =	vld.idx.msk [tilespmem:v24+s9+$0x0], $0xffff;
	v25 =	vpop (erf)  }
0x379: {  	v22 =	vadd.f32 v22, v20;
	v27 =	vmul.f32 $1.442695020e+00, v19;
	(erf) = vrcp.f32 v21;
	[tilespmem:v6+s10+$0x0] =	vst.idx.add.f32.msk vm1, v25;
	v6 =	vmovc v8  }
0x37a: {  	v19 =	vmul.f32 v26, v3;
	v20 =	vmul.f32 v28, v4;
	v8 =	vmov v10;
	v23 =	vpop (erf)  }
0x37b: {  	s5 =	sadd.s32 $0x20, s5;
	v21 =	vadd.f32 v22, v2;
	v10 =	vmovc v12;
	v12 =	vmovc v24;
	(erf) = vpow2.f32 v27;
	v22 =	vadd.f32 $1.000000000e+00, v23  }
0x37c: {  	_ =	sdelay $0x3  }
0x37d: {  	v23 =	vld.idx.msk [tilespmem:v14+s9+$0x0], $0xffff;
	v21 =	vsub.f32 $0.0e+00, v21;
	_ =	sdelay $0x1  }
0x37e: {  	v24 =	vmul.f32 v18, v18;
	v21 =	vmul.f32 $1.442695020e+00, v21  }
0x37f: {  	(erf) = vrcp.f32 v22;
	v46 =	vadd.f32 v18, v18  }
0x380: {  	v19 =	vadd.f32 v20, v19;
	v47 =	vmul.f32 v24, v3;
	(erf) = vpow2.f32 v21  }
0x381: {  	v18 =	vmul.f32 v46, v4;
	v48 =	vmul.f32 v23, v23;
	v49 =	vadd.f32 v23, v23  }
0x382: {  	v19 =	vadd.f32 v19, v2  }
0x383: {  	v18 =	vadd.f32 v18, v47;
	v3 =	vmul.f32 v48, v3;
	v50 =	vmul.f32 v49, v4  }
0x384: {  	v51 =	vpop (erf);
	v19 =	vsub.f32 $0.0e+00, v19  }
0x385: {  	v52 =	vpop (erf);
	v18 =	vadd.f32 v18, v2;
	v3 =	vadd.f32 v50, v3  }
0x386: {  	v53 =	vadd.f32 $1.000000000e+00, v52;
	v54 =	vpop (erf)  }
0x387: {  	v19 =	vmul.f32 $1.442695020e+00, v19;
	v55 =	vpop (erf);
	v18 =	vsub.f32 $0.0e+00, v18;
	v2 =	vadd.f32 v3, v2  }
0x388: {  	(erf) = vrcp.f32 v53;
	v56 =	vpop (erf);
	v3 =	vadd.f32 $1.000000000e+00, v55  }
0x389: {  	(erf) = vpow2.f32 v19;
	v18 =	vmul.f32 $1.442695020e+00, v18;
	v2 =	vsub.f32 $0.0e+00, v2;
	v57 =	vpop (erf)  }
0x38a: {  	(erf) = vrcp.f32 v3;
	v3 =	vadd.f32 $1.000000000e+00, v57  }
0x38b: {  	(erf) = vpow2.f32 v18;
	v2 =	vmul.f32 $1.442695020e+00, v2  }
0x38c: {  	(erf) = vrcp.f32 v3  }
0x38d: {  	(erf) = vpow2.f32 v2;
	_ =	sdelay $0x3  }
0x38e: {  	v2 =	vpop (erf)  }
0x38f: {  	v3 =	vpop (erf)  }
0x390: {  	v58 =	vpop (erf)  }
0x391: {  	v59 =	vpop (erf)  }
0x392: {  	v3 =	vadd.f32 $1.000000000e+00, v3;
	v60 =	vpop (erf)  }
0x393: {  	vm1 =	vlt.u32 v15, $0x2710;
	v61 =	vmov s0;
	v19 =	vadd.f32 $1.000000000e+00, v59;
	v62 =	vpop (erf)  }
0x394: {  	vm2 =	vlt.u32 v61, $0x2710;
	(erf) = vrcp.f32 v3;
	v3 =	vadd.f32 $1.000000000e+00, v62  }
0x395: {  	vm3 =	vlt.u32 v16, $0x2710;
	v63 =	vmov s1;
	(erf) = vrcp.f32 v19  }
0x396: {  	vm4 =	vlt.u32 v63, $0x2710;
	(erf) = vrcp.f32 v3  }
0x397: {  	vm5 =	vlt.u32 v13, $0x2710;
	v3 =	vmov s2  }
0x398: {  	[tilespmem:v5+s10+$0x0] =	vst.idx.add.f32.msk vm0, v51;
	vm13 =	vlt.u32 v3, $0x2710  }
0x399: {  	vm14 =	vlt.u32 v17, $0x2710;
	[tilespmem:v6+s10+$0x0] =	vst.idx.add.f32.msk vm1, v54;
	v3 =	vmov s3  }
0x39a: {  	[tilespmem:v7+s10+$0x0] =	vst.idx.add.f32.msk vm2, v56;
	vm15 =	vlt.u32 v3, $0x2710  }
0x39b: {  	[tilespmem:v8+s10+$0x0] =	vst.idx.add.f32.msk vm3, v2  }
0x39c: {  	[tilespmem:v9+s10+$0x0] =	vst.idx.add.f32.msk vm4, v58  }
0x39d: {  	[tilespmem:v10+s10+$0x0] =	vst.idx.add.f32.msk vm5, v60;
	v2 =	vpop (erf)  }
0x39e: {  	[tilespmem:v11+s10+$0x0] =	vst.idx.add.f32.msk vm13, v2;
	v2 =	vpop (erf)  }
0x39f: {  	[tilespmem:v12+s10+$0x0] =	vst.idx.add.f32.msk vm14, v2;
	v2 =	vpop (erf)  }
0x3a0: {  	[tilespmem:v14+s10+$0x0] =	vst.idx.add.f32.msk vm15, v2  }
0x3a1: {  	s28 =	simm.s32 $0x80;
	s29 =	simm.s32 $0x400;
	s26 =	rddreg [dreg:$0x19]  }
0x3a2: {  	[hbm4b:s26+s28] =	stream.strided.scatter [tilespmem:s10], [sflag:$0x4], $0x2800, s29, s28, $0x38;
	[tilespmem:$0x14500] =	vst v63  }
0x3a3: {  	_ =	swait.ge [sflag:s8], $0x2800  }
0x3a4: {  	s30 =	rddreg [dreg:$0x1c]  }
0x3a5: {  	s31 =	rddreg [dreg:$0x1a];
	s1 =	sadd.s32 $0x1, s30  }
0x3a6: {  	p0 =	sne.s32 s1, s31  }
.Ltmp4:
0x3a7: {  	_ = 	snop;
	(pc) =	sbr.rel @p0 .LBB2_1-.Ltmp4, $3  }
0x3a8: {  	_ =	sdelay $0x1  }
0x3a9: {  	[sflag:s8] =	ssyncset.done $0x0  }
0x3aa: {  	[sflag:s8] =	ssyncadd.s32 $0xFFFFD800  }
0x3ab: {  	_ =	sfence.sel $0x180000  }
0x3ac: {  	[bflag:$0x0] =	sbarrier.arrive $0xFFFF  }
0x3ad: {  	_ =	strace $0x9000004A  }
0x3ae: {  	s0 =	stileid.u32;
	[bflag:$0x2] =	sbarrier.arrive $0xFFFF  }
0x3af: {  	p0 =	sne.s32 s0, $0x0;
	s0 =	rddreg [dreg:$0x4]  }
0x3b0: {  	s0 =	sadd.s32 @!p0 $0x100000, s0  }
0x3b1: {  	[sflag:s0] =	ssyncadd.tile.s32 @!p0 $0x1;
	_ =	shalt  }
.Lfunc_end2:
_tile_overlayer_lowered:
.L_overlay_start_2:
0x3b2: {  	(tag) =	ssettag $0x2  }
0x3b3: {  	s0 =	rddreg [dreg:$0x0];
	s2 =	stileid.u32  }
0x3b4: {  	s1 =	rddreg [dreg:$0x1];
	p0 =	sne.s32 s2, $0x0  }
0x3b5: {  	s3 =	rddreg [dreg:$0x2];
	[bflag:$0x3] =	sbarrier.arrive $0xFFFF;
	s2 =	simm.s32 @!p0 $0x1C04  }
0x3b6: {  	[timem:s3], [sflag:s2] =	dma.local @!p0 [hbm:s0], s1  }
0x3b7: {  	s0 =	simm.s32 @!p0 $0x4  }
0x3b8: {  	_ =	swait.ge @!p0 [sflag:s0], s1  }
0x3b9: {  	s1 =	ssub.s32 @!p0 $0x0, s1;
	[sflag:s0] =	ssyncset.done @!p0 $0x0  }
0x3ba: {  	[sflag:s0] =	ssyncadd.s32 @!p0 s1  }
0x3bb: {  	[bflag:$0x3] =	sbarrier.arrive $0xFFFF  }
0x3bc: {  	_ =	shalt  }

</sc_bundles>
